<compile_context>
chip_gen: v7x
topology: tpu7x:2x2x1
jax: 0.10.2.dev20260603
libtpu: 0.0.44.dev20260713+nightly
codegen_flags: <defaults>
</compile_context>

<pallas_src>
import functools

import jax
import jax.numpy as jnp
from jax import lax
from jax.experimental import pallas as pl
from jax.experimental.pallas import tpu as pltpu
from jax.experimental.pallas import tpu_sc as plsc

N = 10000
D = 128
E = 320000

NC = 2
NS = 16
NW = NC * NS

EREAL = E // NW
NACC = 10016
RPT = NACC // NS


def _make_agg(do_deg):
    CH = 64
    CPW = 158
    EPW = CPW * CH
    mesh = plsc.VectorSubcoreMesh(core_axis_name="c", subcore_axis_name="s")
    out_type = [jax.ShapeDtypeStruct((NC, NACC, D), jnp.float32)]
    scratch = [
        pltpu.VMEM((EPW,), jnp.int32),
        pltpu.VMEM((EPW,), jnp.int32),
        pltpu.VMEM((CH, D), jnp.float32),
        pltpu.VMEM((CH, D), jnp.float32),
        pltpu.VMEM_SHARED((NACC, D), jnp.float32),
        pltpu.SemaphoreType.DMA,
        pltpu.SemaphoreType.DMA,
    ]
    if do_deg:
        out_type.append(jax.ShapeDtypeStruct((NC, NACC, 16), jnp.float32))
        scratch += [
            pltpu.VMEM((CH, 16), jnp.float32),
            pltpu.VMEM((CH, 16), jnp.float32),
            pltpu.VMEM_SHARED((NACC, 16), jnp.float32),
        ]

    @functools.partial(
        pl.kernel, mesh=mesh, out_type=out_type, scratch_types=scratch,
        compiler_params=pltpu.CompilerParams(use_tc_tiling_on_sc=False))
    def agg(*refs):
        if do_deg:
            (x_hbm, ei_hbm,
             agg_out, deg_out, src_v, dst_v, rows0, rows1, acc_sh, sem0, sem1,
             ones_v, zd_v, deg_sh) = refs
        else:
            (x_hbm, ei_hbm,
             agg_out, src_v, dst_v, rows0, rows1, acc_sh, sem0, sem1) = refs
        c = lax.axis_index("c")
        s = lax.axis_index("s")
        wid = c * NS + s

        z16 = jnp.zeros((16,), jnp.float32)
        o16 = jnp.ones((16,), jnp.float32)

        def fill(i, carry):
            for j in range(D // 16):
                rows0[i, pl.ds(j * 16, 16)] = z16
            if do_deg:
                ones_v[i, :] = o16
                zd_v[i, :] = z16
            return carry

        lax.fori_loop(0, CH, fill, 0)

        z16i = jnp.zeros((16,), jnp.int32)
        dummy16 = N + jax.lax.iota(jnp.int32, 16)
        for k in range((EPW - EREAL) // 16):
            src_v[pl.ds(EREAL + k * 16, 16)] = z16i
            dst_v[pl.ds(EREAL + k * 16, 16)] = dummy16

        nfull = RPT // CH
        rem = RPT - nfull * CH
        for k in range(nfull):
            pltpu.sync_copy(rows0, acc_sh.at[pl.ds(s * RPT + k * CH, CH)])
        pltpu.sync_copy(rows0.at[pl.ds(0, rem)],
                        acc_sh.at[pl.ds(s * RPT + nfull * CH, rem)])
        if do_deg:
            for k in range(nfull):
                pltpu.sync_copy(zd_v, deg_sh.at[pl.ds(s * RPT + k * CH, CH)])
            pltpu.sync_copy(zd_v.at[pl.ds(0, rem)],
                            deg_sh.at[pl.ds(s * RPT + nfull * CH, rem)])
        pltpu.sync_copy(ei_hbm.at[0, pl.ds(wid * EREAL, EREAL)],
                        src_v.at[pl.ds(0, EREAL)])
        pltpu.sync_copy(ei_hbm.at[1, pl.ds(wid * EREAL, EREAL)],
                        dst_v.at[pl.ds(0, EREAL)])
        plsc.subcore_barrier()

        def idx(j):
            return pl.ds(j * CH, CH)

        def scat(buf, j):
            pltpu.sync_copy(buf, acc_sh.at[dst_v.at[idx(j)]], add=True)
            if do_deg:
                pltpu.sync_copy(ones_v, deg_sh.at[dst_v.at[idx(j)]], add=True)

        pltpu.async_copy(x_hbm.at[src_v.at[idx(0)]], rows0, sem0)

        def body(g, carry):
            j0 = 2 * g
            pltpu.async_copy(x_hbm.at[src_v.at[idx(j0 + 1)]], rows1, sem1)
            pltpu.make_async_copy(x_hbm.at[src_v.at[idx(j0)]], rows0, sem0).wait()
            scat(rows0, j0)
            pltpu.async_copy(x_hbm.at[src_v.at[idx(j0 + 2)]], rows0, sem0)
            pltpu.make_async_copy(x_hbm.at[src_v.at[idx(j0 + 1)]], rows1, sem1).wait()
            scat(rows1, j0 + 1)
            return carry

        lax.fori_loop(0, (CPW - 2) // 2, body, 0)
        pltpu.async_copy(x_hbm.at[src_v.at[idx(CPW - 1)]], rows1, sem1)
        pltpu.make_async_copy(x_hbm.at[src_v.at[idx(CPW - 2)]], rows0, sem0).wait()
        scat(rows0, CPW - 2)
        pltpu.make_async_copy(x_hbm.at[src_v.at[idx(CPW - 1)]], rows1, sem1).wait()
        scat(rows1, CPW - 1)
        plsc.subcore_barrier()

        ob = s * RPT
        pltpu.sync_copy(acc_sh.at[pl.ds(ob, RPT)], agg_out.at[c, pl.ds(ob, RPT)])
        if do_deg:
            pltpu.sync_copy(deg_sh.at[pl.ds(ob, RPT)], deg_out.at[c, pl.ds(ob, RPT)])

    return agg


_agg_with_deg = _make_agg(True)
_agg_no_deg = _make_agg(False)

_BN = 1000


def _self_body(x_ref, wr_ref, bl_ref, o_ref):
    o_ref[...] = (jnp.dot(x_ref[...], wr_ref[...],
                          preferred_element_type=jnp.float32) + bl_ref[...])


def _self(x, WrT, bl):
    return pl.pallas_call(
        _self_body,
        grid=(N // _BN,),
        in_specs=[
            pl.BlockSpec((_BN, D), lambda i: (i, 0)),
            pl.BlockSpec((D, D), lambda i: (0, 0)),
            pl.BlockSpec((1, D), lambda i: (0, 0)),
        ],
        out_specs=pl.BlockSpec((_BN, D), lambda i: (i, 0)),
        out_shape=jax.ShapeDtypeStruct((N, D), jnp.float32),
    )(x, WrT, bl)


def _comb_body(relu, agg_ref, deg_ref, s_ref, wl_ref, o_ref):
    agg = agg_ref[0] + agg_ref[1]
    deg = deg_ref[0, :, 0:1] + deg_ref[1, :, 0:1]
    mean = agg / jnp.maximum(deg, 1.0)
    y = jnp.dot(mean, wl_ref[...], preferred_element_type=jnp.float32) + s_ref[...]
    o_ref[...] = jnp.maximum(y, 0.0) if relu else y


def _comb(aggp, degp, s, WlT, relu):
    return pl.pallas_call(
        functools.partial(_comb_body, relu),
        grid=(N // _BN,),
        in_specs=[
            pl.BlockSpec((NC, _BN, D), lambda i: (0, i, 0)),
            pl.BlockSpec((NC, _BN, 16), lambda i: (0, i, 0)),
            pl.BlockSpec((_BN, D), lambda i: (i, 0)),
            pl.BlockSpec((D, D), lambda i: (0, 0)),
        ],
        out_specs=pl.BlockSpec((_BN, D), lambda i: (i, 0)),
        out_shape=jax.ShapeDtypeStruct((N, D), jnp.float32),
    )(aggp, degp, s, WlT)


def kernel(x, edge_index, Wl1, bl1, Wr1, Wl2, bl2, Wr2):
    s1 = _self(x, Wr1.T, bl1.reshape(1, D))
    agg1, deg = _agg_with_deg(x, edge_index)
    h1 = _comb(agg1, deg, s1, Wl1.T, relu=True)
    s2 = _self(h1, Wr2.T, bl2.reshape(1, D))
    (agg2,) = _agg_no_deg(h1, edge_index)
    out = _comb(agg2, deg, s2, Wl2.T, relu=False)
    return out

# --- scband reference (transcript-rebuilt; emitter-appended) ---
"""Pipeline reference for scband-sage-one-hot2-42150809043596 (READ-ONLY COPY).

The authoritative reference and input builder live on the scoring server;
editing this copy changes nothing except your own understanding.
"""

import jax, jax.numpy as jnp
import numpy as np

N = 10000
E = 320000
D = 128
H = 128


def setup_inputs(seed: int = 0) -> dict:
    key = jax.random.key(seed)
    ks = jax.random.split(key, 9)
    x = jax.random.normal(ks[0], (N, D), dtype=jnp.float32)
    edge_index = jax.random.randint(ks[1], (2, E), 0, N, dtype=jnp.int32)
    s1 = 1.0 / np.sqrt(D)
    s2 = 1.0 / np.sqrt(H)
    Wl1 = jax.random.uniform(ks[2], (H, D), minval=-s1, maxval=s1, dtype=jnp.float32)
    bl1 = jax.random.uniform(ks[3], (H,), minval=-s1, maxval=s1, dtype=jnp.float32)
    Wr1 = jax.random.uniform(ks[4], (H, D), minval=-s1, maxval=s1, dtype=jnp.float32)
    Wl2 = jax.random.uniform(ks[5], (H, H), minval=-s2, maxval=s2, dtype=jnp.float32)
    bl2 = jax.random.uniform(ks[6], (H,), minval=-s2, maxval=s2, dtype=jnp.float32)
    Wr2 = jax.random.uniform(ks[7], (H, H), minval=-s2, maxval=s2, dtype=jnp.float32)
    return {"x": x, "edge_index": edge_index, "Wl1": Wl1, "bl1": bl1, "Wr1": Wr1, "Wl2": Wl2, "bl2": bl2, "Wr2": Wr2}


def sage_conv(x, edge_index, Wl, bl, Wr):
    # PyG-style SAGEConv with mean aggregation:
    # out = lin_l(mean_{j in N(i)} x_j) + lin_r(x_i)
    src = edge_index[0]
    dst = edge_index[1]
    msgs = jnp.take(x, src, axis=0)                                  # gather
    agg_sum = jax.ops.segment_sum(msgs, dst, num_segments=N)         # scatter-add
    deg = jax.ops.segment_sum(jnp.ones((E,), dtype=x.dtype), dst, num_segments=N)
    agg_mean = agg_sum / jnp.maximum(deg, 1.0)[:, None]
    return agg_mean @ Wl.T + bl + x @ Wr.T


def reference(x, edge_index, Wl1, bl1, Wr1, Wl2, bl2, Wr2):
    h = x.reshape(x.shape[0], -1)
    h = sage_conv(h, edge_index, Wl1, bl1, Wr1)
    h = jax.nn.relu(h)
    out = sage_conv(h, edge_index, Wl2, bl2, Wr2)
    return out

if __name__ == "__main__":
    import jax
    _d = setup_inputs()
    print(jax.jit(kernel)(*tuple(_d.values())))

</pallas_src>

<mosaic_0001>
#map = affine_map<(d0, d1) -> (0, 0)>
#map1 = affine_map<(d0, d1) -> (0, 0, 0)>
module attributes {stable_mosaic.version = 14 : i64} {
  func.func @agg(%arg0: i32, %arg1: i32, %arg2: memref<10000x128xf32, #tpu.memory_space<hbm>>, %arg3: memref<2x320000xi32, #tpu.memory_space<hbm>>, %arg4: memref<2x10016x128xf32, #tpu.memory_space<hbm>>, %arg5: memref<2x10016x16xf32, #tpu.memory_space<hbm>>, %arg6: memref<10112xi32, #tpu.memory_space<vmem>>, %arg7: memref<10112xi32, #tpu.memory_space<vmem>>, %arg8: memref<64x128xf32, #tpu.memory_space<vmem>>, %arg9: memref<64x128xf32, #tpu.memory_space<vmem>>, %arg10: memref<10016x128xf32, #tpu.memory_space<vmem_shared>>, %arg11: memref<!tpu.dma_semaphore, #tpu.memory_space<semaphore_mem>>, %arg12: memref<!tpu.dma_semaphore, #tpu.memory_space<semaphore_mem>>, %arg13: memref<64x16xf32, #tpu.memory_space<vmem>>, %arg14: memref<64x16xf32, #tpu.memory_space<vmem>>, %arg15: memref<10016x16xf32, #tpu.memory_space<vmem_shared>>) attributes {dimension_semantics = [#tpu.dimension_semantics<core_parallel>, #tpu.dimension_semantics<subcore_parallel>], iteration_bounds = array<i64: 2, 16>, scalar_prefetch = 0 : i64, scratch_operands = 10 : i64, tpu.core_type = #tpu.core_type<sc_vector_subcore>, window_params = [{transform_indices = #map}, {transform_indices = #map}, {transform_indices = #map1}, {transform_indices = #map1}]} {
    %mul3A = arith.constant 16 : i32
    %mul3A_0 = arith.muli %arg0, %mul3A : i32
    %add3A = arith.addi %mul3A_0, %arg1 : i32
    %broadcast_in_dim3A = arith.constant 0.000000e+00 : f32
    %broadcast_in_dim3A_1 = vector.broadcast %broadcast_in_dim3A : f32 to vector<16xf32>
    %broadcast_in_dim3A_2 = arith.constant 1.000000e+00 : f32
    %broadcast_in_dim3A_3 = vector.broadcast %broadcast_in_dim3A_2 : f32 to vector<16xf32>
    %scan3A = arith.constant 0 : i32
    %scan3A_4 = arith.constant 0 : i32
    %scan3A_5 = arith.constant 64 : i32
    %scan3A_6 = arith.addi %scan3A_4, %scan3A_5 : i32
    %scan3A_7 = arith.constant 1 : i32
    scf.for %scan3A_181 = %scan3A_4 to %scan3A_6 step %scan3A_7  : i32 {
      %swap3A_182 = arith.index_cast %scan3A_181 : i32 to index
      %swap3A_183 = arith.constant 0 : index
      %swap3A_184 = tpu.vector_load %arg8[%swap3A_182, %swap3A_183] {strides = array<i32>} : memref<64x128xf32, #tpu.memory_space<vmem>>, vector<1x16xf32>,
      %swap3A_185 = vector.shape_cast %swap3A_184 : vector<1x16xf32> to vector<16xf32>
      %swap3A_186 = vector.shape_cast %broadcast_in_dim3A_1 : vector<16xf32> to vector<1x16xf32>
      tpu.vector_store %arg8[%swap3A_182, %swap3A_183], %swap3A_186 {strides = array<i32>} : memref<64x128xf32, #tpu.memory_space<vmem>>, vector<1x16xf32>,
      %swap3A_187 = arith.index_cast %scan3A_181 : i32 to index
      %swap3A_188 = arith.constant 16 : index
      %swap3A_189 = tpu.vector_load %arg8[%swap3A_187, %swap3A_188] {strides = array<i32>} : memref<64x128xf32, #tpu.memory_space<vmem>>, vector<1x16xf32>,
      %swap3A_190 = vector.shape_cast %swap3A_189 : vector<1x16xf32> to vector<16xf32>
      %swap3A_191 = vector.shape_cast %broadcast_in_dim3A_1 : vector<16xf32> to vector<1x16xf32>
      tpu.vector_store %arg8[%swap3A_187, %swap3A_188], %swap3A_191 {strides = array<i32>} : memref<64x128xf32, #tpu.memory_space<vmem>>, vector<1x16xf32>,
      %swap3A_192 = arith.index_cast %scan3A_181 : i32 to index
      %swap3A_193 = arith.constant 32 : index
      %swap3A_194 = tpu.vector_load %arg8[%swap3A_192, %swap3A_193] {strides = array<i32>} : memref<64x128xf32, #tpu.memory_space<vmem>>, vector<1x16xf32>,
      %swap3A_195 = vector.shape_cast %swap3A_194 : vector<1x16xf32> to vector<16xf32>
      %swap3A_196 = vector.shape_cast %broadcast_in_dim3A_1 : vector<16xf32> to vector<1x16xf32>
      tpu.vector_store %arg8[%swap3A_192, %swap3A_193], %swap3A_196 {strides = array<i32>} : memref<64x128xf32, #tpu.memory_space<vmem>>, vector<1x16xf32>,
      %swap3A_197 = arith.index_cast %scan3A_181 : i32 to index
      %swap3A_198 = arith.constant 48 : index
      %swap3A_199 = tpu.vector_load %arg8[%swap3A_197, %swap3A_198] {strides = array<i32>} : memref<64x128xf32, #tpu.memory_space<vmem>>, vector<1x16xf32>,
      %swap3A_200 = vector.shape_cast %swap3A_199 : vector<1x16xf32> to vector<16xf32>
      %swap3A_201 = vector.shape_cast %broadcast_in_dim3A_1 : vector<16xf32> to vector<1x16xf32>
      tpu.vector_store %arg8[%swap3A_197, %swap3A_198], %swap3A_201 {strides = array<i32>} : memref<64x128xf32, #tpu.memory_space<vmem>>, vector<1x16xf32>,
      %swap3A_202 = arith.index_cast %scan3A_181 : i32 to index
      %swap3A_203 = arith.constant 64 : index
      %swap3A_204 = tpu.vector_load %arg8[%swap3A_202, %swap3A_203] {strides = array<i32>} : memref<64x128xf32, #tpu.memory_space<vmem>>, vector<1x16xf32>,
      %swap3A_205 = vector.shape_cast %swap3A_204 : vector<1x16xf32> to vector<16xf32>
      %swap3A_206 = vector.shape_cast %broadcast_in_dim3A_1 : vector<16xf32> to vector<1x16xf32>
      tpu.vector_store %arg8[%swap3A_202, %swap3A_203], %swap3A_206 {strides = array<i32>} : memref<64x128xf32, #tpu.memory_space<vmem>>, vector<1x16xf32>,
      %swap3A_207 = arith.index_cast %scan3A_181 : i32 to index
      %swap3A_208 = arith.constant 80 : index
      %swap3A_209 = tpu.vector_load %arg8[%swap3A_207, %swap3A_208] {strides = array<i32>} : memref<64x128xf32, #tpu.memory_space<vmem>>, vector<1x16xf32>,
      %swap3A_210 = vector.shape_cast %swap3A_209 : vector<1x16xf32> to vector<16xf32>
      %swap3A_211 = vector.shape_cast %broadcast_in_dim3A_1 : vector<16xf32> to vector<1x16xf32>
      tpu.vector_store %arg8[%swap3A_207, %swap3A_208], %swap3A_211 {strides = array<i32>} : memref<64x128xf32, #tpu.memory_space<vmem>>, vector<1x16xf32>,
      %swap3A_212 = arith.index_cast %scan3A_181 : i32 to index
      %swap3A_213 = arith.constant 96 : index
      %swap3A_214 = tpu.vector_load %arg8[%swap3A_212, %swap3A_213] {strides = array<i32>} : memref<64x128xf32, #tpu.memory_space<vmem>>, vector<1x16xf32>,
      %swap3A_215 = vector.shape_cast %swap3A_214 : vector<1x16xf32> to vector<16xf32>
      %swap3A_216 = vector.shape_cast %broadcast_in_dim3A_1 : vector<16xf32> to vector<1x16xf32>
      tpu.vector_store %arg8[%swap3A_212, %swap3A_213], %swap3A_216 {strides = array<i32>} : memref<64x128xf32, #tpu.memory_space<vmem>>, vector<1x16xf32>,
      %swap3A_217 = arith.index_cast %scan3A_181 : i32 to index
      %swap3A_218 = arith.constant 112 : index
      %swap3A_219 = tpu.vector_load %arg8[%swap3A_217, %swap3A_218] {strides = array<i32>} : memref<64x128xf32, #tpu.memory_space<vmem>>, vector<1x16xf32>,
      %swap3A_220 = vector.shape_cast %swap3A_219 : vector<1x16xf32> to vector<16xf32>
      %swap3A_221 = vector.shape_cast %broadcast_in_dim3A_1 : vector<16xf32> to vector<1x16xf32>
      tpu.vector_store %arg8[%swap3A_217, %swap3A_218], %swap3A_221 {strides = array<i32>} : memref<64x128xf32, #tpu.memory_space<vmem>>, vector<1x16xf32>,
      %swap3A_222 = arith.index_cast %scan3A_181 : i32 to index
      %swap3A_223 = arith.constant 0 : index
      %swap3A_224 = tpu.vector_load %arg13[%swap3A_222, %swap3A_223] {strides = array<i32>} : memref<64x16xf32, #tpu.memory_space<vmem>>, vector<1x16xf32>,
      %swap3A_225 = vector.shape_cast %swap3A_224 : vector<1x16xf32> to vector<16xf32>
      %swap3A_226 = vector.shape_cast %broadcast_in_dim3A_3 : vector<16xf32> to vector<1x16xf32>
      tpu.vector_store %arg13[%swap3A_222, %swap3A_223], %swap3A_226 {strides = array<i32>} : memref<64x16xf32, #tpu.memory_space<vmem>>, vector<1x16xf32>,
      %swap3A_227 = arith.index_cast %scan3A_181 : i32 to index
      %swap3A_228 = arith.constant 0 : index
      %swap3A_229 = tpu.vector_load %arg14[%swap3A_227, %swap3A_228] {strides = array<i32>} : memref<64x16xf32, #tpu.memory_space<vmem>>, vector<1x16xf32>,
      %swap3A_230 = vector.shape_cast %swap3A_229 : vector<1x16xf32> to vector<16xf32>
      %swap3A_231 = vector.shape_cast %broadcast_in_dim3A_1 : vector<16xf32> to vector<1x16xf32>
      tpu.vector_store %arg14[%swap3A_227, %swap3A_228], %swap3A_231 {strides = array<i32>} : memref<64x16xf32, #tpu.memory_space<vmem>>, vector<1x16xf32>,
    }
    %scan3A_8 = arith.constant 64 : i32
    %broadcast_in_dim3A_9 = arith.constant 0 : i32
    %broadcast_in_dim3A_10 = vector.broadcast %broadcast_in_dim3A_9 : i32 to vector<16xi32>
    %iota3A = tpu.iota {dimensions = array<i32: 0>} : vector<16xi32>
    %add3A_11 = arith.constant 10000 : i32
    %add3A_12 = vector.broadcast %add3A_11 : i32 to vector<16xi32>
    %add3A_13 = arith.addi %add3A_12, %iota3A : vector<16xi32>
    %swap3A = arith.constant 10000 : index
    %swap3A_14 = tpu.vector_load %arg6[%swap3A] {strides = array<i32>} : memref<10112xi32, #tpu.memory_space<vmem>>, vector<16xi32>,
    %swap3A_15 = vector.shape_cast %swap3A_14 : vector<16xi32> to vector<16xi32>
    %swap3A_16 = vector.shape_cast %broadcast_in_dim3A_10 : vector<16xi32> to vector<16xi32>
    tpu.vector_store %arg6[%swap3A], %swap3A_16 {strides = array<i32>} : memref<10112xi32, #tpu.memory_space<vmem>>, vector<16xi32>,
    %swap3A_17 = arith.constant 10000 : index
    %swap3A_18 = tpu.vector_load %arg7[%swap3A_17] {strides = array<i32>} : memref<10112xi32, #tpu.memory_space<vmem>>, vector<16xi32>,
    %swap3A_19 = vector.shape_cast %swap3A_18 : vector<16xi32> to vector<16xi32>
    %swap3A_20 = vector.shape_cast %add3A_13 : vector<16xi32> to vector<16xi32>
    tpu.vector_store %arg7[%swap3A_17], %swap3A_20 {strides = array<i32>} : memref<10112xi32, #tpu.memory_space<vmem>>, vector<16xi32>,
    %swap3A_21 = arith.constant 10016 : index
    %swap3A_22 = tpu.vector_load %arg6[%swap3A_21] {strides = array<i32>} : memref<10112xi32, #tpu.memory_space<vmem>>, vector<16xi32>,
    %swap3A_23 = vector.shape_cast %swap3A_22 : vector<16xi32> to vector<16xi32>
    %swap3A_24 = vector.shape_cast %broadcast_in_dim3A_10 : vector<16xi32> to vector<16xi32>
    tpu.vector_store %arg6[%swap3A_21], %swap3A_24 {strides = array<i32>} : memref<10112xi32, #tpu.memory_space<vmem>>, vector<16xi32>,
    %swap3A_25 = arith.constant 10016 : index
    %swap3A_26 = tpu.vector_load %arg7[%swap3A_25] {strides = array<i32>} : memref<10112xi32, #tpu.memory_space<vmem>>, vector<16xi32>,
    %swap3A_27 = vector.shape_cast %swap3A_26 : vector<16xi32> to vector<16xi32>
    %swap3A_28 = vector.shape_cast %add3A_13 : vector<16xi32> to vector<16xi32>
    tpu.vector_store %arg7[%swap3A_25], %swap3A_28 {strides = array<i32>} : memref<10112xi32, #tpu.memory_space<vmem>>, vector<16xi32>,
    %swap3A_29 = arith.constant 10032 : index
    %swap3A_30 = tpu.vector_load %arg6[%swap3A_29] {strides = array<i32>} : memref<10112xi32, #tpu.memory_space<vmem>>, vector<16xi32>,
    %swap3A_31 = vector.shape_cast %swap3A_30 : vector<16xi32> to vector<16xi32>
    %swap3A_32 = vector.shape_cast %broadcast_in_dim3A_10 : vector<16xi32> to vector<16xi32>
    tpu.vector_store %arg6[%swap3A_29], %swap3A_32 {strides = array<i32>} : memref<10112xi32, #tpu.memory_space<vmem>>, vector<16xi32>,
    %swap3A_33 = arith.constant 10032 : index
    %swap3A_34 = tpu.vector_load %arg7[%swap3A_33] {strides = array<i32>} : memref<10112xi32, #tpu.memory_space<vmem>>, vector<16xi32>,
    %swap3A_35 = vector.shape_cast %swap3A_34 : vector<16xi32> to vector<16xi32>
    %swap3A_36 = vector.shape_cast %add3A_13 : vector<16xi32> to vector<16xi32>
    tpu.vector_store %arg7[%swap3A_33], %swap3A_36 {strides = array<i32>} : memref<10112xi32, #tpu.memory_space<vmem>>, vector<16xi32>,
    %swap3A_37 = arith.constant 10048 : index
    %swap3A_38 = tpu.vector_load %arg6[%swap3A_37] {strides = array<i32>} : memref<10112xi32, #tpu.memory_space<vmem>>, vector<16xi32>,
    %swap3A_39 = vector.shape_cast %swap3A_38 : vector<16xi32> to vector<16xi32>
    %swap3A_40 = vector.shape_cast %broadcast_in_dim3A_10 : vector<16xi32> to vector<16xi32>
    tpu.vector_store %arg6[%swap3A_37], %swap3A_40 {strides = array<i32>} : memref<10112xi32, #tpu.memory_space<vmem>>, vector<16xi32>,
    %swap3A_41 = arith.constant 10048 : index
    %swap3A_42 = tpu.vector_load %arg7[%swap3A_41] {strides = array<i32>} : memref<10112xi32, #tpu.memory_space<vmem>>, vector<16xi32>,
    %swap3A_43 = vector.shape_cast %swap3A_42 : vector<16xi32> to vector<16xi32>
    %swap3A_44 = vector.shape_cast %add3A_13 : vector<16xi32> to vector<16xi32>
    tpu.vector_store %arg7[%swap3A_41], %swap3A_44 {strides = array<i32>} : memref<10112xi32, #tpu.memory_space<vmem>>, vector<16xi32>,
    %swap3A_45 = arith.constant 10064 : index
    %swap3A_46 = tpu.vector_load %arg6[%swap3A_45] {strides = array<i32>} : memref<10112xi32, #tpu.memory_space<vmem>>, vector<16xi32>,
    %swap3A_47 = vector.shape_cast %swap3A_46 : vector<16xi32> to vector<16xi32>
    %swap3A_48 = vector.shape_cast %broadcast_in_dim3A_10 : vector<16xi32> to vector<16xi32>
    tpu.vector_store %arg6[%swap3A_45], %swap3A_48 {strides = array<i32>} : memref<10112xi32, #tpu.memory_space<vmem>>, vector<16xi32>,
    %swap3A_49 = arith.constant 10064 : index
    %swap3A_50 = tpu.vector_load %arg7[%swap3A_49] {strides = array<i32>} : memref<10112xi32, #tpu.memory_space<vmem>>, vector<16xi32>,
    %swap3A_51 = vector.shape_cast %swap3A_50 : vector<16xi32> to vector<16xi32>
    %swap3A_52 = vector.shape_cast %add3A_13 : vector<16xi32> to vector<16xi32>
    tpu.vector_store %arg7[%swap3A_49], %swap3A_52 {strides = array<i32>} : memref<10112xi32, #tpu.memory_space<vmem>>, vector<16xi32>,
    %swap3A_53 = arith.constant 10080 : index
    %swap3A_54 = tpu.vector_load %arg6[%swap3A_53] {strides = array<i32>} : memref<10112xi32, #tpu.memory_space<vmem>>, vector<16xi32>,
    %swap3A_55 = vector.shape_cast %swap3A_54 : vector<16xi32> to vector<16xi32>
    %swap3A_56 = vector.shape_cast %broadcast_in_dim3A_10 : vector<16xi32> to vector<16xi32>
    tpu.vector_store %arg6[%swap3A_53], %swap3A_56 {strides = array<i32>} : memref<10112xi32, #tpu.memory_space<vmem>>, vector<16xi32>,
    %swap3A_57 = arith.constant 10080 : index
    %swap3A_58 = tpu.vector_load %arg7[%swap3A_57] {strides = array<i32>} : memref<10112xi32, #tpu.memory_space<vmem>>, vector<16xi32>,
    %swap3A_59 = vector.shape_cast %swap3A_58 : vector<16xi32> to vector<16xi32>
    %swap3A_60 = vector.shape_cast %add3A_13 : vector<16xi32> to vector<16xi32>
    tpu.vector_store %arg7[%swap3A_57], %swap3A_60 {strides = array<i32>} : memref<10112xi32, #tpu.memory_space<vmem>>, vector<16xi32>,
    %swap3A_61 = arith.constant 10096 : index
    %swap3A_62 = tpu.vector_load %arg6[%swap3A_61] {strides = array<i32>} : memref<10112xi32, #tpu.memory_space<vmem>>, vector<16xi32>,
    %swap3A_63 = vector.shape_cast %swap3A_62 : vector<16xi32> to vector<16xi32>
    %swap3A_64 = vector.shape_cast %broadcast_in_dim3A_10 : vector<16xi32> to vector<16xi32>
    tpu.vector_store %arg6[%swap3A_61], %swap3A_64 {strides = array<i32>} : memref<10112xi32, #tpu.memory_space<vmem>>, vector<16xi32>,
    %swap3A_65 = arith.constant 10096 : index
    %swap3A_66 = tpu.vector_load %arg7[%swap3A_65] {strides = array<i32>} : memref<10112xi32, #tpu.memory_space<vmem>>, vector<16xi32>,
    %swap3A_67 = vector.shape_cast %swap3A_66 : vector<16xi32> to vector<16xi32>
    %swap3A_68 = vector.shape_cast %add3A_13 : vector<16xi32> to vector<16xi32>
    tpu.vector_store %arg7[%swap3A_65], %swap3A_68 {strides = array<i32>} : memref<10112xi32, #tpu.memory_space<vmem>>, vector<16xi32>,
    %mul3A_69 = arith.constant 626 : i32
    %mul3A_70 = arith.muli %arg1, %mul3A_69 : i32
    %add3A_71 = arith.constant 0 : i32
    %add3A_72 = arith.addi %mul3A_70, %add3A_71 : i32
    "tpu.region"() ({
      %run_scoped3A_181 = tpu.sem_alloc : memref<!tpu.dma_semaphore, #tpu.memory_space<semaphore_mem>>
      %dma_start3A_182 = arith.constant 0 : i32
      %dma_start3A_183 = tpu.memref_slice %arg10[%add3A_72, %dma_start3A_182] : memref<10016x128xf32, #tpu.memory_space<vmem_shared>> -> memref<64x128xf32, #tpu.memory_space<vmem_shared>>
      %dma_start3A_184 = arith.constant 0 : i32
      %dma_start3A_185 = tpu.memref_slice %arg10[%add3A_72, %dma_start3A_184] : memref<10016x128xf32, #tpu.memory_space<vmem_shared>> -> memref<64x128xf32, #tpu.memory_space<vmem_shared>>
      tpu.enqueue_dma source(%arg8 : memref<64x128xf32, #tpu.memory_space<vmem>>) target(%dma_start3A_185 : memref<64x128xf32, #tpu.memory_space<vmem_shared>>) target_semaphore(%run_scoped3A_181 : memref<!tpu.dma_semaphore, #tpu.memory_space<semaphore_mem>>)
      %dma_wait3A_186 = arith.constant 0 : i32
      %dma_wait3A_187 = tpu.memref_slice %arg10[%add3A_72, %dma_wait3A_186] : memref<10016x128xf32, #tpu.memory_space<vmem_shared>> -> memref<64x128xf32, #tpu.memory_space<vmem_shared>>
      %dma_wait3A_188 = arith.constant 0 : i32
      %dma_wait3A_189 = tpu.memref_slice %arg10[%add3A_72, %dma_wait3A_188] : memref<10016x128xf32, #tpu.memory_space<vmem_shared>> -> memref<64x128xf32, #tpu.memory_space<vmem_shared>>
      tpu.wait_dma2 semaphore(%run_scoped3A_181 : memref<!tpu.dma_semaphore, #tpu.memory_space<semaphore_mem>>) src(%arg8 : memref<64x128xf32, #tpu.memory_space<vmem>>) dst(%dma_wait3A_189 : memref<64x128xf32, #tpu.memory_space<vmem_shared>>)
      tpu.yield
    }) : () -> ()
    %mul3A_73 = arith.constant 626 : i32
    %mul3A_74 = arith.muli %arg1, %mul3A_73 : i32
    %add3A_75 = arith.constant 64 : i32
    %add3A_76 = arith.addi %mul3A_74, %add3A_75 : i32
    "tpu.region"() ({
      %run_scoped3A_181 = tpu.sem_alloc : memref<!tpu.dma_semaphore, #tpu.memory_space<semaphore_mem>>
      %dma_start3A_182 = arith.constant 0 : i32
      %dma_start3A_183 = tpu.memref_slice %arg10[%add3A_76, %dma_start3A_182] : memref<10016x128xf32, #tpu.memory_space<vmem_shared>> -> memref<64x128xf32, #tpu.memory_space<vmem_shared>>
      %dma_start3A_184 = arith.constant 0 : i32
      %dma_start3A_185 = tpu.memref_slice %arg10[%add3A_76, %dma_start3A_184] : memref<10016x128xf32, #tpu.memory_space<vmem_shared>> -> memref<64x128xf32, #tpu.memory_space<vmem_shared>>
      tpu.enqueue_dma source(%arg8 : memref<64x128xf32, #tpu.memory_space<vmem>>) target(%dma_start3A_185 : memref<64x128xf32, #tpu.memory_space<vmem_shared>>) target_semaphore(%run_scoped3A_181 : memref<!tpu.dma_semaphore, #tpu.memory_space<semaphore_mem>>)
      %dma_wait3A_186 = arith.constant 0 : i32
      %dma_wait3A_187 = tpu.memref_slice %arg10[%add3A_76, %dma_wait3A_186] : memref<10016x128xf32, #tpu.memory_space<vmem_shared>> -> memref<64x128xf32, #tpu.memory_space<vmem_shared>>
      %dma_wait3A_188 = arith.constant 0 : i32
      %dma_wait3A_189 = tpu.memref_slice %arg10[%add3A_76, %dma_wait3A_188] : memref<10016x128xf32, #tpu.memory_space<vmem_shared>> -> memref<64x128xf32, #tpu.memory_space<vmem_shared>>
      tpu.wait_dma2 semaphore(%run_scoped3A_181 : memref<!tpu.dma_semaphore, #tpu.memory_space<semaphore_mem>>) src(%arg8 : memref<64x128xf32, #tpu.memory_space<vmem>>) dst(%dma_wait3A_189 : memref<64x128xf32, #tpu.memory_space<vmem_shared>>)
      tpu.yield
    }) : () -> ()
    %mul3A_77 = arith.constant 626 : i32
    %mul3A_78 = arith.muli %arg1, %mul3A_77 : i32
    %add3A_79 = arith.constant 128 : i32
    %add3A_80 = arith.addi %mul3A_78, %add3A_79 : i32
    "tpu.region"() ({
      %run_scoped3A_181 = tpu.sem_alloc : memref<!tpu.dma_semaphore, #tpu.memory_space<semaphore_mem>>
      %dma_start3A_182 = arith.constant 0 : i32
      %dma_start3A_183 = tpu.memref_slice %arg10[%add3A_80, %dma_start3A_182] : memref<10016x128xf32, #tpu.memory_space<vmem_shared>> -> memref<64x128xf32, #tpu.memory_space<vmem_shared>>
      %dma_start3A_184 = arith.constant 0 : i32
      %dma_start3A_185 = tpu.memref_slice %arg10[%add3A_80, %dma_start3A_184] : memref<10016x128xf32, #tpu.memory_space<vmem_shared>> -> memref<64x128xf32, #tpu.memory_space<vmem_shared>>
      tpu.enqueue_dma source(%arg8 : memref<64x128xf32, #tpu.memory_space<vmem>>) target(%dma_start3A_185 : memref<64x128xf32, #tpu.memory_space<vmem_shared>>) target_semaphore(%run_scoped3A_181 : memref<!tpu.dma_semaphore, #tpu.memory_space<semaphore_mem>>)
      %dma_wait3A_186 = arith.constant 0 : i32
      %dma_wait3A_187 = tpu.memref_slice %arg10[%add3A_80, %dma_wait3A_186] : memref<10016x128xf32, #tpu.memory_space<vmem_shared>> -> memref<64x128xf32, #tpu.memory_space<vmem_shared>>
      %dma_wait3A_188 = arith.constant 0 : i32
      %dma_wait3A_189 = tpu.memref_slice %arg10[%add3A_80, %dma_wait3A_188] : memref<10016x128xf32, #tpu.memory_space<vmem_shared>> -> memref<64x128xf32, #tpu.memory_space<vmem_shared>>
      tpu.wait_dma2 semaphore(%run_scoped3A_181 : memref<!tpu.dma_semaphore, #tpu.memory_space<semaphore_mem>>) src(%arg8 : memref<64x128xf32, #tpu.memory_space<vmem>>) dst(%dma_wait3A_189 : memref<64x128xf32, #tpu.memory_space<vmem_shared>>)
      tpu.yield
    }) : () -> ()
    %mul3A_81 = arith.constant 626 : i32
    %mul3A_82 = arith.muli %arg1, %mul3A_81 : i32
    %add3A_83 = arith.constant 192 : i32
    %add3A_84 = arith.addi %mul3A_82, %add3A_83 : i32
    "tpu.region"() ({
      %run_scoped3A_181 = tpu.sem_alloc : memref<!tpu.dma_semaphore, #tpu.memory_space<semaphore_mem>>
      %dma_start3A_182 = arith.constant 0 : i32
      %dma_start3A_183 = tpu.memref_slice %arg10[%add3A_84, %dma_start3A_182] : memref<10016x128xf32, #tpu.memory_space<vmem_shared>> -> memref<64x128xf32, #tpu.memory_space<vmem_shared>>
      %dma_start3A_184 = arith.constant 0 : i32
      %dma_start3A_185 = tpu.memref_slice %arg10[%add3A_84, %dma_start3A_184] : memref<10016x128xf32, #tpu.memory_space<vmem_shared>> -> memref<64x128xf32, #tpu.memory_space<vmem_shared>>
      tpu.enqueue_dma source(%arg8 : memref<64x128xf32, #tpu.memory_space<vmem>>) target(%dma_start3A_185 : memref<64x128xf32, #tpu.memory_space<vmem_shared>>) target_semaphore(%run_scoped3A_181 : memref<!tpu.dma_semaphore, #tpu.memory_space<semaphore_mem>>)
      %dma_wait3A_186 = arith.constant 0 : i32
      %dma_wait3A_187 = tpu.memref_slice %arg10[%add3A_84, %dma_wait3A_186] : memref<10016x128xf32, #tpu.memory_space<vmem_shared>> -> memref<64x128xf32, #tpu.memory_space<vmem_shared>>
      %dma_wait3A_188 = arith.constant 0 : i32
      %dma_wait3A_189 = tpu.memref_slice %arg10[%add3A_84, %dma_wait3A_188] : memref<10016x128xf32, #tpu.memory_space<vmem_shared>> -> memref<64x128xf32, #tpu.memory_space<vmem_shared>>
      tpu.wait_dma2 semaphore(%run_scoped3A_181 : memref<!tpu.dma_semaphore, #tpu.memory_space<semaphore_mem>>) src(%arg8 : memref<64x128xf32, #tpu.memory_space<vmem>>) dst(%dma_wait3A_189 : memref<64x128xf32, #tpu.memory_space<vmem_shared>>)
      tpu.yield
    }) : () -> ()
    %mul3A_85 = arith.constant 626 : i32
    %mul3A_86 = arith.muli %arg1, %mul3A_85 : i32
    %add3A_87 = arith.constant 256 : i32
    %add3A_88 = arith.addi %mul3A_86, %add3A_87 : i32
    "tpu.region"() ({
      %run_scoped3A_181 = tpu.sem_alloc : memref<!tpu.dma_semaphore, #tpu.memory_space<semaphore_mem>>
      %dma_start3A_182 = arith.constant 0 : i32
      %dma_start3A_183 = tpu.memref_slice %arg10[%add3A_88, %dma_start3A_182] : memref<10016x128xf32, #tpu.memory_space<vmem_shared>> -> memref<64x128xf32, #tpu.memory_space<vmem_shared>>
      %dma_start3A_184 = arith.constant 0 : i32
      %dma_start3A_185 = tpu.memref_slice %arg10[%add3A_88, %dma_start3A_184] : memref<10016x128xf32, #tpu.memory_space<vmem_shared>> -> memref<64x128xf32, #tpu.memory_space<vmem_shared>>
      tpu.enqueue_dma source(%arg8 : memref<64x128xf32, #tpu.memory_space<vmem>>) target(%dma_start3A_185 : memref<64x128xf32, #tpu.memory_space<vmem_shared>>) target_semaphore(%run_scoped3A_181 : memref<!tpu.dma_semaphore, #tpu.memory_space<semaphore_mem>>)
      %dma_wait3A_186 = arith.constant 0 : i32
      %dma_wait3A_187 = tpu.memref_slice %arg10[%add3A_88, %dma_wait3A_186] : memref<10016x128xf32, #tpu.memory_space<vmem_shared>> -> memref<64x128xf32, #tpu.memory_space<vmem_shared>>
      %dma_wait3A_188 = arith.constant 0 : i32
      %dma_wait3A_189 = tpu.memref_slice %arg10[%add3A_88, %dma_wait3A_188] : memref<10016x128xf32, #tpu.memory_space<vmem_shared>> -> memref<64x128xf32, #tpu.memory_space<vmem_shared>>
      tpu.wait_dma2 semaphore(%run_scoped3A_181 : memref<!tpu.dma_semaphore, #tpu.memory_space<semaphore_mem>>) src(%arg8 : memref<64x128xf32, #tpu.memory_space<vmem>>) dst(%dma_wait3A_189 : memref<64x128xf32, #tpu.memory_space<vmem_shared>>)
      tpu.yield
    }) : () -> ()
    %mul3A_89 = arith.constant 626 : i32
    %mul3A_90 = arith.muli %arg1, %mul3A_89 : i32
    %add3A_91 = arith.constant 320 : i32
    %add3A_92 = arith.addi %mul3A_90, %add3A_91 : i32
    "tpu.region"() ({
      %run_scoped3A_181 = tpu.sem_alloc : memref<!tpu.dma_semaphore, #tpu.memory_space<semaphore_mem>>
      %dma_start3A_182 = arith.constant 0 : i32
      %dma_start3A_183 = tpu.memref_slice %arg10[%add3A_92, %dma_start3A_182] : memref<10016x128xf32, #tpu.memory_space<vmem_shared>> -> memref<64x128xf32, #tpu.memory_space<vmem_shared>>
      %dma_start3A_184 = arith.constant 0 : i32
      %dma_start3A_185 = tpu.memref_slice %arg10[%add3A_92, %dma_start3A_184] : memref<10016x128xf32, #tpu.memory_space<vmem_shared>> -> memref<64x128xf32, #tpu.memory_space<vmem_shared>>
      tpu.enqueue_dma source(%arg8 : memref<64x128xf32, #tpu.memory_space<vmem>>) target(%dma_start3A_185 : memref<64x128xf32, #tpu.memory_space<vmem_shared>>) target_semaphore(%run_scoped3A_181 : memref<!tpu.dma_semaphore, #tpu.memory_space<semaphore_mem>>)
      %dma_wait3A_186 = arith.constant 0 : i32
      %dma_wait3A_187 = tpu.memref_slice %arg10[%add3A_92, %dma_wait3A_186] : memref<10016x128xf32, #tpu.memory_space<vmem_shared>> -> memref<64x128xf32, #tpu.memory_space<vmem_shared>>
      %dma_wait3A_188 = arith.constant 0 : i32
      %dma_wait3A_189 = tpu.memref_slice %arg10[%add3A_92, %dma_wait3A_188] : memref<10016x128xf32, #tpu.memory_space<vmem_shared>> -> memref<64x128xf32, #tpu.memory_space<vmem_shared>>
      tpu.wait_dma2 semaphore(%run_scoped3A_181 : memref<!tpu.dma_semaphore, #tpu.memory_space<semaphore_mem>>) src(%arg8 : memref<64x128xf32, #tpu.memory_space<vmem>>) dst(%dma_wait3A_189 : memref<64x128xf32, #tpu.memory_space<vmem_shared>>)
      tpu.yield
    }) : () -> ()
    %mul3A_93 = arith.constant 626 : i32
    %mul3A_94 = arith.muli %arg1, %mul3A_93 : i32
    %add3A_95 = arith.constant 384 : i32
    %add3A_96 = arith.addi %mul3A_94, %add3A_95 : i32
    "tpu.region"() ({
      %run_scoped3A_181 = tpu.sem_alloc : memref<!tpu.dma_semaphore, #tpu.memory_space<semaphore_mem>>
      %dma_start3A_182 = arith.constant 0 : i32
      %dma_start3A_183 = tpu.memref_slice %arg10[%add3A_96, %dma_start3A_182] : memref<10016x128xf32, #tpu.memory_space<vmem_shared>> -> memref<64x128xf32, #tpu.memory_space<vmem_shared>>
      %dma_start3A_184 = arith.constant 0 : i32
      %dma_start3A_185 = tpu.memref_slice %arg10[%add3A_96, %dma_start3A_184] : memref<10016x128xf32, #tpu.memory_space<vmem_shared>> -> memref<64x128xf32, #tpu.memory_space<vmem_shared>>
      tpu.enqueue_dma source(%arg8 : memref<64x128xf32, #tpu.memory_space<vmem>>) target(%dma_start3A_185 : memref<64x128xf32, #tpu.memory_space<vmem_shared>>) target_semaphore(%run_scoped3A_181 : memref<!tpu.dma_semaphore, #tpu.memory_space<semaphore_mem>>)
      %dma_wait3A_186 = arith.constant 0 : i32
      %dma_wait3A_187 = tpu.memref_slice %arg10[%add3A_96, %dma_wait3A_186] : memref<10016x128xf32, #tpu.memory_space<vmem_shared>> -> memref<64x128xf32, #tpu.memory_space<vmem_shared>>
      %dma_wait3A_188 = arith.constant 0 : i32
      %dma_wait3A_189 = tpu.memref_slice %arg10[%add3A_96, %dma_wait3A_188] : memref<10016x128xf32, #tpu.memory_space<vmem_shared>> -> memref<64x128xf32, #tpu.memory_space<vmem_shared>>
      tpu.wait_dma2 semaphore(%run_scoped3A_181 : memref<!tpu.dma_semaphore, #tpu.memory_space<semaphore_mem>>) src(%arg8 : memref<64x128xf32, #tpu.memory_space<vmem>>) dst(%dma_wait3A_189 : memref<64x128xf32, #tpu.memory_space<vmem_shared>>)
      tpu.yield
    }) : () -> ()
    %mul3A_97 = arith.constant 626 : i32
    %mul3A_98 = arith.muli %arg1, %mul3A_97 : i32
    %add3A_99 = arith.constant 448 : i32
    %add3A_100 = arith.addi %mul3A_98, %add3A_99 : i32
    "tpu.region"() ({
      %run_scoped3A_181 = tpu.sem_alloc : memref<!tpu.dma_semaphore, #tpu.memory_space<semaphore_mem>>
      %dma_start3A_182 = arith.constant 0 : i32
      %dma_start3A_183 = tpu.memref_slice %arg10[%add3A_100, %dma_start3A_182] : memref<10016x128xf32, #tpu.memory_space<vmem_shared>> -> memref<64x128xf32, #tpu.memory_space<vmem_shared>>
      %dma_start3A_184 = arith.constant 0 : i32
      %dma_start3A_185 = tpu.memref_slice %arg10[%add3A_100, %dma_start3A_184] : memref<10016x128xf32, #tpu.memory_space<vmem_shared>> -> memref<64x128xf32, #tpu.memory_space<vmem_shared>>
      tpu.enqueue_dma source(%arg8 : memref<64x128xf32, #tpu.memory_space<vmem>>) target(%dma_start3A_185 : memref<64x128xf32, #tpu.memory_space<vmem_shared>>) target_semaphore(%run_scoped3A_181 : memref<!tpu.dma_semaphore, #tpu.memory_space<semaphore_mem>>)
      %dma_wait3A_186 = arith.constant 0 : i32
      %dma_wait3A_187 = tpu.memref_slice %arg10[%add3A_100, %dma_wait3A_186] : memref<10016x128xf32, #tpu.memory_space<vmem_shared>> -> memref<64x128xf32, #tpu.memory_space<vmem_shared>>
      %dma_wait3A_188 = arith.constant 0 : i32
      %dma_wait3A_189 = tpu.memref_slice %arg10[%add3A_100, %dma_wait3A_188] : memref<10016x128xf32, #tpu.memory_space<vmem_shared>> -> memref<64x128xf32, #tpu.memory_space<vmem_shared>>
      tpu.wait_dma2 semaphore(%run_scoped3A_181 : memref<!tpu.dma_semaphore, #tpu.memory_space<semaphore_mem>>) src(%arg8 : memref<64x128xf32, #tpu.memory_space<vmem>>) dst(%dma_wait3A_189 : memref<64x128xf32, #tpu.memory_space<vmem_shared>>)
      tpu.yield
    }) : () -> ()
    %mul3A_101 = arith.constant 626 : i32
    %mul3A_102 = arith.muli %arg1, %mul3A_101 : i32
    %add3A_103 = arith.constant 512 : i32
    %add3A_104 = arith.addi %mul3A_102, %add3A_103 : i32
    "tpu.region"() ({
      %run_scoped3A_181 = tpu.sem_alloc : memref<!tpu.dma_semaphore, #tpu.memory_space<semaphore_mem>>
      %dma_start3A_182 = arith.constant 0 : i32
      %dma_start3A_183 = tpu.memref_slice %arg10[%add3A_104, %dma_start3A_182] : memref<10016x128xf32, #tpu.memory_space<vmem_shared>> -> memref<64x128xf32, #tpu.memory_space<vmem_shared>>
      %dma_start3A_184 = arith.constant 0 : i32
      %dma_start3A_185 = tpu.memref_slice %arg10[%add3A_104, %dma_start3A_184] : memref<10016x128xf32, #tpu.memory_space<vmem_shared>> -> memref<64x128xf32, #tpu.memory_space<vmem_shared>>
      tpu.enqueue_dma source(%arg8 : memref<64x128xf32, #tpu.memory_space<vmem>>) target(%dma_start3A_185 : memref<64x128xf32, #tpu.memory_space<vmem_shared>>) target_semaphore(%run_scoped3A_181 : memref<!tpu.dma_semaphore, #tpu.memory_space<semaphore_mem>>)
      %dma_wait3A_186 = arith.constant 0 : i32
      %dma_wait3A_187 = tpu.memref_slice %arg10[%add3A_104, %dma_wait3A_186] : memref<10016x128xf32, #tpu.memory_space<vmem_shared>> -> memref<64x128xf32, #tpu.memory_space<vmem_shared>>
      %dma_wait3A_188 = arith.constant 0 : i32
      %dma_wait3A_189 = tpu.memref_slice %arg10[%add3A_104, %dma_wait3A_188] : memref<10016x128xf32, #tpu.memory_space<vmem_shared>> -> memref<64x128xf32, #tpu.memory_space<vmem_shared>>
      tpu.wait_dma2 semaphore(%run_scoped3A_181 : memref<!tpu.dma_semaphore, #tpu.memory_space<semaphore_mem>>) src(%arg8 : memref<64x128xf32, #tpu.memory_space<vmem>>) dst(%dma_wait3A_189 : memref<64x128xf32, #tpu.memory_space<vmem_shared>>)
      tpu.yield
    }) : () -> ()
    %mul3A_105 = arith.constant 626 : i32
    %mul3A_106 = arith.muli %arg1, %mul3A_105 : i32
    %add3A_107 = arith.constant 576 : i32
    %add3A_108 = arith.addi %mul3A_106, %add3A_107 : i32
    "tpu.region"() ({
      %run_scoped3A_181 = tpu.sem_alloc : memref<!tpu.dma_semaphore, #tpu.memory_space<semaphore_mem>>
      %dma_start3A_182 = arith.constant 0 : i32
      %dma_start3A_183 = arith.constant 0 : i32
      %dma_start3A_184 = tpu.memref_slice %arg8[%dma_start3A_182, %dma_start3A_183] : memref<64x128xf32, #tpu.memory_space<vmem>> -> memref<50x128xf32, #tpu.memory_space<vmem>>
      %dma_start3A_185 = arith.constant 0 : i32
      %dma_start3A_186 = tpu.memref_slice %arg10[%add3A_108, %dma_start3A_185] : memref<10016x128xf32, #tpu.memory_space<vmem_shared>> -> memref<50x128xf32, #tpu.memory_space<vmem_shared>>
      %dma_start3A_187 = arith.constant 0 : i32
      %dma_start3A_188 = tpu.memref_slice %arg10[%add3A_108, %dma_start3A_187] : memref<10016x128xf32, #tpu.memory_space<vmem_shared>> -> memref<50x128xf32, #tpu.memory_space<vmem_shared>>
      %dma_start3A_189 = arith.constant 0 : i32
      %dma_start3A_190 = arith.constant 0 : i32
      %dma_start3A_191 = tpu.memref_slice %arg8[%dma_start3A_189, %dma_start3A_190] : memref<64x128xf32, #tpu.memory_space<vmem>> -> memref<50x128xf32, #tpu.memory_space<vmem>>
      tpu.enqueue_dma source(%dma_start3A_191 : memref<50x128xf32, #tpu.memory_space<vmem>>) target(%dma_start3A_188 : memref<50x128xf32, #tpu.memory_space<vmem_shared>>) target_semaphore(%run_scoped3A_181 : memref<!tpu.dma_semaphore, #tpu.memory_space<semaphore_mem>>)
      %dma_wait3A_192 = arith.constant 0 : i32
      %dma_wait3A_193 = arith.constant 0 : i32
      %dma_wait3A_194 = tpu.memref_slice %arg8[%dma_wait3A_192, %dma_wait3A_193] : memref<64x128xf32, #tpu.memory_space<vmem>> -> memref<50x128xf32, #tpu.memory_space<vmem>>
      %dma_wait3A_195 = arith.constant 0 : i32
      %dma_wait3A_196 = tpu.memref_slice %arg10[%add3A_108, %dma_wait3A_195] : memref<10016x128xf32, #tpu.memory_space<vmem_shared>> -> memref<50x128xf32, #tpu.memory_space<vmem_shared>>
      %dma_wait3A_197 = arith.constant 0 : i32
      %dma_wait3A_198 = tpu.memref_slice %arg10[%add3A_108, %dma_wait3A_197] : memref<10016x128xf32, #tpu.memory_space<vmem_shared>> -> memref<50x128xf32, #tpu.memory_space<vmem_shared>>
      %dma_wait3A_199 = arith.constant 0 : i32
      %dma_wait3A_200 = arith.constant 0 : i32
      %dma_wait3A_201 = tpu.memref_slice %arg8[%dma_wait3A_199, %dma_wait3A_200] : memref<64x128xf32, #tpu.memory_space<vmem>> -> memref<50x128xf32, #tpu.memory_space<vmem>>
      tpu.wait_dma2 semaphore(%run_scoped3A_181 : memref<!tpu.dma_semaphore, #tpu.memory_space<semaphore_mem>>) src(%dma_wait3A_201 : memref<50x128xf32, #tpu.memory_space<vmem>>) dst(%dma_wait3A_198 : memref<50x128xf32, #tpu.memory_space<vmem_shared>>)
      tpu.yield
    }) : () -> ()
    %mul3A_109 = arith.constant 626 : i32
    %mul3A_110 = arith.muli %arg1, %mul3A_109 : i32
    %add3A_111 = arith.constant 0 : i32
    %add3A_112 = arith.addi %mul3A_110, %add3A_111 : i32
    "tpu.region"() ({
      %run_scoped3A_181 = tpu.sem_alloc : memref<!tpu.dma_semaphore, #tpu.memory_space<semaphore_mem>>
      %dma_start3A_182 = arith.constant 0 : i32
      %dma_start3A_183 = tpu.memref_slice %arg15[%add3A_112, %dma_start3A_182] : memref<10016x16xf32, #tpu.memory_space<vmem_shared>> -> memref<64x16xf32, #tpu.memory_space<vmem_shared>>
      %dma_start3A_184 = arith.constant 0 : i32
      %dma_start3A_185 = tpu.memref_slice %arg15[%add3A_112, %dma_start3A_184] : memref<10016x16xf32, #tpu.memory_space<vmem_shared>> -> memref<64x16xf32, #tpu.memory_space<vmem_shared>>
      tpu.enqueue_dma source(%arg14 : memref<64x16xf32, #tpu.memory_space<vmem>>) target(%dma_start3A_185 : memref<64x16xf32, #tpu.memory_space<vmem_shared>>) target_semaphore(%run_scoped3A_181 : memref<!tpu.dma_semaphore, #tpu.memory_space<semaphore_mem>>)
      %dma_wait3A_186 = arith.constant 0 : i32
      %dma_wait3A_187 = tpu.memref_slice %arg15[%add3A_112, %dma_wait3A_186] : memref<10016x16xf32, #tpu.memory_space<vmem_shared>> -> memref<64x16xf32, #tpu.memory_space<vmem_shared>>
      %dma_wait3A_188 = arith.constant 0 : i32
      %dma_wait3A_189 = tpu.memref_slice %arg15[%add3A_112, %dma_wait3A_188] : memref<10016x16xf32, #tpu.memory_space<vmem_shared>> -> memref<64x16xf32, #tpu.memory_space<vmem_shared>>
      tpu.wait_dma2 semaphore(%run_scoped3A_181 : memref<!tpu.dma_semaphore, #tpu.memory_space<semaphore_mem>>) src(%arg14 : memref<64x16xf32, #tpu.memory_space<vmem>>) dst(%dma_wait3A_189 : memref<64x16xf32, #tpu.memory_space<vmem_shared>>)
      tpu.yield
    }) : () -> ()
    %mul3A_113 = arith.constant 626 : i32
    %mul3A_114 = arith.muli %arg1, %mul3A_113 : i32
    %add3A_115 = arith.constant 64 : i32
    %add3A_116 = arith.addi %mul3A_114, %add3A_115 : i32
    "tpu.region"() ({
      %run_scoped3A_181 = tpu.sem_alloc : memref<!tpu.dma_semaphore, #tpu.memory_space<semaphore_mem>>
      %dma_start3A_182 = arith.constant 0 : i32
      %dma_start3A_183 = tpu.memref_slice %arg15[%add3A_116, %dma_start3A_182] : memref<10016x16xf32, #tpu.memory_space<vmem_shared>> -> memref<64x16xf32, #tpu.memory_space<vmem_shared>>
      %dma_start3A_184 = arith.constant 0 : i32
      %dma_start3A_185 = tpu.memref_slice %arg15[%add3A_116, %dma_start3A_184] : memref<10016x16xf32, #tpu.memory_space<vmem_shared>> -> memref<64x16xf32, #tpu.memory_space<vmem_shared>>
      tpu.enqueue_dma source(%arg14 : memref<64x16xf32, #tpu.memory_space<vmem>>) target(%dma_start3A_185 : memref<64x16xf32, #tpu.memory_space<vmem_shared>>) target_semaphore(%run_scoped3A_181 : memref<!tpu.dma_semaphore, #tpu.memory_space<semaphore_mem>>)
      %dma_wait3A_186 = arith.constant 0 : i32
      %dma_wait3A_187 = tpu.memref_slice %arg15[%add3A_116, %dma_wait3A_186] : memref<10016x16xf32, #tpu.memory_space<vmem_shared>> -> memref<64x16xf32, #tpu.memory_space<vmem_shared>>
      %dma_wait3A_188 = arith.constant 0 : i32
      %dma_wait3A_189 = tpu.memref_slice %arg15[%add3A_116, %dma_wait3A_188] : memref<10016x16xf32, #tpu.memory_space<vmem_shared>> -> memref<64x16xf32, #tpu.memory_space<vmem_shared>>
      tpu.wait_dma2 semaphore(%run_scoped3A_181 : memref<!tpu.dma_semaphore, #tpu.memory_space<semaphore_mem>>) src(%arg14 : memref<64x16xf32, #tpu.memory_space<vmem>>) dst(%dma_wait3A_189 : memref<64x16xf32, #tpu.memory_space<vmem_shared>>)
      tpu.yield
    }) : () -> ()
    %mul3A_117 = arith.constant 626 : i32
    %mul3A_118 = arith.muli %arg1, %mul3A_117 : i32
    %add3A_119 = arith.constant 128 : i32
    %add3A_120 = arith.addi %mul3A_118, %add3A_119 : i32
    "tpu.region"() ({
      %run_scoped3A_181 = tpu.sem_alloc : memref<!tpu.dma_semaphore, #tpu.memory_space<semaphore_mem>>
      %dma_start3A_182 = arith.constant 0 : i32
      %dma_start3A_183 = tpu.memref_slice %arg15[%add3A_120, %dma_start3A_182] : memref<10016x16xf32, #tpu.memory_space<vmem_shared>> -> memref<64x16xf32, #tpu.memory_space<vmem_shared>>
      %dma_start3A_184 = arith.constant 0 : i32
      %dma_start3A_185 = tpu.memref_slice %arg15[%add3A_120, %dma_start3A_184] : memref<10016x16xf32, #tpu.memory_space<vmem_shared>> -> memref<64x16xf32, #tpu.memory_space<vmem_shared>>
      tpu.enqueue_dma source(%arg14 : memref<64x16xf32, #tpu.memory_space<vmem>>) target(%dma_start3A_185 : memref<64x16xf32, #tpu.memory_space<vmem_shared>>) target_semaphore(%run_scoped3A_181 : memref<!tpu.dma_semaphore, #tpu.memory_space<semaphore_mem>>)
      %dma_wait3A_186 = arith.constant 0 : i32
      %dma_wait3A_187 = tpu.memref_slice %arg15[%add3A_120, %dma_wait3A_186] : memref<10016x16xf32, #tpu.memory_space<vmem_shared>> -> memref<64x16xf32, #tpu.memory_space<vmem_shared>>
      %dma_wait3A_188 = arith.constant 0 : i32
      %dma_wait3A_189 = tpu.memref_slice %arg15[%add3A_120, %dma_wait3A_188] : memref<10016x16xf32, #tpu.memory_space<vmem_shared>> -> memref<64x16xf32, #tpu.memory_space<vmem_shared>>
      tpu.wait_dma2 semaphore(%run_scoped3A_181 : memref<!tpu.dma_semaphore, #tpu.memory_space<semaphore_mem>>) src(%arg14 : memref<64x16xf32, #tpu.memory_space<vmem>>) dst(%dma_wait3A_189 : memref<64x16xf32, #tpu.memory_space<vmem_shared>>)
      tpu.yield
    }) : () -> ()
    %mul3A_121 = arith.constant 626 : i32
    %mul3A_122 = arith.muli %arg1, %mul3A_121 : i32
    %add3A_123 = arith.constant 192 : i32
    %add3A_124 = arith.addi %mul3A_122, %add3A_123 : i32
    "tpu.region"() ({
      %run_scoped3A_181 = tpu.sem_alloc : memref<!tpu.dma_semaphore, #tpu.memory_space<semaphore_mem>>
      %dma_start3A_182 = arith.constant 0 : i32
      %dma_start3A_183 = tpu.memref_slice %arg15[%add3A_124, %dma_start3A_182] : memref<10016x16xf32, #tpu.memory_space<vmem_shared>> -> memref<64x16xf32, #tpu.memory_space<vmem_shared>>
      %dma_start3A_184 = arith.constant 0 : i32
      %dma_start3A_185 = tpu.memref_slice %arg15[%add3A_124, %dma_start3A_184] : memref<10016x16xf32, #tpu.memory_space<vmem_shared>> -> memref<64x16xf32, #tpu.memory_space<vmem_shared>>
      tpu.enqueue_dma source(%arg14 : memref<64x16xf32, #tpu.memory_space<vmem>>) target(%dma_start3A_185 : memref<64x16xf32, #tpu.memory_space<vmem_shared>>) target_semaphore(%run_scoped3A_181 : memref<!tpu.dma_semaphore, #tpu.memory_space<semaphore_mem>>)
      %dma_wait3A_186 = arith.constant 0 : i32
      %dma_wait3A_187 = tpu.memref_slice %arg15[%add3A_124, %dma_wait3A_186] : memref<10016x16xf32, #tpu.memory_space<vmem_shared>> -> memref<64x16xf32, #tpu.memory_space<vmem_shared>>
      %dma_wait3A_188 = arith.constant 0 : i32
      %dma_wait3A_189 = tpu.memref_slice %arg15[%add3A_124, %dma_wait3A_188] : memref<10016x16xf32, #tpu.memory_space<vmem_shared>> -> memref<64x16xf32, #tpu.memory_space<vmem_shared>>
      tpu.wait_dma2 semaphore(%run_scoped3A_181 : memref<!tpu.dma_semaphore, #tpu.memory_space<semaphore_mem>>) src(%arg14 : memref<64x16xf32, #tpu.memory_space<vmem>>) dst(%dma_wait3A_189 : memref<64x16xf32, #tpu.memory_space<vmem_shared>>)
      tpu.yield
    }) : () -> ()
    %mul3A_125 = arith.constant 626 : i32
    %mul3A_126 = arith.muli %arg1, %mul3A_125 : i32
    %add3A_127 = arith.constant 256 : i32
    %add3A_128 = arith.addi %mul3A_126, %add3A_127 : i32
    "tpu.region"() ({
      %run_scoped3A_181 = tpu.sem_alloc : memref<!tpu.dma_semaphore, #tpu.memory_space<semaphore_mem>>
      %dma_start3A_182 = arith.constant 0 : i32
      %dma_start3A_183 = tpu.memref_slice %arg15[%add3A_128, %dma_start3A_182] : memref<10016x16xf32, #tpu.memory_space<vmem_shared>> -> memref<64x16xf32, #tpu.memory_space<vmem_shared>>
      %dma_start3A_184 = arith.constant 0 : i32
      %dma_start3A_185 = tpu.memref_slice %arg15[%add3A_128, %dma_start3A_184] : memref<10016x16xf32, #tpu.memory_space<vmem_shared>> -> memref<64x16xf32, #tpu.memory_space<vmem_shared>>
      tpu.enqueue_dma source(%arg14 : memref<64x16xf32, #tpu.memory_space<vmem>>) target(%dma_start3A_185 : memref<64x16xf32, #tpu.memory_space<vmem_shared>>) target_semaphore(%run_scoped3A_181 : memref<!tpu.dma_semaphore, #tpu.memory_space<semaphore_mem>>)
      %dma_wait3A_186 = arith.constant 0 : i32
      %dma_wait3A_187 = tpu.memref_slice %arg15[%add3A_128, %dma_wait3A_186] : memref<10016x16xf32, #tpu.memory_space<vmem_shared>> -> memref<64x16xf32, #tpu.memory_space<vmem_shared>>
      %dma_wait3A_188 = arith.constant 0 : i32
      %dma_wait3A_189 = tpu.memref_slice %arg15[%add3A_128, %dma_wait3A_188] : memref<10016x16xf32, #tpu.memory_space<vmem_shared>> -> memref<64x16xf32, #tpu.memory_space<vmem_shared>>
      tpu.wait_dma2 semaphore(%run_scoped3A_181 : memref<!tpu.dma_semaphore, #tpu.memory_space<semaphore_mem>>) src(%arg14 : memref<64x16xf32, #tpu.memory_space<vmem>>) dst(%dma_wait3A_189 : memref<64x16xf32, #tpu.memory_space<vmem_shared>>)
      tpu.yield
    }) : () -> ()
    %mul3A_129 = arith.constant 626 : i32
    %mul3A_130 = arith.muli %arg1, %mul3A_129 : i32
    %add3A_131 = arith.constant 320 : i32
    %add3A_132 = arith.addi %mul3A_130, %add3A_131 : i32
    "tpu.region"() ({
      %run_scoped3A_181 = tpu.sem_alloc : memref<!tpu.dma_semaphore, #tpu.memory_space<semaphore_mem>>
      %dma_start3A_182 = arith.constant 0 : i32
      %dma_start3A_183 = tpu.memref_slice %arg15[%add3A_132, %dma_start3A_182] : memref<10016x16xf32, #tpu.memory_space<vmem_shared>> -> memref<64x16xf32, #tpu.memory_space<vmem_shared>>
      %dma_start3A_184 = arith.constant 0 : i32
      %dma_start3A_185 = tpu.memref_slice %arg15[%add3A_132, %dma_start3A_184] : memref<10016x16xf32, #tpu.memory_space<vmem_shared>> -> memref<64x16xf32, #tpu.memory_space<vmem_shared>>
      tpu.enqueue_dma source(%arg14 : memref<64x16xf32, #tpu.memory_space<vmem>>) target(%dma_start3A_185 : memref<64x16xf32, #tpu.memory_space<vmem_shared>>) target_semaphore(%run_scoped3A_181 : memref<!tpu.dma_semaphore, #tpu.memory_space<semaphore_mem>>)
      %dma_wait3A_186 = arith.constant 0 : i32
      %dma_wait3A_187 = tpu.memref_slice %arg15[%add3A_132, %dma_wait3A_186] : memref<10016x16xf32, #tpu.memory_space<vmem_shared>> -> memref<64x16xf32, #tpu.memory_space<vmem_shared>>
      %dma_wait3A_188 = arith.constant 0 : i32
      %dma_wait3A_189 = tpu.memref_slice %arg15[%add3A_132, %dma_wait3A_188] : memref<10016x16xf32, #tpu.memory_space<vmem_shared>> -> memref<64x16xf32, #tpu.memory_space<vmem_shared>>
      tpu.wait_dma2 semaphore(%run_scoped3A_181 : memref<!tpu.dma_semaphore, #tpu.memory_space<semaphore_mem>>) src(%arg14 : memref<64x16xf32, #tpu.memory_space<vmem>>) dst(%dma_wait3A_189 : memref<64x16xf32, #tpu.memory_space<vmem_shared>>)
      tpu.yield
    }) : () -> ()
    %mul3A_133 = arith.constant 626 : i32
    %mul3A_134 = arith.muli %arg1, %mul3A_133 : i32
    %add3A_135 = arith.constant 384 : i32
    %add3A_136 = arith.addi %mul3A_134, %add3A_135 : i32
    "tpu.region"() ({
      %run_scoped3A_181 = tpu.sem_alloc : memref<!tpu.dma_semaphore, #tpu.memory_space<semaphore_mem>>
      %dma_start3A_182 = arith.constant 0 : i32
      %dma_start3A_183 = tpu.memref_slice %arg15[%add3A_136, %dma_start3A_182] : memref<10016x16xf32, #tpu.memory_space<vmem_shared>> -> memref<64x16xf32, #tpu.memory_space<vmem_shared>>
      %dma_start3A_184 = arith.constant 0 : i32
      %dma_start3A_185 = tpu.memref_slice %arg15[%add3A_136, %dma_start3A_184] : memref<10016x16xf32, #tpu.memory_space<vmem_shared>> -> memref<64x16xf32, #tpu.memory_space<vmem_shared>>
      tpu.enqueue_dma source(%arg14 : memref<64x16xf32, #tpu.memory_space<vmem>>) target(%dma_start3A_185 : memref<64x16xf32, #tpu.memory_space<vmem_shared>>) target_semaphore(%run_scoped3A_181 : memref<!tpu.dma_semaphore, #tpu.memory_space<semaphore_mem>>)
      %dma_wait3A_186 = arith.constant 0 : i32
      %dma_wait3A_187 = tpu.memref_slice %arg15[%add3A_136, %dma_wait3A_186] : memref<10016x16xf32, #tpu.memory_space<vmem_shared>> -> memref<64x16xf32, #tpu.memory_space<vmem_shared>>
      %dma_wait3A_188 = arith.constant 0 : i32
      %dma_wait3A_189 = tpu.memref_slice %arg15[%add3A_136, %dma_wait3A_188] : memref<10016x16xf32, #tpu.memory_space<vmem_shared>> -> memref<64x16xf32, #tpu.memory_space<vmem_shared>>
      tpu.wait_dma2 semaphore(%run_scoped3A_181 : memref<!tpu.dma_semaphore, #tpu.memory_space<semaphore_mem>>) src(%arg14 : memref<64x16xf32, #tpu.memory_space<vmem>>) dst(%dma_wait3A_189 : memref<64x16xf32, #tpu.memory_space<vmem_shared>>)
      tpu.yield
    }) : () -> ()
    %mul3A_137 = arith.constant 626 : i32
    %mul3A_138 = arith.muli %arg1, %mul3A_137 : i32
    %add3A_139 = arith.constant 448 : i32
    %add3A_140 = arith.addi %mul3A_138, %add3A_139 : i32
    "tpu.region"() ({
      %run_scoped3A_181 = tpu.sem_alloc : memref<!tpu.dma_semaphore, #tpu.memory_space<semaphore_mem>>
      %dma_start3A_182 = arith.constant 0 : i32
      %dma_start3A_183 = tpu.memref_slice %arg15[%add3A_140, %dma_start3A_182] : memref<10016x16xf32, #tpu.memory_space<vmem_shared>> -> memref<64x16xf32, #tpu.memory_space<vmem_shared>>
      %dma_start3A_184 = arith.constant 0 : i32
      %dma_start3A_185 = tpu.memref_slice %arg15[%add3A_140, %dma_start3A_184] : memref<10016x16xf32, #tpu.memory_space<vmem_shared>> -> memref<64x16xf32, #tpu.memory_space<vmem_shared>>
      tpu.enqueue_dma source(%arg14 : memref<64x16xf32, #tpu.memory_space<vmem>>) target(%dma_start3A_185 : memref<64x16xf32, #tpu.memory_space<vmem_shared>>) target_semaphore(%run_scoped3A_181 : memref<!tpu.dma_semaphore, #tpu.memory_space<semaphore_mem>>)
      %dma_wait3A_186 = arith.constant 0 : i32
      %dma_wait3A_187 = tpu.memref_slice %arg15[%add3A_140, %dma_wait3A_186] : memref<10016x16xf32, #tpu.memory_space<vmem_shared>> -> memref<64x16xf32, #tpu.memory_space<vmem_shared>>
      %dma_wait3A_188 = arith.constant 0 : i32
      %dma_wait3A_189 = tpu.memref_slice %arg15[%add3A_140, %dma_wait3A_188] : memref<10016x16xf32, #tpu.memory_space<vmem_shared>> -> memref<64x16xf32, #tpu.memory_space<vmem_shared>>
      tpu.wait_dma2 semaphore(%run_scoped3A_181 : memref<!tpu.dma_semaphore, #tpu.memory_space<semaphore_mem>>) src(%arg14 : memref<64x16xf32, #tpu.memory_space<vmem>>) dst(%dma_wait3A_189 : memref<64x16xf32, #tpu.memory_space<vmem_shared>>)
      tpu.yield
    }) : () -> ()
    %mul3A_141 = arith.constant 626 : i32
    %mul3A_142 = arith.muli %arg1, %mul3A_141 : i32
    %add3A_143 = arith.constant 512 : i32
    %add3A_144 = arith.addi %mul3A_142, %add3A_143 : i32
    "tpu.region"() ({
      %run_scoped3A_181 = tpu.sem_alloc : memref<!tpu.dma_semaphore, #tpu.memory_space<semaphore_mem>>
      %dma_start3A_182 = arith.constant 0 : i32
      %dma_start3A_183 = tpu.memref_slice %arg15[%add3A_144, %dma_start3A_182] : memref<10016x16xf32, #tpu.memory_space<vmem_shared>> -> memref<64x16xf32, #tpu.memory_space<vmem_shared>>
      %dma_start3A_184 = arith.constant 0 : i32
      %dma_start3A_185 = tpu.memref_slice %arg15[%add3A_144, %dma_start3A_184] : memref<10016x16xf32, #tpu.memory_space<vmem_shared>> -> memref<64x16xf32, #tpu.memory_space<vmem_shared>>
      tpu.enqueue_dma source(%arg14 : memref<64x16xf32, #tpu.memory_space<vmem>>) target(%dma_start3A_185 : memref<64x16xf32, #tpu.memory_space<vmem_shared>>) target_semaphore(%run_scoped3A_181 : memref<!tpu.dma_semaphore, #tpu.memory_space<semaphore_mem>>)
      %dma_wait3A_186 = arith.constant 0 : i32
      %dma_wait3A_187 = tpu.memref_slice %arg15[%add3A_144, %dma_wait3A_186] : memref<10016x16xf32, #tpu.memory_space<vmem_shared>> -> memref<64x16xf32, #tpu.memory_space<vmem_shared>>
      %dma_wait3A_188 = arith.constant 0 : i32
      %dma_wait3A_189 = tpu.memref_slice %arg15[%add3A_144, %dma_wait3A_188] : memref<10016x16xf32, #tpu.memory_space<vmem_shared>> -> memref<64x16xf32, #tpu.memory_space<vmem_shared>>
      tpu.wait_dma2 semaphore(%run_scoped3A_181 : memref<!tpu.dma_semaphore, #tpu.memory_space<semaphore_mem>>) src(%arg14 : memref<64x16xf32, #tpu.memory_space<vmem>>) dst(%dma_wait3A_189 : memref<64x16xf32, #tpu.memory_space<vmem_shared>>)
      tpu.yield
    }) : () -> ()
    %mul3A_145 = arith.constant 626 : i32
    %mul3A_146 = arith.muli %arg1, %mul3A_145 : i32
    %add3A_147 = arith.constant 576 : i32
    %add3A_148 = arith.addi %mul3A_146, %add3A_147 : i32
    "tpu.region"() ({
      %run_scoped3A_181 = tpu.sem_alloc : memref<!tpu.dma_semaphore, #tpu.memory_space<semaphore_mem>>
      %dma_start3A_182 = arith.constant 0 : i32
      %dma_start3A_183 = arith.constant 0 : i32
      %dma_start3A_184 = tpu.memref_slice %arg14[%dma_start3A_182, %dma_start3A_183] : memref<64x16xf32, #tpu.memory_space<vmem>> -> memref<50x16xf32, #tpu.memory_space<vmem>>
      %dma_start3A_185 = arith.constant 0 : i32
      %dma_start3A_186 = tpu.memref_slice %arg15[%add3A_148, %dma_start3A_185] : memref<10016x16xf32, #tpu.memory_space<vmem_shared>> -> memref<50x16xf32, #tpu.memory_space<vmem_shared>>
      %dma_start3A_187 = arith.constant 0 : i32
      %dma_start3A_188 = tpu.memref_slice %arg15[%add3A_148, %dma_start3A_187] : memref<10016x16xf32, #tpu.memory_space<vmem_shared>> -> memref<50x16xf32, #tpu.memory_space<vmem_shared>>
      %dma_start3A_189 = arith.constant 0 : i32
      %dma_start3A_190 = arith.constant 0 : i32
      %dma_start3A_191 = tpu.memref_slice %arg14[%dma_start3A_189, %dma_start3A_190] : memref<64x16xf32, #tpu.memory_space<vmem>> -> memref<50x16xf32, #tpu.memory_space<vmem>>
      tpu.enqueue_dma source(%dma_start3A_191 : memref<50x16xf32, #tpu.memory_space<vmem>>) target(%dma_start3A_188 : memref<50x16xf32, #tpu.memory_space<vmem_shared>>) target_semaphore(%run_scoped3A_181 : memref<!tpu.dma_semaphore, #tpu.memory_space<semaphore_mem>>)
      %dma_wait3A_192 = arith.constant 0 : i32
      %dma_wait3A_193 = arith.constant 0 : i32
      %dma_wait3A_194 = tpu.memref_slice %arg14[%dma_wait3A_192, %dma_wait3A_193] : memref<64x16xf32, #tpu.memory_space<vmem>> -> memref<50x16xf32, #tpu.memory_space<vmem>>
      %dma_wait3A_195 = arith.constant 0 : i32
      %dma_wait3A_196 = tpu.memref_slice %arg15[%add3A_148, %dma_wait3A_195] : memref<10016x16xf32, #tpu.memory_space<vmem_shared>> -> memref<50x16xf32, #tpu.memory_space<vmem_shared>>
      %dma_wait3A_197 = arith.constant 0 : i32
      %dma_wait3A_198 = tpu.memref_slice %arg15[%add3A_148, %dma_wait3A_197] : memref<10016x16xf32, #tpu.memory_space<vmem_shared>> -> memref<50x16xf32, #tpu.memory_space<vmem_shared>>
      %dma_wait3A_199 = arith.constant 0 : i32
      %dma_wait3A_200 = arith.constant 0 : i32
      %dma_wait3A_201 = tpu.memref_slice %arg14[%dma_wait3A_199, %dma_wait3A_200] : memref<64x16xf32, #tpu.memory_space<vmem>> -> memref<50x16xf32, #tpu.memory_space<vmem>>
      tpu.wait_dma2 semaphore(%run_scoped3A_181 : memref<!tpu.dma_semaphore, #tpu.memory_space<semaphore_mem>>) src(%dma_wait3A_201 : memref<50x16xf32, #tpu.memory_space<vmem>>) dst(%dma_wait3A_198 : memref<50x16xf32, #tpu.memory_space<vmem_shared>>)
      tpu.yield
    }) : () -> ()
    %mul3A_149 = arith.constant 10000 : i32
    %mul3A_150 = arith.muli %add3A, %mul3A_149 : i32
    %run_scoped3A = arith.constant 0 : i32
    "tpu.region"() ({
      %run_scoped3A_181 = tpu.sem_alloc : memref<!tpu.dma_semaphore, #tpu.memory_space<semaphore_mem>>
      %dma_start3A_182 = arith.constant 0 : i32
      %dma_start3A_183 = tpu.memref_slice %arg6[%dma_start3A_182] : memref<10112xi32, #tpu.memory_space<vmem>> -> memref<10000xi32, #tpu.memory_space<vmem>>
      %dma_start3A_184 = tpu.memref_slice %arg3[%run_scoped3A, %mul3A_150] : memref<2x320000xi32, #tpu.memory_space<hbm>> -> memref<1x10000xi32, #tpu.memory_space<hbm>>
      %dma_start3A_185 = tpu.memref_squeeze %dma_start3A_184 : memref<1x10000xi32, #tpu.memory_space<hbm>> -> memref<10000xi32, #tpu.memory_space<hbm>>
      %dma_start3A_186 = arith.constant 0 : i32
      %dma_start3A_187 = tpu.memref_slice %arg6[%dma_start3A_186] : memref<10112xi32, #tpu.memory_space<vmem>> -> memref<10000xi32, #tpu.memory_space<vmem>>
      %dma_start3A_188 = tpu.memref_slice %arg3[%run_scoped3A, %mul3A_150] : memref<2x320000xi32, #tpu.memory_space<hbm>> -> memref<1x10000xi32, #tpu.memory_space<hbm>>
      %dma_start3A_189 = tpu.memref_squeeze %dma_start3A_188 : memref<1x10000xi32, #tpu.memory_space<hbm>> -> memref<10000xi32, #tpu.memory_space<hbm>>
      tpu.enqueue_dma source(%dma_start3A_189 : memref<10000xi32, #tpu.memory_space<hbm>>) target(%dma_start3A_187 : memref<10000xi32, #tpu.memory_space<vmem>>) target_semaphore(%run_scoped3A_181 : memref<!tpu.dma_semaphore, #tpu.memory_space<semaphore_mem>>)
      %dma_wait3A_190 = arith.constant 0 : i32
      %dma_wait3A_191 = tpu.memref_slice %arg6[%dma_wait3A_190] : memref<10112xi32, #tpu.memory_space<vmem>> -> memref<10000xi32, #tpu.memory_space<vmem>>
      %dma_wait3A_192 = tpu.memref_slice %arg3[%run_scoped3A, %mul3A_150] : memref<2x320000xi32, #tpu.memory_space<hbm>> -> memref<1x10000xi32, #tpu.memory_space<hbm>>
      %dma_wait3A_193 = tpu.memref_squeeze %dma_wait3A_192 : memref<1x10000xi32, #tpu.memory_space<hbm>> -> memref<10000xi32, #tpu.memory_space<hbm>>
      %dma_wait3A_194 = arith.constant 0 : i32
      %dma_wait3A_195 = tpu.memref_slice %arg6[%dma_wait3A_194] : memref<10112xi32, #tpu.memory_space<vmem>> -> memref<10000xi32, #tpu.memory_space<vmem>>
      %dma_wait3A_196 = tpu.memref_slice %arg3[%run_scoped3A, %mul3A_150] : memref<2x320000xi32, #tpu.memory_space<hbm>> -> memref<1x10000xi32, #tpu.memory_space<hbm>>
      %dma_wait3A_197 = tpu.memref_squeeze %dma_wait3A_196 : memref<1x10000xi32, #tpu.memory_space<hbm>> -> memref<10000xi32, #tpu.memory_space<hbm>>
      tpu.wait_dma2 semaphore(%run_scoped3A_181 : memref<!tpu.dma_semaphore, #tpu.memory_space<semaphore_mem>>) src(%dma_wait3A_197 : memref<10000xi32, #tpu.memory_space<hbm>>) dst(%dma_wait3A_195 : memref<10000xi32, #tpu.memory_space<vmem>>)
      tpu.yield
    }) : () -> ()
    %mul3A_151 = arith.constant 10000 : i32
    %mul3A_152 = arith.muli %add3A, %mul3A_151 : i32
    %run_scoped3A_153 = arith.constant 1 : i32
    "tpu.region"() ({
      %run_scoped3A_181 = tpu.sem_alloc : memref<!tpu.dma_semaphore, #tpu.memory_space<semaphore_mem>>
      %dma_start3A_182 = arith.constant 0 : i32
      %dma_start3A_183 = tpu.memref_slice %arg7[%dma_start3A_182] : memref<10112xi32, #tpu.memory_space<vmem>> -> memref<10000xi32, #tpu.memory_space<vmem>>
      %dma_start3A_184 = tpu.memref_slice %arg3[%run_scoped3A_153, %mul3A_152] : memref<2x320000xi32, #tpu.memory_space<hbm>> -> memref<1x10000xi32, #tpu.memory_space<hbm>>
      %dma_start3A_185 = tpu.memref_squeeze %dma_start3A_184 : memref<1x10000xi32, #tpu.memory_space<hbm>> -> memref<10000xi32, #tpu.memory_space<hbm>>
      %dma_start3A_186 = arith.constant 0 : i32
      %dma_start3A_187 = tpu.memref_slice %arg7[%dma_start3A_186] : memref<10112xi32, #tpu.memory_space<vmem>> -> memref<10000xi32, #tpu.memory_space<vmem>>
      %dma_start3A_188 = tpu.memref_slice %arg3[%run_scoped3A_153, %mul3A_152] : memref<2x320000xi32, #tpu.memory_space<hbm>> -> memref<1x10000xi32, #tpu.memory_space<hbm>>
      %dma_start3A_189 = tpu.memref_squeeze %dma_start3A_188 : memref<1x10000xi32, #tpu.memory_space<hbm>> -> memref<10000xi32, #tpu.memory_space<hbm>>
      tpu.enqueue_dma source(%dma_start3A_189 : memref<10000xi32, #tpu.memory_space<hbm>>) target(%dma_start3A_187 : memref<10000xi32, #tpu.memory_space<vmem>>) target_semaphore(%run_scoped3A_181 : memref<!tpu.dma_semaphore, #tpu.memory_space<semaphore_mem>>)
      %dma_wait3A_190 = arith.constant 0 : i32
      %dma_wait3A_191 = tpu.memref_slice %arg7[%dma_wait3A_190] : memref<10112xi32, #tpu.memory_space<vmem>> -> memref<10000xi32, #tpu.memory_space<vmem>>
      %dma_wait3A_192 = tpu.memref_slice %arg3[%run_scoped3A_153, %mul3A_152] : memref<2x320000xi32, #tpu.memory_space<hbm>> -> memref<1x10000xi32, #tpu.memory_space<hbm>>
      %dma_wait3A_193 = tpu.memref_squeeze %dma_wait3A_192 : memref<1x10000xi32, #tpu.memory_space<hbm>> -> memref<10000xi32, #tpu.memory_space<hbm>>
      %dma_wait3A_194 = arith.constant 0 : i32
      %dma_wait3A_195 = tpu.memref_slice %arg7[%dma_wait3A_194] : memref<10112xi32, #tpu.memory_space<vmem>> -> memref<10000xi32, #tpu.memory_space<vmem>>
      %dma_wait3A_196 = tpu.memref_slice %arg3[%run_scoped3A_153, %mul3A_152] : memref<2x320000xi32, #tpu.memory_space<hbm>> -> memref<1x10000xi32, #tpu.memory_space<hbm>>
      %dma_wait3A_197 = tpu.memref_squeeze %dma_wait3A_196 : memref<1x10000xi32, #tpu.memory_space<hbm>> -> memref<10000xi32, #tpu.memory_space<hbm>>
      tpu.wait_dma2 semaphore(%run_scoped3A_181 : memref<!tpu.dma_semaphore, #tpu.memory_space<semaphore_mem>>) src(%dma_wait3A_197 : memref<10000xi32, #tpu.memory_space<hbm>>) dst(%dma_wait3A_195 : memref<10000xi32, #tpu.memory_space<vmem>>)
      tpu.yield
    }) : () -> ()
    %barrier3A = arith.constant 0 : index
    tpu.barrier barrier_id(%barrier3A)
    %dma_start3A = arith.constant 0 : i32
    %dma_start3A_154 = tpu.memref_slice %arg6[%dma_start3A] : memref<10112xi32, #tpu.memory_space<vmem>> -> memref<64xi32, #tpu.memory_space<vmem>>
    %dma_start3A_155 = arith.constant 0 : i32
    %dma_start3A_156 = arith.constant 0 : i32
    %dma_start3A_157 = tpu.memref_slice %arg2[%dma_start3A_155, %dma_start3A_156] : memref<10000x128xf32, #tpu.memory_space<hbm>> -> memref<10000x128xf32, #tpu.memory_space<hbm>>
    tpu.enqueue_indirect_dma source(%dma_start3A_157 : memref<10000x128xf32, #tpu.memory_space<hbm>>) target(%arg8 : memref<64x128xf32, #tpu.memory_space<vmem>>) offsets(%dma_start3A_154 : memref<64xi32, #tpu.memory_space<vmem>>) semaphore(%arg11 : memref<!tpu.dma_semaphore, #tpu.memory_space<semaphore_mem>>)
    %scan3A_158 = arith.constant 0 : i32
    %scan3A_159 = arith.constant 0 : i32
    %scan3A_160 = arith.constant 78 : i32
    %scan3A_161 = arith.addi %scan3A_159, %scan3A_160 : i32
    %scan3A_162 = arith.constant 1 : i32
    scf.for %scan3A_181 = %scan3A_159 to %scan3A_161 step %scan3A_162  : i32 {
      %mul3A_182 = arith.constant 2 : i32
      %mul3A_183 = arith.muli %mul3A_182, %scan3A_181 : i32
      %add3A_184 = arith.constant 1 : i32
      %add3A_185 = arith.addi %mul3A_183, %add3A_184 : i32
      %mul3A_186 = arith.constant 64 : i32
      %mul3A_187 = arith.muli %add3A_185, %mul3A_186 : i32
      %dma_start3A_188 = tpu.memref_slice %arg6[%mul3A_187] : memref<10112xi32, #tpu.memory_space<vmem>> -> memref<64xi32, #tpu.memory_space<vmem>>
      %dma_start3A_189 = arith.constant 0 : i32
      %dma_start3A_190 = arith.constant 0 : i32
      %dma_start3A_191 = tpu.memref_slice %arg2[%dma_start3A_189, %dma_start3A_190] : memref<10000x128xf32, #tpu.memory_space<hbm>> -> memref<10000x128xf32, #tpu.memory_space<hbm>>
      tpu.enqueue_indirect_dma source(%dma_start3A_191 : memref<10000x128xf32, #tpu.memory_space<hbm>>) target(%arg9 : memref<64x128xf32, #tpu.memory_space<vmem>>) offsets(%dma_start3A_188 : memref<64xi32, #tpu.memory_space<vmem>>) semaphore(%arg12 : memref<!tpu.dma_semaphore, #tpu.memory_space<semaphore_mem>>)
      %mul3A_192 = arith.constant 64 : i32
      %mul3A_193 = arith.muli %mul3A_183, %mul3A_192 : i32
      %dma_wait3A_194 = tpu.memref_slice %arg6[%mul3A_193] : memref<10112xi32, #tpu.memory_space<vmem>> -> memref<64xi32, #tpu.memory_space<vmem>>
      %dma_wait3A_195 = arith.constant 0 : i32
      %dma_wait3A_196 = arith.constant 0 : i32
      %dma_wait3A_197 = tpu.memref_slice %arg2[%dma_wait3A_195, %dma_wait3A_196] : memref<10000x128xf32, #tpu.memory_space<hbm>> -> memref<10000x128xf32, #tpu.memory_space<hbm>>
      tpu.wait_indirect_dma semaphore(%arg11 : memref<!tpu.dma_semaphore, #tpu.memory_space<semaphore_mem>>) src(%dma_wait3A_197 : memref<10000x128xf32, #tpu.memory_space<hbm>>) dst(%arg8 : memref<64x128xf32, #tpu.memory_space<vmem>>)
      %mul3A_198 = arith.constant 64 : i32
      %mul3A_199 = arith.muli %mul3A_183, %mul3A_198 : i32
      "tpu.region"() ({
        %run_scoped3A_224 = tpu.sem_alloc : memref<!tpu.dma_semaphore, #tpu.memory_space<semaphore_mem>>
        %dma_start3A_225 = tpu.memref_slice %arg7[%mul3A_199] : memref<10112xi32, #tpu.memory_space<vmem>> -> memref<64xi32, #tpu.memory_space<vmem>>
        %dma_start3A_226 = arith.constant 0 : i32
        %dma_start3A_227 = arith.constant 0 : i32
        %dma_start3A_228 = tpu.memref_slice %arg10[%dma_start3A_226, %dma_start3A_227] : memref<10016x128xf32, #tpu.memory_space<vmem_shared>> -> memref<10016x128xf32, #tpu.memory_space<vmem_shared>>
        tpu.enqueue_indirect_dma source(%arg8 : memref<64x128xf32, #tpu.memory_space<vmem>>) target(%dma_start3A_228 : memref<10016x128xf32, #tpu.memory_space<vmem_shared>>) offsets(%dma_start3A_225 : memref<64xi32, #tpu.memory_space<vmem>>) semaphore(%run_scoped3A_224 : memref<!tpu.dma_semaphore, #tpu.memory_space<semaphore_mem>>) {add = true}
        %dma_wait3A_229 = tpu.memref_slice %arg7[%mul3A_199] : memref<10112xi32, #tpu.memory_space<vmem>> -> memref<64xi32, #tpu.memory_space<vmem>>
        %dma_wait3A_230 = arith.constant 0 : i32
        %dma_wait3A_231 = arith.constant 0 : i32
        %dma_wait3A_232 = tpu.memref_slice %arg10[%dma_wait3A_230, %dma_wait3A_231] : memref<10016x128xf32, #tpu.memory_space<vmem_shared>> -> memref<10016x128xf32, #tpu.memory_space<vmem_shared>>
        tpu.wait_indirect_dma semaphore(%run_scoped3A_224 : memref<!tpu.dma_semaphore, #tpu.memory_space<semaphore_mem>>) src(%arg8 : memref<64x128xf32, #tpu.memory_space<vmem>>) dst(%dma_wait3A_232 : memref<10016x128xf32, #tpu.memory_space<vmem_shared>>)
        tpu.yield
      }) : () -> ()
      %mul3A_200 = arith.constant 64 : i32
      %mul3A_201 = arith.muli %mul3A_183, %mul3A_200 : i32
      "tpu.region"() ({
        %run_scoped3A_224 = tpu.sem_alloc : memref<!tpu.dma_semaphore, #tpu.memory_space<semaphore_mem>>
        %dma_start3A_225 = tpu.memref_slice %arg7[%mul3A_201] : memref<10112xi32, #tpu.memory_space<vmem>> -> memref<64xi32, #tpu.memory_space<vmem>>
        %dma_start3A_226 = arith.constant 0 : i32
        %dma_start3A_227 = arith.constant 0 : i32
        %dma_start3A_228 = tpu.memref_slice %arg15[%dma_start3A_226, %dma_start3A_227] : memref<10016x16xf32, #tpu.memory_space<vmem_shared>> -> memref<10016x16xf32, #tpu.memory_space<vmem_shared>>
        tpu.enqueue_indirect_dma source(%arg13 : memref<64x16xf32, #tpu.memory_space<vmem>>) target(%dma_start3A_228 : memref<10016x16xf32, #tpu.memory_space<vmem_shared>>) offsets(%dma_start3A_225 : memref<64xi32, #tpu.memory_space<vmem>>) semaphore(%run_scoped3A_224 : memref<!tpu.dma_semaphore, #tpu.memory_space<semaphore_mem>>) {add = true}
        %dma_wait3A_229 = tpu.memref_slice %arg7[%mul3A_201] : memref<10112xi32, #tpu.memory_space<vmem>> -> memref<64xi32, #tpu.memory_space<vmem>>
        %dma_wait3A_230 = arith.constant 0 : i32
        %dma_wait3A_231 = arith.constant 0 : i32
        %dma_wait3A_232 = tpu.memref_slice %arg15[%dma_wait3A_230, %dma_wait3A_231] : memref<10016x16xf32, #tpu.memory_space<vmem_shared>> -> memref<10016x16xf32, #tpu.memory_space<vmem_shared>>
        tpu.wait_indirect_dma semaphore(%run_scoped3A_224 : memref<!tpu.dma_semaphore, #tpu.memory_space<semaphore_mem>>) src(%arg13 : memref<64x16xf32, #tpu.memory_space<vmem>>) dst(%dma_wait3A_232 : memref<10016x16xf32, #tpu.memory_space<vmem_shared>>)
        tpu.yield
      }) : () -> ()
      %add3A_202 = arith.constant 2 : i32
      %add3A_203 = arith.addi %mul3A_183, %add3A_202 : i32
      %mul3A_204 = arith.constant 64 : i32
      %mul3A_205 = arith.muli %add3A_203, %mul3A_204 : i32
      %dma_start3A_206 = tpu.memref_slice %arg6[%mul3A_205] : memref<10112xi32, #tpu.memory_space<vmem>> -> memref<64xi32, #tpu.memory_space<vmem>>
      %dma_start3A_207 = arith.constant 0 : i32
      %dma_start3A_208 = arith.constant 0 : i32
      %dma_start3A_209 = tpu.memref_slice %arg2[%dma_start3A_207, %dma_start3A_208] : memref<10000x128xf32, #tpu.memory_space<hbm>> -> memref<10000x128xf32, #tpu.memory_space<hbm>>
      tpu.enqueue_indirect_dma source(%dma_start3A_209 : memref<10000x128xf32, #tpu.memory_space<hbm>>) target(%arg8 : memref<64x128xf32, #tpu.memory_space<vmem>>) offsets(%dma_start3A_206 : memref<64xi32, #tpu.memory_space<vmem>>) semaphore(%arg11 : memref<!tpu.dma_semaphore, #tpu.memory_space<semaphore_mem>>)
      %add3A_210 = arith.constant 1 : i32
      %add3A_211 = arith.addi %mul3A_183, %add3A_210 : i32
      %mul3A_212 = arith.constant 64 : i32
      %mul3A_213 = arith.muli %add3A_211, %mul3A_212 : i32
      %dma_wait3A_214 = tpu.memref_slice %arg6[%mul3A_213] : memref<10112xi32, #tpu.memory_space<vmem>> -> memref<64xi32, #tpu.memory_space<vmem>>
      %dma_wait3A_215 = arith.constant 0 : i32
      %dma_wait3A_216 = arith.constant 0 : i32
      %dma_wait3A_217 = tpu.memref_slice %arg2[%dma_wait3A_215, %dma_wait3A_216] : memref<10000x128xf32, #tpu.memory_space<hbm>> -> memref<10000x128xf32, #tpu.memory_space<hbm>>
      tpu.wait_indirect_dma semaphore(%arg12 : memref<!tpu.dma_semaphore, #tpu.memory_space<semaphore_mem>>) src(%dma_wait3A_217 : memref<10000x128xf32, #tpu.memory_space<hbm>>) dst(%arg9 : memref<64x128xf32, #tpu.memory_space<vmem>>)
      %add3A_218 = arith.constant 1 : i32
      %add3A_219 = arith.addi %mul3A_183, %add3A_218 : i32
      %mul3A_220 = arith.constant 64 : i32
      %mul3A_221 = arith.muli %add3A_219, %mul3A_220 : i32
      "tpu.region"() ({
        %run_scoped3A_224 = tpu.sem_alloc : memref<!tpu.dma_semaphore, #tpu.memory_space<semaphore_mem>>
        %dma_start3A_225 = tpu.memref_slice %arg7[%mul3A_221] : memref<10112xi32, #tpu.memory_space<vmem>> -> memref<64xi32, #tpu.memory_space<vmem>>
        %dma_start3A_226 = arith.constant 0 : i32
        %dma_start3A_227 = arith.constant 0 : i32
        %dma_start3A_228 = tpu.memref_slice %arg10[%dma_start3A_226, %dma_start3A_227] : memref<10016x128xf32, #tpu.memory_space<vmem_shared>> -> memref<10016x128xf32, #tpu.memory_space<vmem_shared>>
        tpu.enqueue_indirect_dma source(%arg9 : memref<64x128xf32, #tpu.memory_space<vmem>>) target(%dma_start3A_228 : memref<10016x128xf32, #tpu.memory_space<vmem_shared>>) offsets(%dma_start3A_225 : memref<64xi32, #tpu.memory_space<vmem>>) semaphore(%run_scoped3A_224 : memref<!tpu.dma_semaphore, #tpu.memory_space<semaphore_mem>>) {add = true}
        %dma_wait3A_229 = tpu.memref_slice %arg7[%mul3A_221] : memref<10112xi32, #tpu.memory_space<vmem>> -> memref<64xi32, #tpu.memory_space<vmem>>
        %dma_wait3A_230 = arith.constant 0 : i32
        %dma_wait3A_231 = arith.constant 0 : i32
        %dma_wait3A_232 = tpu.memref_slice %arg10[%dma_wait3A_230, %dma_wait3A_231] : memref<10016x128xf32, #tpu.memory_space<vmem_shared>> -> memref<10016x128xf32, #tpu.memory_space<vmem_shared>>
        tpu.wait_indirect_dma semaphore(%run_scoped3A_224 : memref<!tpu.dma_semaphore, #tpu.memory_space<semaphore_mem>>) src(%arg9 : memref<64x128xf32, #tpu.memory_space<vmem>>) dst(%dma_wait3A_232 : memref<10016x128xf32, #tpu.memory_space<vmem_shared>>)
        tpu.yield
      }) : () -> ()
      %mul3A_222 = arith.constant 64 : i32
      %mul3A_223 = arith.muli %add3A_219, %mul3A_222 : i32
      "tpu.region"() ({
        %run_scoped3A_224 = tpu.sem_alloc : memref<!tpu.dma_semaphore, #tpu.memory_space<semaphore_mem>>
        %dma_start3A_225 = tpu.memref_slice %arg7[%mul3A_223] : memref<10112xi32, #tpu.memory_space<vmem>> -> memref<64xi32, #tpu.memory_space<vmem>>
        %dma_start3A_226 = arith.constant 0 : i32
        %dma_start3A_227 = arith.constant 0 : i32
        %dma_start3A_228 = tpu.memref_slice %arg15[%dma_start3A_226, %dma_start3A_227] : memref<10016x16xf32, #tpu.memory_space<vmem_shared>> -> memref<10016x16xf32, #tpu.memory_space<vmem_shared>>
        tpu.enqueue_indirect_dma source(%arg13 : memref<64x16xf32, #tpu.memory_space<vmem>>) target(%dma_start3A_228 : memref<10016x16xf32, #tpu.memory_space<vmem_shared>>) offsets(%dma_start3A_225 : memref<64xi32, #tpu.memory_space<vmem>>) semaphore(%run_scoped3A_224 : memref<!tpu.dma_semaphore, #tpu.memory_space<semaphore_mem>>) {add = true}
        %dma_wait3A_229 = tpu.memref_slice %arg7[%mul3A_223] : memref<10112xi32, #tpu.memory_space<vmem>> -> memref<64xi32, #tpu.memory_space<vmem>>
        %dma_wait3A_230 = arith.constant 0 : i32
        %dma_wait3A_231 = arith.constant 0 : i32
        %dma_wait3A_232 = tpu.memref_slice %arg15[%dma_wait3A_230, %dma_wait3A_231] : memref<10016x16xf32, #tpu.memory_space<vmem_shared>> -> memref<10016x16xf32, #tpu.memory_space<vmem_shared>>
        tpu.wait_indirect_dma semaphore(%run_scoped3A_224 : memref<!tpu.dma_semaphore, #tpu.memory_space<semaphore_mem>>) src(%arg13 : memref<64x16xf32, #tpu.memory_space<vmem>>) dst(%dma_wait3A_232 : memref<10016x16xf32, #tpu.memory_space<vmem_shared>>)
        tpu.yield
      }) : () -> ()
    }
    %scan3A_163 = arith.constant 78 : i32
    %dma_start3A_164 = arith.constant 10048 : i32
    %dma_start3A_165 = tpu.memref_slice %arg6[%dma_start3A_164] : memref<10112xi32, #tpu.memory_space<vmem>> -> memref<64xi32, #tpu.memory_space<vmem>>
    %dma_start3A_166 = arith.constant 0 : i32
    %dma_start3A_167 = arith.constant 0 : i32
    %dma_start3A_168 = tpu.memref_slice %arg2[%dma_start3A_166, %dma_start3A_167] : memref<10000x128xf32, #tpu.memory_space<hbm>> -> memref<10000x128xf32, #tpu.memory_space<hbm>>
    tpu.enqueue_indirect_dma source(%dma_start3A_168 : memref<10000x128xf32, #tpu.memory_space<hbm>>) target(%arg9 : memref<64x128xf32, #tpu.memory_space<vmem>>) offsets(%dma_start3A_165 : memref<64xi32, #tpu.memory_space<vmem>>) semaphore(%arg12 : memref<!tpu.dma_semaphore, #tpu.memory_space<semaphore_mem>>)
    %dma_wait3A = arith.constant 9984 : i32
    %dma_wait3A_169 = tpu.memref_slice %arg6[%dma_wait3A] : memref<10112xi32, #tpu.memory_space<vmem>> -> memref<64xi32, #tpu.memory_space<vmem>>
    %dma_wait3A_170 = arith.constant 0 : i32
    %dma_wait3A_171 = arith.constant 0 : i32
    %dma_wait3A_172 = tpu.memref_slice %arg2[%dma_wait3A_170, %dma_wait3A_171] : memref<10000x128xf32, #tpu.memory_space<hbm>> -> memref<10000x128xf32, #tpu.memory_space<hbm>>
    tpu.wait_indirect_dma semaphore(%arg11 : memref<!tpu.dma_semaphore, #tpu.memory_space<semaphore_mem>>) src(%dma_wait3A_172 : memref<10000x128xf32, #tpu.memory_space<hbm>>) dst(%arg8 : memref<64x128xf32, #tpu.memory_space<vmem>>)
    "tpu.region"() ({
      %run_scoped3A_181 = tpu.sem_alloc : memref<!tpu.dma_semaphore, #tpu.memory_space<semaphore_mem>>
      %dma_start3A_182 = arith.constant 9984 : i32
      %dma_start3A_183 = tpu.memref_slice %arg7[%dma_start3A_182] : memref<10112xi32, #tpu.memory_space<vmem>> -> memref<64xi32, #tpu.memory_space<vmem>>
      %dma_start3A_184 = arith.constant 0 : i32
      %dma_start3A_185 = arith.constant 0 : i32
      %dma_start3A_186 = tpu.memref_slice %arg10[%dma_start3A_184, %dma_start3A_185] : memref<10016x128xf32, #tpu.memory_space<vmem_shared>> -> memref<10016x128xf32, #tpu.memory_space<vmem_shared>>
      tpu.enqueue_indirect_dma source(%arg8 : memref<64x128xf32, #tpu.memory_space<vmem>>) target(%dma_start3A_186 : memref<10016x128xf32, #tpu.memory_space<vmem_shared>>) offsets(%dma_start3A_183 : memref<64xi32, #tpu.memory_space<vmem>>) semaphore(%run_scoped3A_181 : memref<!tpu.dma_semaphore, #tpu.memory_space<semaphore_mem>>) {add = true}
      %dma_wait3A_187 = arith.constant 9984 : i32
      %dma_wait3A_188 = tpu.memref_slice %arg7[%dma_wait3A_187] : memref<10112xi32, #tpu.memory_space<vmem>> -> memref<64xi32, #tpu.memory_space<vmem>>
      %dma_wait3A_189 = arith.constant 0 : i32
      %dma_wait3A_190 = arith.constant 0 : i32
      %dma_wait3A_191 = tpu.memref_slice %arg10[%dma_wait3A_189, %dma_wait3A_190] : memref<10016x128xf32, #tpu.memory_space<vmem_shared>> -> memref<10016x128xf32, #tpu.memory_space<vmem_shared>>
      tpu.wait_indirect_dma semaphore(%run_scoped3A_181 : memref<!tpu.dma_semaphore, #tpu.memory_space<semaphore_mem>>) src(%arg8 : memref<64x128xf32, #tpu.memory_space<vmem>>) dst(%dma_wait3A_191 : memref<10016x128xf32, #tpu.memory_space<vmem_shared>>)
      tpu.yield
    }) : () -> ()
    "tpu.region"() ({
      %run_scoped3A_181 = tpu.sem_alloc : memref<!tpu.dma_semaphore, #tpu.memory_space<semaphore_mem>>
      %dma_start3A_182 = arith.constant 9984 : i32
      %dma_start3A_183 = tpu.memref_slice %arg7[%dma_start3A_182] : memref<10112xi32, #tpu.memory_space<vmem>> -> memref<64xi32, #tpu.memory_space<vmem>>
      %dma_start3A_184 = arith.constant 0 : i32
      %dma_start3A_185 = arith.constant 0 : i32
      %dma_start3A_186 = tpu.memref_slice %arg15[%dma_start3A_184, %dma_start3A_185] : memref<10016x16xf32, #tpu.memory_space<vmem_shared>> -> memref<10016x16xf32, #tpu.memory_space<vmem_shared>>
      tpu.enqueue_indirect_dma source(%arg13 : memref<64x16xf32, #tpu.memory_space<vmem>>) target(%dma_start3A_186 : memref<10016x16xf32, #tpu.memory_space<vmem_shared>>) offsets(%dma_start3A_183 : memref<64xi32, #tpu.memory_space<vmem>>) semaphore(%run_scoped3A_181 : memref<!tpu.dma_semaphore, #tpu.memory_space<semaphore_mem>>) {add = true}
      %dma_wait3A_187 = arith.constant 9984 : i32
      %dma_wait3A_188 = tpu.memref_slice %arg7[%dma_wait3A_187] : memref<10112xi32, #tpu.memory_space<vmem>> -> memref<64xi32, #tpu.memory_space<vmem>>
      %dma_wait3A_189 = arith.constant 0 : i32
      %dma_wait3A_190 = arith.constant 0 : i32
      %dma_wait3A_191 = tpu.memref_slice %arg15[%dma_wait3A_189, %dma_wait3A_190] : memref<10016x16xf32, #tpu.memory_space<vmem_shared>> -> memref<10016x16xf32, #tpu.memory_space<vmem_shared>>
      tpu.wait_indirect_dma semaphore(%run_scoped3A_181 : memref<!tpu.dma_semaphore, #tpu.memory_space<semaphore_mem>>) src(%arg13 : memref<64x16xf32, #tpu.memory_space<vmem>>) dst(%dma_wait3A_191 : memref<10016x16xf32, #tpu.memory_space<vmem_shared>>)
      tpu.yield
    }) : () -> ()
    %dma_wait3A_173 = arith.constant 10048 : i32
    %dma_wait3A_174 = tpu.memref_slice %arg6[%dma_wait3A_173] : memref<10112xi32, #tpu.memory_space<vmem>> -> memref<64xi32, #tpu.memory_space<vmem>>
    %dma_wait3A_175 = arith.constant 0 : i32
    %dma_wait3A_176 = arith.constant 0 : i32
    %dma_wait3A_177 = tpu.memref_slice %arg2[%dma_wait3A_175, %dma_wait3A_176] : memref<10000x128xf32, #tpu.memory_space<hbm>> -> memref<10000x128xf32, #tpu.memory_space<hbm>>
    tpu.wait_indirect_dma semaphore(%arg12 : memref<!tpu.dma_semaphore, #tpu.memory_space<semaphore_mem>>) src(%dma_wait3A_177 : memref<10000x128xf32, #tpu.memory_space<hbm>>) dst(%arg9 : memref<64x128xf32, #tpu.memory_space<vmem>>)
    "tpu.region"() ({
      %run_scoped3A_181 = tpu.sem_alloc : memref<!tpu.dma_semaphore, #tpu.memory_space<semaphore_mem>>
      %dma_start3A_182 = arith.constant 10048 : i32
      %dma_start3A_183 = tpu.memref_slice %arg7[%dma_start3A_182] : memref<10112xi32, #tpu.memory_space<vmem>> -> memref<64xi32, #tpu.memory_space<vmem>>
      %dma_start3A_184 = arith.constant 0 : i32
      %dma_start3A_185 = arith.constant 0 : i32
      %dma_start3A_186 = tpu.memref_slice %arg10[%dma_start3A_184, %dma_start3A_185] : memref<10016x128xf32, #tpu.memory_space<vmem_shared>> -> memref<10016x128xf32, #tpu.memory_space<vmem_shared>>
      tpu.enqueue_indirect_dma source(%arg9 : memref<64x128xf32, #tpu.memory_space<vmem>>) target(%dma_start3A_186 : memref<10016x128xf32, #tpu.memory_space<vmem_shared>>) offsets(%dma_start3A_183 : memref<64xi32, #tpu.memory_space<vmem>>) semaphore(%run_scoped3A_181 : memref<!tpu.dma_semaphore, #tpu.memory_space<semaphore_mem>>) {add = true}
      %dma_wait3A_187 = arith.constant 10048 : i32
      %dma_wait3A_188 = tpu.memref_slice %arg7[%dma_wait3A_187] : memref<10112xi32, #tpu.memory_space<vmem>> -> memref<64xi32, #tpu.memory_space<vmem>>
      %dma_wait3A_189 = arith.constant 0 : i32
      %dma_wait3A_190 = arith.constant 0 : i32
      %dma_wait3A_191 = tpu.memref_slice %arg10[%dma_wait3A_189, %dma_wait3A_190] : memref<10016x128xf32, #tpu.memory_space<vmem_shared>> -> memref<10016x128xf32, #tpu.memory_space<vmem_shared>>
      tpu.wait_indirect_dma semaphore(%run_scoped3A_181 : memref<!tpu.dma_semaphore, #tpu.memory_space<semaphore_mem>>) src(%arg9 : memref<64x128xf32, #tpu.memory_space<vmem>>) dst(%dma_wait3A_191 : memref<10016x128xf32, #tpu.memory_space<vmem_shared>>)
      tpu.yield
    }) : () -> ()
    "tpu.region"() ({
      %run_scoped3A_181 = tpu.sem_alloc : memref<!tpu.dma_semaphore, #tpu.memory_space<semaphore_mem>>
      %dma_start3A_182 = arith.constant 10048 : i32
      %dma_start3A_183 = tpu.memref_slice %arg7[%dma_start3A_182] : memref<10112xi32, #tpu.memory_space<vmem>> -> memref<64xi32, #tpu.memory_space<vmem>>
      %dma_start3A_184 = arith.constant 0 : i32
      %dma_start3A_185 = arith.constant 0 : i32
      %dma_start3A_186 = tpu.memref_slice %arg15[%dma_start3A_184, %dma_start3A_185] : memref<10016x16xf32, #tpu.memory_space<vmem_shared>> -> memref<10016x16xf32, #tpu.memory_space<vmem_shared>>
      tpu.enqueue_indirect_dma source(%arg13 : memref<64x16xf32, #tpu.memory_space<vmem>>) target(%dma_start3A_186 : memref<10016x16xf32, #tpu.memory_space<vmem_shared>>) offsets(%dma_start3A_183 : memref<64xi32, #tpu.memory_space<vmem>>) semaphore(%run_scoped3A_181 : memref<!tpu.dma_semaphore, #tpu.memory_space<semaphore_mem>>) {add = true}
      %dma_wait3A_187 = arith.constant 10048 : i32
      %dma_wait3A_188 = tpu.memref_slice %arg7[%dma_wait3A_187] : memref<10112xi32, #tpu.memory_space<vmem>> -> memref<64xi32, #tpu.memory_space<vmem>>
      %dma_wait3A_189 = arith.constant 0 : i32
      %dma_wait3A_190 = arith.constant 0 : i32
      %dma_wait3A_191 = tpu.memref_slice %arg15[%dma_wait3A_189, %dma_wait3A_190] : memref<10016x16xf32, #tpu.memory_space<vmem_shared>> -> memref<10016x16xf32, #tpu.memory_space<vmem_shared>>
      tpu.wait_indirect_dma semaphore(%run_scoped3A_181 : memref<!tpu.dma_semaphore, #tpu.memory_space<semaphore_mem>>) src(%arg13 : memref<64x16xf32, #tpu.memory_space<vmem>>) dst(%dma_wait3A_191 : memref<10016x16xf32, #tpu.memory_space<vmem_shared>>)
      tpu.yield
    }) : () -> ()
    %barrier3A_178 = arith.constant 0 : index
    tpu.barrier barrier_id(%barrier3A_178)
    %mul3A_179 = arith.constant 626 : i32
    %mul3A_180 = arith.muli %arg1, %mul3A_179 : i32
    "tpu.region"() ({
      %run_scoped3A_181 = tpu.sem_alloc : memref<!tpu.dma_semaphore, #tpu.memory_space<semaphore_mem>>
      %dma_start3A_182 = arith.constant 0 : i32
      %dma_start3A_183 = tpu.memref_slice %arg4[%arg0, %mul3A_180, %dma_start3A_182] : memref<2x10016x128xf32, #tpu.memory_space<hbm>> -> memref<1x626x128xf32, #tpu.memory_space<hbm>>
      %dma_start3A_184 = tpu.memref_squeeze %dma_start3A_183 : memref<1x626x128xf32, #tpu.memory_space<hbm>> -> memref<626x128xf32, #tpu.memory_space<hbm>>
      %dma_start3A_185 = arith.constant 0 : i32
      %dma_start3A_186 = tpu.memref_slice %arg10[%mul3A_180, %dma_start3A_185] : memref<10016x128xf32, #tpu.memory_space<vmem_shared>> -> memref<626x128xf32, #tpu.memory_space<vmem_shared>>
      tpu.enqueue_dma source(%dma_start3A_186 : memref<626x128xf32, #tpu.memory_space<vmem_shared>>) target(%dma_start3A_184 : memref<626x128xf32, #tpu.memory_space<hbm>>) target_semaphore(%run_scoped3A_181 : memref<!tpu.dma_semaphore, #tpu.memory_space<semaphore_mem>>)
      %dma_wait3A_187 = arith.constant 0 : i32
      %dma_wait3A_188 = tpu.memref_slice %arg4[%arg0, %mul3A_180, %dma_wait3A_187] : memref<2x10016x128xf32, #tpu.memory_space<hbm>> -> memref<1x626x128xf32, #tpu.memory_space<hbm>>
      %dma_wait3A_189 = tpu.memref_squeeze %dma_wait3A_188 : memref<1x626x128xf32, #tpu.memory_space<hbm>> -> memref<626x128xf32, #tpu.memory_space<hbm>>
      %dma_wait3A_190 = arith.constant 0 : i32
      %dma_wait3A_191 = tpu.memref_slice %arg10[%mul3A_180, %dma_wait3A_190] : memref<10016x128xf32, #tpu.memory_space<vmem_shared>> -> memref<626x128xf32, #tpu.memory_space<vmem_shared>>
      tpu.wait_dma2 semaphore(%run_scoped3A_181 : memref<!tpu.dma_semaphore, #tpu.memory_space<semaphore_mem>>) src(%dma_wait3A_191 : memref<626x128xf32, #tpu.memory_space<vmem_shared>>) dst(%dma_wait3A_189 : memref<626x128xf32, #tpu.memory_space<hbm>>)
      tpu.yield
    }) : () -> ()
    "tpu.region"() ({
      %run_scoped3A_181 = tpu.sem_alloc : memref<!tpu.dma_semaphore, #tpu.memory_space<semaphore_mem>>
      %dma_start3A_182 = arith.constant 0 : i32
      %dma_start3A_183 = tpu.memref_slice %arg5[%arg0, %mul3A_180, %dma_start3A_182] : memref<2x10016x16xf32, #tpu.memory_space<hbm>> -> memref<1x626x16xf32, #tpu.memory_space<hbm>>
      %dma_start3A_184 = tpu.memref_squeeze %dma_start3A_183 : memref<1x626x16xf32, #tpu.memory_space<hbm>> -> memref<626x16xf32, #tpu.memory_space<hbm>>
      %dma_start3A_185 = arith.constant 0 : i32
      %dma_start3A_186 = tpu.memref_slice %arg15[%mul3A_180, %dma_start3A_185] : memref<10016x16xf32, #tpu.memory_space<vmem_shared>> -> memref<626x16xf32, #tpu.memory_space<vmem_shared>>
      tpu.enqueue_dma source(%dma_start3A_186 : memref<626x16xf32, #tpu.memory_space<vmem_shared>>) target(%dma_start3A_184 : memref<626x16xf32, #tpu.memory_space<hbm>>) target_semaphore(%run_scoped3A_181 : memref<!tpu.dma_semaphore, #tpu.memory_space<semaphore_mem>>)
      %dma_wait3A_187 = arith.constant 0 : i32
      %dma_wait3A_188 = tpu.memref_slice %arg5[%arg0, %mul3A_180, %dma_wait3A_187] : memref<2x10016x16xf32, #tpu.memory_space<hbm>> -> memref<1x626x16xf32, #tpu.memory_space<hbm>>
      %dma_wait3A_189 = tpu.memref_squeeze %dma_wait3A_188 : memref<1x626x16xf32, #tpu.memory_space<hbm>> -> memref<626x16xf32, #tpu.memory_space<hbm>>
      %dma_wait3A_190 = arith.constant 0 : i32
      %dma_wait3A_191 = tpu.memref_slice %arg15[%mul3A_180, %dma_wait3A_190] : memref<10016x16xf32, #tpu.memory_space<vmem_shared>> -> memref<626x16xf32, #tpu.memory_space<vmem_shared>>
      tpu.wait_dma2 semaphore(%run_scoped3A_181 : memref<!tpu.dma_semaphore, #tpu.memory_space<semaphore_mem>>) src(%dma_wait3A_191 : memref<626x16xf32, #tpu.memory_space<vmem_shared>>) dst(%dma_wait3A_189 : memref<626x16xf32, #tpu.memory_space<hbm>>)
      tpu.yield
    }) : () -> ()
    return
  }
}

#map = affine_map<(d0, d1) -> (0, 0)>
#map1 = affine_map<(d0, d1) -> (0, 0, 0)>
module attributes {stable_mosaic.version = 14 : i64} {
  func.func @agg(%arg0: i32, %arg1: i32, %arg2: memref<10000x128xf32, #tpu.memory_space<hbm>>, %arg3: memref<2x320000xi32, #tpu.memory_space<hbm>>, %arg4: memref<2x10016x128xf32, #tpu.memory_space<hbm>>, %arg5: memref<10112xi32, #tpu.memory_space<vmem>>, %arg6: memref<10112xi32, #tpu.memory_space<vmem>>, %arg7: memref<64x128xf32, #tpu.memory_space<vmem>>, %arg8: memref<64x128xf32, #tpu.memory_space<vmem>>, %arg9: memref<10016x128xf32, #tpu.memory_space<vmem_shared>>, %arg10: memref<!tpu.dma_semaphore, #tpu.memory_space<semaphore_mem>>, %arg11: memref<!tpu.dma_semaphore, #tpu.memory_space<semaphore_mem>>) attributes {dimension_semantics = [#tpu.dimension_semantics<core_parallel>, #tpu.dimension_semantics<subcore_parallel>], iteration_bounds = array<i64: 2, 16>, scalar_prefetch = 0 : i64, scratch_operands = 7 : i64, tpu.core_type = #tpu.core_type<sc_vector_subcore>, window_params = [{transform_indices = #map}, {transform_indices = #map}, {transform_indices = #map1}]} {
    %mul3A = arith.constant 16 : i32
    %mul3A_0 = arith.muli %arg0, %mul3A : i32
    %add3A = arith.addi %mul3A_0, %arg1 : i32
    %broadcast_in_dim3A = arith.constant 0.000000e+00 : f32
    %broadcast_in_dim3A_1 = vector.broadcast %broadcast_in_dim3A : f32 to vector<16xf32>
    %broadcast_in_dim3A_2 = arith.constant 1.000000e+00 : f32
    %broadcast_in_dim3A_3 = vector.broadcast %broadcast_in_dim3A_2 : f32 to vector<16xf32>
    %scan3A = arith.constant 0 : i32
    %scan3A_4 = arith.constant 0 : i32
    %scan3A_5 = arith.constant 64 : i32
    %scan3A_6 = arith.addi %scan3A_4, %scan3A_5 : i32
    %scan3A_7 = arith.constant 1 : i32
    scf.for %scan3A_141 = %scan3A_4 to %scan3A_6 step %scan3A_7  : i32 {
      %swap3A_142 = arith.index_cast %scan3A_141 : i32 to index
      %swap3A_143 = arith.constant 0 : index
      %swap3A_144 = tpu.vector_load %arg7[%swap3A_142, %swap3A_143] {strides = array<i32>} : memref<64x128xf32, #tpu.memory_space<vmem>>, vector<1x16xf32>,
      %swap3A_145 = vector.shape_cast %swap3A_144 : vector<1x16xf32> to vector<16xf32>
      %swap3A_146 = vector.shape_cast %broadcast_in_dim3A_1 : vector<16xf32> to vector<1x16xf32>
      tpu.vector_store %arg7[%swap3A_142, %swap3A_143], %swap3A_146 {strides = array<i32>} : memref<64x128xf32, #tpu.memory_space<vmem>>, vector<1x16xf32>,
      %swap3A_147 = arith.index_cast %scan3A_141 : i32 to index
      %swap3A_148 = arith.constant 16 : index
      %swap3A_149 = tpu.vector_load %arg7[%swap3A_147, %swap3A_148] {strides = array<i32>} : memref<64x128xf32, #tpu.memory_space<vmem>>, vector<1x16xf32>,
      %swap3A_150 = vector.shape_cast %swap3A_149 : vector<1x16xf32> to vector<16xf32>
      %swap3A_151 = vector.shape_cast %broadcast_in_dim3A_1 : vector<16xf32> to vector<1x16xf32>
      tpu.vector_store %arg7[%swap3A_147, %swap3A_148], %swap3A_151 {strides = array<i32>} : memref<64x128xf32, #tpu.memory_space<vmem>>, vector<1x16xf32>,
      %swap3A_152 = arith.index_cast %scan3A_141 : i32 to index
      %swap3A_153 = arith.constant 32 : index
      %swap3A_154 = tpu.vector_load %arg7[%swap3A_152, %swap3A_153] {strides = array<i32>} : memref<64x128xf32, #tpu.memory_space<vmem>>, vector<1x16xf32>,
      %swap3A_155 = vector.shape_cast %swap3A_154 : vector<1x16xf32> to vector<16xf32>
      %swap3A_156 = vector.shape_cast %broadcast_in_dim3A_1 : vector<16xf32> to vector<1x16xf32>
      tpu.vector_store %arg7[%swap3A_152, %swap3A_153], %swap3A_156 {strides = array<i32>} : memref<64x128xf32, #tpu.memory_space<vmem>>, vector<1x16xf32>,
      %swap3A_157 = arith.index_cast %scan3A_141 : i32 to index
      %swap3A_158 = arith.constant 48 : index
      %swap3A_159 = tpu.vector_load %arg7[%swap3A_157, %swap3A_158] {strides = array<i32>} : memref<64x128xf32, #tpu.memory_space<vmem>>, vector<1x16xf32>,
      %swap3A_160 = vector.shape_cast %swap3A_159 : vector<1x16xf32> to vector<16xf32>
      %swap3A_161 = vector.shape_cast %broadcast_in_dim3A_1 : vector<16xf32> to vector<1x16xf32>
      tpu.vector_store %arg7[%swap3A_157, %swap3A_158], %swap3A_161 {strides = array<i32>} : memref<64x128xf32, #tpu.memory_space<vmem>>, vector<1x16xf32>,
      %swap3A_162 = arith.index_cast %scan3A_141 : i32 to index
      %swap3A_163 = arith.constant 64 : index
      %swap3A_164 = tpu.vector_load %arg7[%swap3A_162, %swap3A_163] {strides = array<i32>} : memref<64x128xf32, #tpu.memory_space<vmem>>, vector<1x16xf32>,
      %swap3A_165 = vector.shape_cast %swap3A_164 : vector<1x16xf32> to vector<16xf32>
      %swap3A_166 = vector.shape_cast %broadcast_in_dim3A_1 : vector<16xf32> to vector<1x16xf32>
      tpu.vector_store %arg7[%swap3A_162, %swap3A_163], %swap3A_166 {strides = array<i32>} : memref<64x128xf32, #tpu.memory_space<vmem>>, vector<1x16xf32>,
      %swap3A_167 = arith.index_cast %scan3A_141 : i32 to index
      %swap3A_168 = arith.constant 80 : index
      %swap3A_169 = tpu.vector_load %arg7[%swap3A_167, %swap3A_168] {strides = array<i32>} : memref<64x128xf32, #tpu.memory_space<vmem>>, vector<1x16xf32>,
      %swap3A_170 = vector.shape_cast %swap3A_169 : vector<1x16xf32> to vector<16xf32>
      %swap3A_171 = vector.shape_cast %broadcast_in_dim3A_1 : vector<16xf32> to vector<1x16xf32>
      tpu.vector_store %arg7[%swap3A_167, %swap3A_168], %swap3A_171 {strides = array<i32>} : memref<64x128xf32, #tpu.memory_space<vmem>>, vector<1x16xf32>,
      %swap3A_172 = arith.index_cast %scan3A_141 : i32 to index
      %swap3A_173 = arith.constant 96 : index
      %swap3A_174 = tpu.vector_load %arg7[%swap3A_172, %swap3A_173] {strides = array<i32>} : memref<64x128xf32, #tpu.memory_space<vmem>>, vector<1x16xf32>,
      %swap3A_175 = vector.shape_cast %swap3A_174 : vector<1x16xf32> to vector<16xf32>
      %swap3A_176 = vector.shape_cast %broadcast_in_dim3A_1 : vector<16xf32> to vector<1x16xf32>
      tpu.vector_store %arg7[%swap3A_172, %swap3A_173], %swap3A_176 {strides = array<i32>} : memref<64x128xf32, #tpu.memory_space<vmem>>, vector<1x16xf32>,
      %swap3A_177 = arith.index_cast %scan3A_141 : i32 to index
      %swap3A_178 = arith.constant 112 : index
      %swap3A_179 = tpu.vector_load %arg7[%swap3A_177, %swap3A_178] {strides = array<i32>} : memref<64x128xf32, #tpu.memory_space<vmem>>, vector<1x16xf32>,
      %swap3A_180 = vector.shape_cast %swap3A_179 : vector<1x16xf32> to vector<16xf32>
      %swap3A_181 = vector.shape_cast %broadcast_in_dim3A_1 : vector<16xf32> to vector<1x16xf32>
      tpu.vector_store %arg7[%swap3A_177, %swap3A_178], %swap3A_181 {strides = array<i32>} : memref<64x128xf32, #tpu.memory_space<vmem>>, vector<1x16xf32>,
    }
    %scan3A_8 = arith.constant 64 : i32
    %broadcast_in_dim3A_9 = arith.constant 0 : i32
    %broadcast_in_dim3A_10 = vector.broadcast %broadcast_in_dim3A_9 : i32 to vector<16xi32>
    %iota3A = tpu.iota {dimensions = array<i32: 0>} : vector<16xi32>
    %add3A_11 = arith.constant 10000 : i32
    %add3A_12 = vector.broadcast %add3A_11 : i32 to vector<16xi32>
    %add3A_13 = arith.addi %add3A_12, %iota3A : vector<16xi32>
    %swap3A = arith.constant 10000 : index
    %swap3A_14 = tpu.vector_load %arg5[%swap3A] {strides = array<i32>} : memref<10112xi32, #tpu.memory_space<vmem>>, vector<16xi32>,
    %swap3A_15 = vector.shape_cast %swap3A_14 : vector<16xi32> to vector<16xi32>
    %swap3A_16 = vector.shape_cast %broadcast_in_dim3A_10 : vector<16xi32> to vector<16xi32>
    tpu.vector_store %arg5[%swap3A], %swap3A_16 {strides = array<i32>} : memref<10112xi32, #tpu.memory_space<vmem>>, vector<16xi32>,
    %swap3A_17 = arith.constant 10000 : index
    %swap3A_18 = tpu.vector_load %arg6[%swap3A_17] {strides = array<i32>} : memref<10112xi32, #tpu.memory_space<vmem>>, vector<16xi32>,
    %swap3A_19 = vector.shape_cast %swap3A_18 : vector<16xi32> to vector<16xi32>
    %swap3A_20 = vector.shape_cast %add3A_13 : vector<16xi32> to vector<16xi32>
    tpu.vector_store %arg6[%swap3A_17], %swap3A_20 {strides = array<i32>} : memref<10112xi32, #tpu.memory_space<vmem>>, vector<16xi32>,
    %swap3A_21 = arith.constant 10016 : index
    %swap3A_22 = tpu.vector_load %arg5[%swap3A_21] {strides = array<i32>} : memref<10112xi32, #tpu.memory_space<vmem>>, vector<16xi32>,
    %swap3A_23 = vector.shape_cast %swap3A_22 : vector<16xi32> to vector<16xi32>
    %swap3A_24 = vector.shape_cast %broadcast_in_dim3A_10 : vector<16xi32> to vector<16xi32>
    tpu.vector_store %arg5[%swap3A_21], %swap3A_24 {strides = array<i32>} : memref<10112xi32, #tpu.memory_space<vmem>>, vector<16xi32>,
    %swap3A_25 = arith.constant 10016 : index
    %swap3A_26 = tpu.vector_load %arg6[%swap3A_25] {strides = array<i32>} : memref<10112xi32, #tpu.memory_space<vmem>>, vector<16xi32>,
    %swap3A_27 = vector.shape_cast %swap3A_26 : vector<16xi32> to vector<16xi32>
    %swap3A_28 = vector.shape_cast %add3A_13 : vector<16xi32> to vector<16xi32>
    tpu.vector_store %arg6[%swap3A_25], %swap3A_28 {strides = array<i32>} : memref<10112xi32, #tpu.memory_space<vmem>>, vector<16xi32>,
    %swap3A_29 = arith.constant 10032 : index
    %swap3A_30 = tpu.vector_load %arg5[%swap3A_29] {strides = array<i32>} : memref<10112xi32, #tpu.memory_space<vmem>>, vector<16xi32>,
    %swap3A_31 = vector.shape_cast %swap3A_30 : vector<16xi32> to vector<16xi32>
    %swap3A_32 = vector.shape_cast %broadcast_in_dim3A_10 : vector<16xi32> to vector<16xi32>
    tpu.vector_store %arg5[%swap3A_29], %swap3A_32 {strides = array<i32>} : memref<10112xi32, #tpu.memory_space<vmem>>, vector<16xi32>,
    %swap3A_33 = arith.constant 10032 : index
    %swap3A_34 = tpu.vector_load %arg6[%swap3A_33] {strides = array<i32>} : memref<10112xi32, #tpu.memory_space<vmem>>, vector<16xi32>,
    %swap3A_35 = vector.shape_cast %swap3A_34 : vector<16xi32> to vector<16xi32>
    %swap3A_36 = vector.shape_cast %add3A_13 : vector<16xi32> to vector<16xi32>
    tpu.vector_store %arg6[%swap3A_33], %swap3A_36 {strides = array<i32>} : memref<10112xi32, #tpu.memory_space<vmem>>, vector<16xi32>,
    %swap3A_37 = arith.constant 10048 : index
    %swap3A_38 = tpu.vector_load %arg5[%swap3A_37] {strides = array<i32>} : memref<10112xi32, #tpu.memory_space<vmem>>, vector<16xi32>,
    %swap3A_39 = vector.shape_cast %swap3A_38 : vector<16xi32> to vector<16xi32>
    %swap3A_40 = vector.shape_cast %broadcast_in_dim3A_10 : vector<16xi32> to vector<16xi32>
    tpu.vector_store %arg5[%swap3A_37], %swap3A_40 {strides = array<i32>} : memref<10112xi32, #tpu.memory_space<vmem>>, vector<16xi32>,
    %swap3A_41 = arith.constant 10048 : index
    %swap3A_42 = tpu.vector_load %arg6[%swap3A_41] {strides = array<i32>} : memref<10112xi32, #tpu.memory_space<vmem>>, vector<16xi32>,
    %swap3A_43 = vector.shape_cast %swap3A_42 : vector<16xi32> to vector<16xi32>
    %swap3A_44 = vector.shape_cast %add3A_13 : vector<16xi32> to vector<16xi32>
    tpu.vector_store %arg6[%swap3A_41], %swap3A_44 {strides = array<i32>} : memref<10112xi32, #tpu.memory_space<vmem>>, vector<16xi32>,
    %swap3A_45 = arith.constant 10064 : index
    %swap3A_46 = tpu.vector_load %arg5[%swap3A_45] {strides = array<i32>} : memref<10112xi32, #tpu.memory_space<vmem>>, vector<16xi32>,
    %swap3A_47 = vector.shape_cast %swap3A_46 : vector<16xi32> to vector<16xi32>
    %swap3A_48 = vector.shape_cast %broadcast_in_dim3A_10 : vector<16xi32> to vector<16xi32>
    tpu.vector_store %arg5[%swap3A_45], %swap3A_48 {strides = array<i32>} : memref<10112xi32, #tpu.memory_space<vmem>>, vector<16xi32>,
    %swap3A_49 = arith.constant 10064 : index
    %swap3A_50 = tpu.vector_load %arg6[%swap3A_49] {strides = array<i32>} : memref<10112xi32, #tpu.memory_space<vmem>>, vector<16xi32>,
    %swap3A_51 = vector.shape_cast %swap3A_50 : vector<16xi32> to vector<16xi32>
    %swap3A_52 = vector.shape_cast %add3A_13 : vector<16xi32> to vector<16xi32>
    tpu.vector_store %arg6[%swap3A_49], %swap3A_52 {strides = array<i32>} : memref<10112xi32, #tpu.memory_space<vmem>>, vector<16xi32>,
    %swap3A_53 = arith.constant 10080 : index
    %swap3A_54 = tpu.vector_load %arg5[%swap3A_53] {strides = array<i32>} : memref<10112xi32, #tpu.memory_space<vmem>>, vector<16xi32>,
    %swap3A_55 = vector.shape_cast %swap3A_54 : vector<16xi32> to vector<16xi32>
    %swap3A_56 = vector.shape_cast %broadcast_in_dim3A_10 : vector<16xi32> to vector<16xi32>
    tpu.vector_store %arg5[%swap3A_53], %swap3A_56 {strides = array<i32>} : memref<10112xi32, #tpu.memory_space<vmem>>, vector<16xi32>,
    %swap3A_57 = arith.constant 10080 : index
    %swap3A_58 = tpu.vector_load %arg6[%swap3A_57] {strides = array<i32>} : memref<10112xi32, #tpu.memory_space<vmem>>, vector<16xi32>,
    %swap3A_59 = vector.shape_cast %swap3A_58 : vector<16xi32> to vector<16xi32>
    %swap3A_60 = vector.shape_cast %add3A_13 : vector<16xi32> to vector<16xi32>
    tpu.vector_store %arg6[%swap3A_57], %swap3A_60 {strides = array<i32>} : memref<10112xi32, #tpu.memory_space<vmem>>, vector<16xi32>,
    %swap3A_61 = arith.constant 10096 : index
    %swap3A_62 = tpu.vector_load %arg5[%swap3A_61] {strides = array<i32>} : memref<10112xi32, #tpu.memory_space<vmem>>, vector<16xi32>,
    %swap3A_63 = vector.shape_cast %swap3A_62 : vector<16xi32> to vector<16xi32>
    %swap3A_64 = vector.shape_cast %broadcast_in_dim3A_10 : vector<16xi32> to vector<16xi32>
    tpu.vector_store %arg5[%swap3A_61], %swap3A_64 {strides = array<i32>} : memref<10112xi32, #tpu.memory_space<vmem>>, vector<16xi32>,
    %swap3A_65 = arith.constant 10096 : index
    %swap3A_66 = tpu.vector_load %arg6[%swap3A_65] {strides = array<i32>} : memref<10112xi32, #tpu.memory_space<vmem>>, vector<16xi32>,
    %swap3A_67 = vector.shape_cast %swap3A_66 : vector<16xi32> to vector<16xi32>
    %swap3A_68 = vector.shape_cast %add3A_13 : vector<16xi32> to vector<16xi32>
    tpu.vector_store %arg6[%swap3A_65], %swap3A_68 {strides = array<i32>} : memref<10112xi32, #tpu.memory_space<vmem>>, vector<16xi32>,
    %mul3A_69 = arith.constant 626 : i32
    %mul3A_70 = arith.muli %arg1, %mul3A_69 : i32
    %add3A_71 = arith.constant 0 : i32
    %add3A_72 = arith.addi %mul3A_70, %add3A_71 : i32
    "tpu.region"() ({
      %run_scoped3A_141 = tpu.sem_alloc : memref<!tpu.dma_semaphore, #tpu.memory_space<semaphore_mem>>
      %dma_start3A_142 = arith.constant 0 : i32
      %dma_start3A_143 = tpu.memref_slice %arg9[%add3A_72, %dma_start3A_142] : memref<10016x128xf32, #tpu.memory_space<vmem_shared>> -> memref<64x128xf32, #tpu.memory_space<vmem_shared>>
      %dma_start3A_144 = arith.constant 0 : i32
      %dma_start3A_145 = tpu.memref_slice %arg9[%add3A_72, %dma_start3A_144] : memref<10016x128xf32, #tpu.memory_space<vmem_shared>> -> memref<64x128xf32, #tpu.memory_space<vmem_shared>>
      tpu.enqueue_dma source(%arg7 : memref<64x128xf32, #tpu.memory_space<vmem>>) target(%dma_start3A_145 : memref<64x128xf32, #tpu.memory_space<vmem_shared>>) target_semaphore(%run_scoped3A_141 : memref<!tpu.dma_semaphore, #tpu.memory_space<semaphore_mem>>)
      %dma_wait3A_146 = arith.constant 0 : i32
      %dma_wait3A_147 = tpu.memref_slice %arg9[%add3A_72, %dma_wait3A_146] : memref<10016x128xf32, #tpu.memory_space<vmem_shared>> -> memref<64x128xf32, #tpu.memory_space<vmem_shared>>
      %dma_wait3A_148 = arith.constant 0 : i32
      %dma_wait3A_149 = tpu.memref_slice %arg9[%add3A_72, %dma_wait3A_148] : memref<10016x128xf32, #tpu.memory_space<vmem_shared>> -> memref<64x128xf32, #tpu.memory_space<vmem_shared>>
      tpu.wait_dma2 semaphore(%run_scoped3A_141 : memref<!tpu.dma_semaphore, #tpu.memory_space<semaphore_mem>>) src(%arg7 : memref<64x128xf32, #tpu.memory_space<vmem>>) dst(%dma_wait3A_149 : memref<64x128xf32, #tpu.memory_space<vmem_shared>>)
      tpu.yield
    }) : () -> ()
    %mul3A_73 = arith.constant 626 : i32
    %mul3A_74 = arith.muli %arg1, %mul3A_73 : i32
    %add3A_75 = arith.constant 64 : i32
    %add3A_76 = arith.addi %mul3A_74, %add3A_75 : i32
    "tpu.region"() ({
      %run_scoped3A_141 = tpu.sem_alloc : memref<!tpu.dma_semaphore, #tpu.memory_space<semaphore_mem>>
      %dma_start3A_142 = arith.constant 0 : i32
      %dma_start3A_143 = tpu.memref_slice %arg9[%add3A_76, %dma_start3A_142] : memref<10016x128xf32, #tpu.memory_space<vmem_shared>> -> memref<64x128xf32, #tpu.memory_space<vmem_shared>>
      %dma_start3A_144 = arith.constant 0 : i32
      %dma_start3A_145 = tpu.memref_slice %arg9[%add3A_76, %dma_start3A_144] : memref<10016x128xf32, #tpu.memory_space<vmem_shared>> -> memref<64x128xf32, #tpu.memory_space<vmem_shared>>
      tpu.enqueue_dma source(%arg7 : memref<64x128xf32, #tpu.memory_space<vmem>>) target(%dma_start3A_145 : memref<64x128xf32, #tpu.memory_space<vmem_shared>>) target_semaphore(%run_scoped3A_141 : memref<!tpu.dma_semaphore, #tpu.memory_space<semaphore_mem>>)
      %dma_wait3A_146 = arith.constant 0 : i32
      %dma_wait3A_147 = tpu.memref_slice %arg9[%add3A_76, %dma_wait3A_146] : memref<10016x128xf32, #tpu.memory_space<vmem_shared>> -> memref<64x128xf32, #tpu.memory_space<vmem_shared>>
      %dma_wait3A_148 = arith.constant 0 : i32
      %dma_wait3A_149 = tpu.memref_slice %arg9[%add3A_76, %dma_wait3A_148] : memref<10016x128xf32, #tpu.memory_space<vmem_shared>> -> memref<64x128xf32, #tpu.memory_space<vmem_shared>>
      tpu.wait_dma2 semaphore(%run_scoped3A_141 : memref<!tpu.dma_semaphore, #tpu.memory_space<semaphore_mem>>) src(%arg7 : memref<64x128xf32, #tpu.memory_space<vmem>>) dst(%dma_wait3A_149 : memref<64x128xf32, #tpu.memory_space<vmem_shared>>)
      tpu.yield
    }) : () -> ()
    %mul3A_77 = arith.constant 626 : i32
    %mul3A_78 = arith.muli %arg1, %mul3A_77 : i32
    %add3A_79 = arith.constant 128 : i32
    %add3A_80 = arith.addi %mul3A_78, %add3A_79 : i32
    "tpu.region"() ({
      %run_scoped3A_141 = tpu.sem_alloc : memref<!tpu.dma_semaphore, #tpu.memory_space<semaphore_mem>>
      %dma_start3A_142 = arith.constant 0 : i32
      %dma_start3A_143 = tpu.memref_slice %arg9[%add3A_80, %dma_start3A_142] : memref<10016x128xf32, #tpu.memory_space<vmem_shared>> -> memref<64x128xf32, #tpu.memory_space<vmem_shared>>
      %dma_start3A_144 = arith.constant 0 : i32
      %dma_start3A_145 = tpu.memref_slice %arg9[%add3A_80, %dma_start3A_144] : memref<10016x128xf32, #tpu.memory_space<vmem_shared>> -> memref<64x128xf32, #tpu.memory_space<vmem_shared>>
      tpu.enqueue_dma source(%arg7 : memref<64x128xf32, #tpu.memory_space<vmem>>) target(%dma_start3A_145 : memref<64x128xf32, #tpu.memory_space<vmem_shared>>) target_semaphore(%run_scoped3A_141 : memref<!tpu.dma_semaphore, #tpu.memory_space<semaphore_mem>>)
      %dma_wait3A_146 = arith.constant 0 : i32
      %dma_wait3A_147 = tpu.memref_slice %arg9[%add3A_80, %dma_wait3A_146] : memref<10016x128xf32, #tpu.memory_space<vmem_shared>> -> memref<64x128xf32, #tpu.memory_space<vmem_shared>>
      %dma_wait3A_148 = arith.constant 0 : i32
      %dma_wait3A_149 = tpu.memref_slice %arg9[%add3A_80, %dma_wait3A_148] : memref<10016x128xf32, #tpu.memory_space<vmem_shared>> -> memref<64x128xf32, #tpu.memory_space<vmem_shared>>
      tpu.wait_dma2 semaphore(%run_scoped3A_141 : memref<!tpu.dma_semaphore, #tpu.memory_space<semaphore_mem>>) src(%arg7 : memref<64x128xf32, #tpu.memory_space<vmem>>) dst(%dma_wait3A_149 : memref<64x128xf32, #tpu.memory_space<vmem_shared>>)
      tpu.yield
    }) : () -> ()
    %mul3A_81 = arith.constant 626 : i32
    %mul3A_82 = arith.muli %arg1, %mul3A_81 : i32
    %add3A_83 = arith.constant 192 : i32
    %add3A_84 = arith.addi %mul3A_82, %add3A_83 : i32
    "tpu.region"() ({
      %run_scoped3A_141 = tpu.sem_alloc : memref<!tpu.dma_semaphore, #tpu.memory_space<semaphore_mem>>
      %dma_start3A_142 = arith.constant 0 : i32
      %dma_start3A_143 = tpu.memref_slice %arg9[%add3A_84, %dma_start3A_142] : memref<10016x128xf32, #tpu.memory_space<vmem_shared>> -> memref<64x128xf32, #tpu.memory_space<vmem_shared>>
      %dma_start3A_144 = arith.constant 0 : i32
      %dma_start3A_145 = tpu.memref_slice %arg9[%add3A_84, %dma_start3A_144] : memref<10016x128xf32, #tpu.memory_space<vmem_shared>> -> memref<64x128xf32, #tpu.memory_space<vmem_shared>>
      tpu.enqueue_dma source(%arg7 : memref<64x128xf32, #tpu.memory_space<vmem>>) target(%dma_start3A_145 : memref<64x128xf32, #tpu.memory_space<vmem_shared>>) target_semaphore(%run_scoped3A_141 : memref<!tpu.dma_semaphore, #tpu.memory_space<semaphore_mem>>)
      %dma_wait3A_146 = arith.constant 0 : i32
      %dma_wait3A_147 = tpu.memref_slice %arg9[%add3A_84, %dma_wait3A_146] : memref<10016x128xf32, #tpu.memory_space<vmem_shared>> -> memref<64x128xf32, #tpu.memory_space<vmem_shared>>
      %dma_wait3A_148 = arith.constant 0 : i32
      %dma_wait3A_149 = tpu.memref_slice %arg9[%add3A_84, %dma_wait3A_148] : memref<10016x128xf32, #tpu.memory_space<vmem_shared>> -> memref<64x128xf32, #tpu.memory_space<vmem_shared>>
      tpu.wait_dma2 semaphore(%run_scoped3A_141 : memref<!tpu.dma_semaphore, #tpu.memory_space<semaphore_mem>>) src(%arg7 : memref<64x128xf32, #tpu.memory_space<vmem>>) dst(%dma_wait3A_149 : memref<64x128xf32, #tpu.memory_space<vmem_shared>>)
      tpu.yield
    }) : () -> ()
    %mul3A_85 = arith.constant 626 : i32
    %mul3A_86 = arith.muli %arg1, %mul3A_85 : i32
    %add3A_87 = arith.constant 256 : i32
    %add3A_88 = arith.addi %mul3A_86, %add3A_87 : i32
    "tpu.region"() ({
      %run_scoped3A_141 = tpu.sem_alloc : memref<!tpu.dma_semaphore, #tpu.memory_space<semaphore_mem>>
      %dma_start3A_142 = arith.constant 0 : i32
      %dma_start3A_143 = tpu.memref_slice %arg9[%add3A_88, %dma_start3A_142] : memref<10016x128xf32, #tpu.memory_space<vmem_shared>> -> memref<64x128xf32, #tpu.memory_space<vmem_shared>>
      %dma_start3A_144 = arith.constant 0 : i32
      %dma_start3A_145 = tpu.memref_slice %arg9[%add3A_88, %dma_start3A_144] : memref<10016x128xf32, #tpu.memory_space<vmem_shared>> -> memref<64x128xf32, #tpu.memory_space<vmem_shared>>
      tpu.enqueue_dma source(%arg7 : memref<64x128xf32, #tpu.memory_space<vmem>>) target(%dma_start3A_145 : memref<64x128xf32, #tpu.memory_space<vmem_shared>>) target_semaphore(%run_scoped3A_141 : memref<!tpu.dma_semaphore, #tpu.memory_space<semaphore_mem>>)
      %dma_wait3A_146 = arith.constant 0 : i32
      %dma_wait3A_147 = tpu.memref_slice %arg9[%add3A_88, %dma_wait3A_146] : memref<10016x128xf32, #tpu.memory_space<vmem_shared>> -> memref<64x128xf32, #tpu.memory_space<vmem_shared>>
      %dma_wait3A_148 = arith.constant 0 : i32
      %dma_wait3A_149 = tpu.memref_slice %arg9[%add3A_88, %dma_wait3A_148] : memref<10016x128xf32, #tpu.memory_space<vmem_shared>> -> memref<64x128xf32, #tpu.memory_space<vmem_shared>>
      tpu.wait_dma2 semaphore(%run_scoped3A_141 : memref<!tpu.dma_semaphore, #tpu.memory_space<semaphore_mem>>) src(%arg7 : memref<64x128xf32, #tpu.memory_space<vmem>>) dst(%dma_wait3A_149 : memref<64x128xf32, #tpu.memory_space<vmem_shared>>)
      tpu.yield
    }) : () -> ()
    %mul3A_89 = arith.constant 626 : i32
    %mul3A_90 = arith.muli %arg1, %mul3A_89 : i32
    %add3A_91 = arith.constant 320 : i32
    %add3A_92 = arith.addi %mul3A_90, %add3A_91 : i32
    "tpu.region"() ({
      %run_scoped3A_141 = tpu.sem_alloc : memref<!tpu.dma_semaphore, #tpu.memory_space<semaphore_mem>>
      %dma_start3A_142 = arith.constant 0 : i32
      %dma_start3A_143 = tpu.memref_slice %arg9[%add3A_92, %dma_start3A_142] : memref<10016x128xf32, #tpu.memory_space<vmem_shared>> -> memref<64x128xf32, #tpu.memory_space<vmem_shared>>
      %dma_start3A_144 = arith.constant 0 : i32
      %dma_start3A_145 = tpu.memref_slice %arg9[%add3A_92, %dma_start3A_144] : memref<10016x128xf32, #tpu.memory_space<vmem_shared>> -> memref<64x128xf32, #tpu.memory_space<vmem_shared>>
      tpu.enqueue_dma source(%arg7 : memref<64x128xf32, #tpu.memory_space<vmem>>) target(%dma_start3A_145 : memref<64x128xf32, #tpu.memory_space<vmem_shared>>) target_semaphore(%run_scoped3A_141 : memref<!tpu.dma_semaphore, #tpu.memory_space<semaphore_mem>>)
      %dma_wait3A_146 = arith.constant 0 : i32
      %dma_wait3A_147 = tpu.memref_slice %arg9[%add3A_92, %dma_wait3A_146] : memref<10016x128xf32, #tpu.memory_space<vmem_shared>> -> memref<64x128xf32, #tpu.memory_space<vmem_shared>>
      %dma_wait3A_148 = arith.constant 0 : i32
      %dma_wait3A_149 = tpu.memref_slice %arg9[%add3A_92, %dma_wait3A_148] : memref<10016x128xf32, #tpu.memory_space<vmem_shared>> -> memref<64x128xf32, #tpu.memory_space<vmem_shared>>
      tpu.wait_dma2 semaphore(%run_scoped3A_141 : memref<!tpu.dma_semaphore, #tpu.memory_space<semaphore_mem>>) src(%arg7 : memref<64x128xf32, #tpu.memory_space<vmem>>) dst(%dma_wait3A_149 : memref<64x128xf32, #tpu.memory_space<vmem_shared>>)
      tpu.yield
    }) : () -> ()
    %mul3A_93 = arith.constant 626 : i32
    %mul3A_94 = arith.muli %arg1, %mul3A_93 : i32
    %add3A_95 = arith.constant 384 : i32
    %add3A_96 = arith.addi %mul3A_94, %add3A_95 : i32
    "tpu.region"() ({
      %run_scoped3A_141 = tpu.sem_alloc : memref<!tpu.dma_semaphore, #tpu.memory_space<semaphore_mem>>
      %dma_start3A_142 = arith.constant 0 : i32
      %dma_start3A_143 = tpu.memref_slice %arg9[%add3A_96, %dma_start3A_142] : memref<10016x128xf32, #tpu.memory_space<vmem_shared>> -> memref<64x128xf32, #tpu.memory_space<vmem_shared>>
      %dma_start3A_144 = arith.constant 0 : i32
      %dma_start3A_145 = tpu.memref_slice %arg9[%add3A_96, %dma_start3A_144] : memref<10016x128xf32, #tpu.memory_space<vmem_shared>> -> memref<64x128xf32, #tpu.memory_space<vmem_shared>>
      tpu.enqueue_dma source(%arg7 : memref<64x128xf32, #tpu.memory_space<vmem>>) target(%dma_start3A_145 : memref<64x128xf32, #tpu.memory_space<vmem_shared>>) target_semaphore(%run_scoped3A_141 : memref<!tpu.dma_semaphore, #tpu.memory_space<semaphore_mem>>)
      %dma_wait3A_146 = arith.constant 0 : i32
      %dma_wait3A_147 = tpu.memref_slice %arg9[%add3A_96, %dma_wait3A_146] : memref<10016x128xf32, #tpu.memory_space<vmem_shared>> -> memref<64x128xf32, #tpu.memory_space<vmem_shared>>
      %dma_wait3A_148 = arith.constant 0 : i32
      %dma_wait3A_149 = tpu.memref_slice %arg9[%add3A_96, %dma_wait3A_148] : memref<10016x128xf32, #tpu.memory_space<vmem_shared>> -> memref<64x128xf32, #tpu.memory_space<vmem_shared>>
      tpu.wait_dma2 semaphore(%run_scoped3A_141 : memref<!tpu.dma_semaphore, #tpu.memory_space<semaphore_mem>>) src(%arg7 : memref<64x128xf32, #tpu.memory_space<vmem>>) dst(%dma_wait3A_149 : memref<64x128xf32, #tpu.memory_space<vmem_shared>>)
      tpu.yield
    }) : () -> ()
    %mul3A_97 = arith.constant 626 : i32
    %mul3A_98 = arith.muli %arg1, %mul3A_97 : i32
    %add3A_99 = arith.constant 448 : i32
    %add3A_100 = arith.addi %mul3A_98, %add3A_99 : i32
    "tpu.region"() ({
      %run_scoped3A_141 = tpu.sem_alloc : memref<!tpu.dma_semaphore, #tpu.memory_space<semaphore_mem>>
      %dma_start3A_142 = arith.constant 0 : i32
      %dma_start3A_143 = tpu.memref_slice %arg9[%add3A_100, %dma_start3A_142] : memref<10016x128xf32, #tpu.memory_space<vmem_shared>> -> memref<64x128xf32, #tpu.memory_space<vmem_shared>>
      %dma_start3A_144 = arith.constant 0 : i32
      %dma_start3A_145 = tpu.memref_slice %arg9[%add3A_100, %dma_start3A_144] : memref<10016x128xf32, #tpu.memory_space<vmem_shared>> -> memref<64x128xf32, #tpu.memory_space<vmem_shared>>
      tpu.enqueue_dma source(%arg7 : memref<64x128xf32, #tpu.memory_space<vmem>>) target(%dma_start3A_145 : memref<64x128xf32, #tpu.memory_space<vmem_shared>>) target_semaphore(%run_scoped3A_141 : memref<!tpu.dma_semaphore, #tpu.memory_space<semaphore_mem>>)
      %dma_wait3A_146 = arith.constant 0 : i32
      %dma_wait3A_147 = tpu.memref_slice %arg9[%add3A_100, %dma_wait3A_146] : memref<10016x128xf32, #tpu.memory_space<vmem_shared>> -> memref<64x128xf32, #tpu.memory_space<vmem_shared>>
      %dma_wait3A_148 = arith.constant 0 : i32
      %dma_wait3A_149 = tpu.memref_slice %arg9[%add3A_100, %dma_wait3A_148] : memref<10016x128xf32, #tpu.memory_space<vmem_shared>> -> memref<64x128xf32, #tpu.memory_space<vmem_shared>>
      tpu.wait_dma2 semaphore(%run_scoped3A_141 : memref<!tpu.dma_semaphore, #tpu.memory_space<semaphore_mem>>) src(%arg7 : memref<64x128xf32, #tpu.memory_space<vmem>>) dst(%dma_wait3A_149 : memref<64x128xf32, #tpu.memory_space<vmem_shared>>)
      tpu.yield
    }) : () -> ()
    %mul3A_101 = arith.constant 626 : i32
    %mul3A_102 = arith.muli %arg1, %mul3A_101 : i32
    %add3A_103 = arith.constant 512 : i32
    %add3A_104 = arith.addi %mul3A_102, %add3A_103 : i32
    "tpu.region"() ({
      %run_scoped3A_141 = tpu.sem_alloc : memref<!tpu.dma_semaphore, #tpu.memory_space<semaphore_mem>>
      %dma_start3A_142 = arith.constant 0 : i32
      %dma_start3A_143 = tpu.memref_slice %arg9[%add3A_104, %dma_start3A_142] : memref<10016x128xf32, #tpu.memory_space<vmem_shared>> -> memref<64x128xf32, #tpu.memory_space<vmem_shared>>
      %dma_start3A_144 = arith.constant 0 : i32
      %dma_start3A_145 = tpu.memref_slice %arg9[%add3A_104, %dma_start3A_144] : memref<10016x128xf32, #tpu.memory_space<vmem_shared>> -> memref<64x128xf32, #tpu.memory_space<vmem_shared>>
      tpu.enqueue_dma source(%arg7 : memref<64x128xf32, #tpu.memory_space<vmem>>) target(%dma_start3A_145 : memref<64x128xf32, #tpu.memory_space<vmem_shared>>) target_semaphore(%run_scoped3A_141 : memref<!tpu.dma_semaphore, #tpu.memory_space<semaphore_mem>>)
      %dma_wait3A_146 = arith.constant 0 : i32
      %dma_wait3A_147 = tpu.memref_slice %arg9[%add3A_104, %dma_wait3A_146] : memref<10016x128xf32, #tpu.memory_space<vmem_shared>> -> memref<64x128xf32, #tpu.memory_space<vmem_shared>>
      %dma_wait3A_148 = arith.constant 0 : i32
      %dma_wait3A_149 = tpu.memref_slice %arg9[%add3A_104, %dma_wait3A_148] : memref<10016x128xf32, #tpu.memory_space<vmem_shared>> -> memref<64x128xf32, #tpu.memory_space<vmem_shared>>
      tpu.wait_dma2 semaphore(%run_scoped3A_141 : memref<!tpu.dma_semaphore, #tpu.memory_space<semaphore_mem>>) src(%arg7 : memref<64x128xf32, #tpu.memory_space<vmem>>) dst(%dma_wait3A_149 : memref<64x128xf32, #tpu.memory_space<vmem_shared>>)
      tpu.yield
    }) : () -> ()
    %mul3A_105 = arith.constant 626 : i32
    %mul3A_106 = arith.muli %arg1, %mul3A_105 : i32
    %add3A_107 = arith.constant 576 : i32
    %add3A_108 = arith.addi %mul3A_106, %add3A_107 : i32
    "tpu.region"() ({
      %run_scoped3A_141 = tpu.sem_alloc : memref<!tpu.dma_semaphore, #tpu.memory_space<semaphore_mem>>
      %dma_start3A_142 = arith.constant 0 : i32
      %dma_start3A_143 = arith.constant 0 : i32
      %dma_start3A_144 = tpu.memref_slice %arg7[%dma_start3A_142, %dma_start3A_143] : memref<64x128xf32, #tpu.memory_space<vmem>> -> memref<50x128xf32, #tpu.memory_space<vmem>>
      %dma_start3A_145 = arith.constant 0 : i32
      %dma_start3A_146 = tpu.memref_slice %arg9[%add3A_108, %dma_start3A_145] : memref<10016x128xf32, #tpu.memory_space<vmem_shared>> -> memref<50x128xf32, #tpu.memory_space<vmem_shared>>
      %dma_start3A_147 = arith.constant 0 : i32
      %dma_start3A_148 = tpu.memref_slice %arg9[%add3A_108, %dma_start3A_147] : memref<10016x128xf32, #tpu.memory_space<vmem_shared>> -> memref<50x128xf32, #tpu.memory_space<vmem_shared>>
      %dma_start3A_149 = arith.constant 0 : i32
      %dma_start3A_150 = arith.constant 0 : i32
      %dma_start3A_151 = tpu.memref_slice %arg7[%dma_start3A_149, %dma_start3A_150] : memref<64x128xf32, #tpu.memory_space<vmem>> -> memref<50x128xf32, #tpu.memory_space<vmem>>
      tpu.enqueue_dma source(%dma_start3A_151 : memref<50x128xf32, #tpu.memory_space<vmem>>) target(%dma_start3A_148 : memref<50x128xf32, #tpu.memory_space<vmem_shared>>) target_semaphore(%run_scoped3A_141 : memref<!tpu.dma_semaphore, #tpu.memory_space<semaphore_mem>>)
      %dma_wait3A_152 = arith.constant 0 : i32
      %dma_wait3A_153 = arith.constant 0 : i32
      %dma_wait3A_154 = tpu.memref_slice %arg7[%dma_wait3A_152, %dma_wait3A_153] : memref<64x128xf32, #tpu.memory_space<vmem>> -> memref<50x128xf32, #tpu.memory_space<vmem>>
      %dma_wait3A_155 = arith.constant 0 : i32
      %dma_wait3A_156 = tpu.memref_slice %arg9[%add3A_108, %dma_wait3A_155] : memref<10016x128xf32, #tpu.memory_space<vmem_shared>> -> memref<50x128xf32, #tpu.memory_space<vmem_shared>>
      %dma_wait3A_157 = arith.constant 0 : i32
      %dma_wait3A_158 = tpu.memref_slice %arg9[%add3A_108, %dma_wait3A_157] : memref<10016x128xf32, #tpu.memory_space<vmem_shared>> -> memref<50x128xf32, #tpu.memory_space<vmem_shared>>
      %dma_wait3A_159 = arith.constant 0 : i32
      %dma_wait3A_160 = arith.constant 0 : i32
      %dma_wait3A_161 = tpu.memref_slice %arg7[%dma_wait3A_159, %dma_wait3A_160] : memref<64x128xf32, #tpu.memory_space<vmem>> -> memref<50x128xf32, #tpu.memory_space<vmem>>
      tpu.wait_dma2 semaphore(%run_scoped3A_141 : memref<!tpu.dma_semaphore, #tpu.memory_space<semaphore_mem>>) src(%dma_wait3A_161 : memref<50x128xf32, #tpu.memory_space<vmem>>) dst(%dma_wait3A_158 : memref<50x128xf32, #tpu.memory_space<vmem_shared>>)
      tpu.yield
    }) : () -> ()
    %mul3A_109 = arith.constant 10000 : i32
    %mul3A_110 = arith.muli %add3A, %mul3A_109 : i32
    %run_scoped3A = arith.constant 0 : i32
    "tpu.region"() ({
      %run_scoped3A_141 = tpu.sem_alloc : memref<!tpu.dma_semaphore, #tpu.memory_space<semaphore_mem>>
      %dma_start3A_142 = arith.constant 0 : i32
      %dma_start3A_143 = tpu.memref_slice %arg5[%dma_start3A_142] : memref<10112xi32, #tpu.memory_space<vmem>> -> memref<10000xi32, #tpu.memory_space<vmem>>
      %dma_start3A_144 = tpu.memref_slice %arg3[%run_scoped3A, %mul3A_110] : memref<2x320000xi32, #tpu.memory_space<hbm>> -> memref<1x10000xi32, #tpu.memory_space<hbm>>
      %dma_start3A_145 = tpu.memref_squeeze %dma_start3A_144 : memref<1x10000xi32, #tpu.memory_space<hbm>> -> memref<10000xi32, #tpu.memory_space<hbm>>
      %dma_start3A_146 = arith.constant 0 : i32
      %dma_start3A_147 = tpu.memref_slice %arg5[%dma_start3A_146] : memref<10112xi32, #tpu.memory_space<vmem>> -> memref<10000xi32, #tpu.memory_space<vmem>>
      %dma_start3A_148 = tpu.memref_slice %arg3[%run_scoped3A, %mul3A_110] : memref<2x320000xi32, #tpu.memory_space<hbm>> -> memref<1x10000xi32, #tpu.memory_space<hbm>>
      %dma_start3A_149 = tpu.memref_squeeze %dma_start3A_148 : memref<1x10000xi32, #tpu.memory_space<hbm>> -> memref<10000xi32, #tpu.memory_space<hbm>>
      tpu.enqueue_dma source(%dma_start3A_149 : memref<10000xi32, #tpu.memory_space<hbm>>) target(%dma_start3A_147 : memref<10000xi32, #tpu.memory_space<vmem>>) target_semaphore(%run_scoped3A_141 : memref<!tpu.dma_semaphore, #tpu.memory_space<semaphore_mem>>)
      %dma_wait3A_150 = arith.constant 0 : i32
      %dma_wait3A_151 = tpu.memref_slice %arg5[%dma_wait3A_150] : memref<10112xi32, #tpu.memory_space<vmem>> -> memref<10000xi32, #tpu.memory_space<vmem>>
      %dma_wait3A_152 = tpu.memref_slice %arg3[%run_scoped3A, %mul3A_110] : memref<2x320000xi32, #tpu.memory_space<hbm>> -> memref<1x10000xi32, #tpu.memory_space<hbm>>
      %dma_wait3A_153 = tpu.memref_squeeze %dma_wait3A_152 : memref<1x10000xi32, #tpu.memory_space<hbm>> -> memref<10000xi32, #tpu.memory_space<hbm>>
      %dma_wait3A_154 = arith.constant 0 : i32
      %dma_wait3A_155 = tpu.memref_slice %arg5[%dma_wait3A_154] : memref<10112xi32, #tpu.memory_space<vmem>> -> memref<10000xi32, #tpu.memory_space<vmem>>
      %dma_wait3A_156 = tpu.memref_slice %arg3[%run_scoped3A, %mul3A_110] : memref<2x320000xi32, #tpu.memory_space<hbm>> -> memref<1x10000xi32, #tpu.memory_space<hbm>>
      %dma_wait3A_157 = tpu.memref_squeeze %dma_wait3A_156 : memref<1x10000xi32, #tpu.memory_space<hbm>> -> memref<10000xi32, #tpu.memory_space<hbm>>
      tpu.wait_dma2 semaphore(%run_scoped3A_141 : memref<!tpu.dma_semaphore, #tpu.memory_space<semaphore_mem>>) src(%dma_wait3A_157 : memref<10000xi32, #tpu.memory_space<hbm>>) dst(%dma_wait3A_155 : memref<10000xi32, #tpu.memory_space<vmem>>)
      tpu.yield
    }) : () -> ()
    %mul3A_111 = arith.constant 10000 : i32
    %mul3A_112 = arith.muli %add3A, %mul3A_111 : i32
    %run_scoped3A_113 = arith.constant 1 : i32
    "tpu.region"() ({
      %run_scoped3A_141 = tpu.sem_alloc : memref<!tpu.dma_semaphore, #tpu.memory_space<semaphore_mem>>
      %dma_start3A_142 = arith.constant 0 : i32
      %dma_start3A_143 = tpu.memref_slice %arg6[%dma_start3A_142] : memref<10112xi32, #tpu.memory_space<vmem>> -> memref<10000xi32, #tpu.memory_space<vmem>>
      %dma_start3A_144 = tpu.memref_slice %arg3[%run_scoped3A_113, %mul3A_112] : memref<2x320000xi32, #tpu.memory_space<hbm>> -> memref<1x10000xi32, #tpu.memory_space<hbm>>
      %dma_start3A_145 = tpu.memref_squeeze %dma_start3A_144 : memref<1x10000xi32, #tpu.memory_space<hbm>> -> memref<10000xi32, #tpu.memory_space<hbm>>
      %dma_start3A_146 = arith.constant 0 : i32
      %dma_start3A_147 = tpu.memref_slice %arg6[%dma_start3A_146] : memref<10112xi32, #tpu.memory_space<vmem>> -> memref<10000xi32, #tpu.memory_space<vmem>>
      %dma_start3A_148 = tpu.memref_slice %arg3[%run_scoped3A_113, %mul3A_112] : memref<2x320000xi32, #tpu.memory_space<hbm>> -> memref<1x10000xi32, #tpu.memory_space<hbm>>
      %dma_start3A_149 = tpu.memref_squeeze %dma_start3A_148 : memref<1x10000xi32, #tpu.memory_space<hbm>> -> memref<10000xi32, #tpu.memory_space<hbm>>
      tpu.enqueue_dma source(%dma_start3A_149 : memref<10000xi32, #tpu.memory_space<hbm>>) target(%dma_start3A_147 : memref<10000xi32, #tpu.memory_space<vmem>>) target_semaphore(%run_scoped3A_141 : memref<!tpu.dma_semaphore, #tpu.memory_space<semaphore_mem>>)
      %dma_wait3A_150 = arith.constant 0 : i32
      %dma_wait3A_151 = tpu.memref_slice %arg6[%dma_wait3A_150] : memref<10112xi32, #tpu.memory_space<vmem>> -> memref<10000xi32, #tpu.memory_space<vmem>>
      %dma_wait3A_152 = tpu.memref_slice %arg3[%run_scoped3A_113, %mul3A_112] : memref<2x320000xi32, #tpu.memory_space<hbm>> -> memref<1x10000xi32, #tpu.memory_space<hbm>>
      %dma_wait3A_153 = tpu.memref_squeeze %dma_wait3A_152 : memref<1x10000xi32, #tpu.memory_space<hbm>> -> memref<10000xi32, #tpu.memory_space<hbm>>
      %dma_wait3A_154 = arith.constant 0 : i32
      %dma_wait3A_155 = tpu.memref_slice %arg6[%dma_wait3A_154] : memref<10112xi32, #tpu.memory_space<vmem>> -> memref<10000xi32, #tpu.memory_space<vmem>>
      %dma_wait3A_156 = tpu.memref_slice %arg3[%run_scoped3A_113, %mul3A_112] : memref<2x320000xi32, #tpu.memory_space<hbm>> -> memref<1x10000xi32, #tpu.memory_space<hbm>>
      %dma_wait3A_157 = tpu.memref_squeeze %dma_wait3A_156 : memref<1x10000xi32, #tpu.memory_space<hbm>> -> memref<10000xi32, #tpu.memory_space<hbm>>
      tpu.wait_dma2 semaphore(%run_scoped3A_141 : memref<!tpu.dma_semaphore, #tpu.memory_space<semaphore_mem>>) src(%dma_wait3A_157 : memref<10000xi32, #tpu.memory_space<hbm>>) dst(%dma_wait3A_155 : memref<10000xi32, #tpu.memory_space<vmem>>)
      tpu.yield
    }) : () -> ()
    %barrier3A = arith.constant 0 : index
    tpu.barrier barrier_id(%barrier3A)
    %dma_start3A = arith.constant 0 : i32
    %dma_start3A_114 = tpu.memref_slice %arg5[%dma_start3A] : memref<10112xi32, #tpu.memory_space<vmem>> -> memref<64xi32, #tpu.memory_space<vmem>>
    %dma_start3A_115 = arith.constant 0 : i32
    %dma_start3A_116 = arith.constant 0 : i32
    %dma_start3A_117 = tpu.memref_slice %arg2[%dma_start3A_115, %dma_start3A_116] : memref<10000x128xf32, #tpu.memory_space<hbm>> -> memref<10000x128xf32, #tpu.memory_space<hbm>>
    tpu.enqueue_indirect_dma source(%dma_start3A_117 : memref<10000x128xf32, #tpu.memory_space<hbm>>) target(%arg7 : memref<64x128xf32, #tpu.memory_space<vmem>>) offsets(%dma_start3A_114 : memref<64xi32, #tpu.memory_space<vmem>>) semaphore(%arg10 : memref<!tpu.dma_semaphore, #tpu.memory_space<semaphore_mem>>)
    %scan3A_118 = arith.constant 0 : i32
    %scan3A_119 = arith.constant 0 : i32
    %scan3A_120 = arith.constant 78 : i32
    %scan3A_121 = arith.addi %scan3A_119, %scan3A_120 : i32
    %scan3A_122 = arith.constant 1 : i32
    scf.for %scan3A_141 = %scan3A_119 to %scan3A_121 step %scan3A_122  : i32 {
      %mul3A_142 = arith.constant 2 : i32
      %mul3A_143 = arith.muli %mul3A_142, %scan3A_141 : i32
      %add3A_144 = arith.constant 1 : i32
      %add3A_145 = arith.addi %mul3A_143, %add3A_144 : i32
      %mul3A_146 = arith.constant 64 : i32
      %mul3A_147 = arith.muli %add3A_145, %mul3A_146 : i32
      %dma_start3A_148 = tpu.memref_slice %arg5[%mul3A_147] : memref<10112xi32, #tpu.memory_space<vmem>> -> memref<64xi32, #tpu.memory_space<vmem>>
      %dma_start3A_149 = arith.constant 0 : i32
      %dma_start3A_150 = arith.constant 0 : i32
      %dma_start3A_151 = tpu.memref_slice %arg2[%dma_start3A_149, %dma_start3A_150] : memref<10000x128xf32, #tpu.memory_space<hbm>> -> memref<10000x128xf32, #tpu.memory_space<hbm>>
      tpu.enqueue_indirect_dma source(%dma_start3A_151 : memref<10000x128xf32, #tpu.memory_space<hbm>>) target(%arg8 : memref<64x128xf32, #tpu.memory_space<vmem>>) offsets(%dma_start3A_148 : memref<64xi32, #tpu.memory_space<vmem>>) semaphore(%arg11 : memref<!tpu.dma_semaphore, #tpu.memory_space<semaphore_mem>>)
      %mul3A_152 = arith.constant 64 : i32
      %mul3A_153 = arith.muli %mul3A_143, %mul3A_152 : i32
      %dma_wait3A_154 = tpu.memref_slice %arg5[%mul3A_153] : memref<10112xi32, #tpu.memory_space<vmem>> -> memref<64xi32, #tpu.memory_space<vmem>>
      %dma_wait3A_155 = arith.constant 0 : i32
      %dma_wait3A_156 = arith.constant 0 : i32
      %dma_wait3A_157 = tpu.memref_slice %arg2[%dma_wait3A_155, %dma_wait3A_156] : memref<10000x128xf32, #tpu.memory_space<hbm>> -> memref<10000x128xf32, #tpu.memory_space<hbm>>
      tpu.wait_indirect_dma semaphore(%arg10 : memref<!tpu.dma_semaphore, #tpu.memory_space<semaphore_mem>>) src(%dma_wait3A_157 : memref<10000x128xf32, #tpu.memory_space<hbm>>) dst(%arg7 : memref<64x128xf32, #tpu.memory_space<vmem>>)
      %mul3A_158 = arith.constant 64 : i32
      %mul3A_159 = arith.muli %mul3A_143, %mul3A_158 : i32
      "tpu.region"() ({
        %run_scoped3A_180 = tpu.sem_alloc : memref<!tpu.dma_semaphore, #tpu.memory_space<semaphore_mem>>
        %dma_start3A_181 = tpu.memref_slice %arg6[%mul3A_159] : memref<10112xi32, #tpu.memory_space<vmem>> -> memref<64xi32, #tpu.memory_space<vmem>>
        %dma_start3A_182 = arith.constant 0 : i32
        %dma_start3A_183 = arith.constant 0 : i32
        %dma_start3A_184 = tpu.memref_slice %arg9[%dma_start3A_182, %dma_start3A_183] : memref<10016x128xf32, #tpu.memory_space<vmem_shared>> -> memref<10016x128xf32, #tpu.memory_space<vmem_shared>>
        tpu.enqueue_indirect_dma source(%arg7 : memref<64x128xf32, #tpu.memory_space<vmem>>) target(%dma_start3A_184 : memref<10016x128xf32, #tpu.memory_space<vmem_shared>>) offsets(%dma_start3A_181 : memref<64xi32, #tpu.memory_space<vmem>>) semaphore(%run_scoped3A_180 : memref<!tpu.dma_semaphore, #tpu.memory_space<semaphore_mem>>) {add = true}
        %dma_wait3A_185 = tpu.memref_slice %arg6[%mul3A_159] : memref<10112xi32, #tpu.memory_space<vmem>> -> memref<64xi32, #tpu.memory_space<vmem>>
        %dma_wait3A_186 = arith.constant 0 : i32
        %dma_wait3A_187 = arith.constant 0 : i32
        %dma_wait3A_188 = tpu.memref_slice %arg9[%dma_wait3A_186, %dma_wait3A_187] : memref<10016x128xf32, #tpu.memory_space<vmem_shared>> -> memref<10016x128xf32, #tpu.memory_space<vmem_shared>>
        tpu.wait_indirect_dma semaphore(%run_scoped3A_180 : memref<!tpu.dma_semaphore, #tpu.memory_space<semaphore_mem>>) src(%arg7 : memref<64x128xf32, #tpu.memory_space<vmem>>) dst(%dma_wait3A_188 : memref<10016x128xf32, #tpu.memory_space<vmem_shared>>)
        tpu.yield
      }) : () -> ()
      %add3A_160 = arith.constant 2 : i32
      %add3A_161 = arith.addi %mul3A_143, %add3A_160 : i32
      %mul3A_162 = arith.constant 64 : i32
      %mul3A_163 = arith.muli %add3A_161, %mul3A_162 : i32
      %dma_start3A_164 = tpu.memref_slice %arg5[%mul3A_163] : memref<10112xi32, #tpu.memory_space<vmem>> -> memref<64xi32, #tpu.memory_space<vmem>>
      %dma_start3A_165 = arith.constant 0 : i32
      %dma_start3A_166 = arith.constant 0 : i32
      %dma_start3A_167 = tpu.memref_slice %arg2[%dma_start3A_165, %dma_start3A_166] : memref<10000x128xf32, #tpu.memory_space<hbm>> -> memref<10000x128xf32, #tpu.memory_space<hbm>>
      tpu.enqueue_indirect_dma source(%dma_start3A_167 : memref<10000x128xf32, #tpu.memory_space<hbm>>) target(%arg7 : memref<64x128xf32, #tpu.memory_space<vmem>>) offsets(%dma_start3A_164 : memref<64xi32, #tpu.memory_space<vmem>>) semaphore(%arg10 : memref<!tpu.dma_semaphore, #tpu.memory_space<semaphore_mem>>)
      %add3A_168 = arith.constant 1 : i32
      %add3A_169 = arith.addi %mul3A_143, %add3A_168 : i32
      %mul3A_170 = arith.constant 64 : i32
      %mul3A_171 = arith.muli %add3A_169, %mul3A_170 : i32
      %dma_wait3A_172 = tpu.memref_slice %arg5[%mul3A_171] : memref<10112xi32, #tpu.memory_space<vmem>> -> memref<64xi32, #tpu.memory_space<vmem>>
      %dma_wait3A_173 = arith.constant 0 : i32
      %dma_wait3A_174 = arith.constant 0 : i32
      %dma_wait3A_175 = tpu.memref_slice %arg2[%dma_wait3A_173, %dma_wait3A_174] : memref<10000x128xf32, #tpu.memory_space<hbm>> -> memref<10000x128xf32, #tpu.memory_space<hbm>>
      tpu.wait_indirect_dma semaphore(%arg11 : memref<!tpu.dma_semaphore, #tpu.memory_space<semaphore_mem>>) src(%dma_wait3A_175 : memref<10000x128xf32, #tpu.memory_space<hbm>>) dst(%arg8 : memref<64x128xf32, #tpu.memory_space<vmem>>)
      %add3A_176 = arith.constant 1 : i32
      %add3A_177 = arith.addi %mul3A_143, %add3A_176 : i32
      %mul3A_178 = arith.constant 64 : i32
      %mul3A_179 = arith.muli %add3A_177, %mul3A_178 : i32
      "tpu.region"() ({
        %run_scoped3A_180 = tpu.sem_alloc : memref<!tpu.dma_semaphore, #tpu.memory_space<semaphore_mem>>
        %dma_start3A_181 = tpu.memref_slice %arg6[%mul3A_179] : memref<10112xi32, #tpu.memory_space<vmem>> -> memref<64xi32, #tpu.memory_space<vmem>>
        %dma_start3A_182 = arith.constant 0 : i32
        %dma_start3A_183 = arith.constant 0 : i32
        %dma_start3A_184 = tpu.memref_slice %arg9[%dma_start3A_182, %dma_start3A_183] : memref<10016x128xf32, #tpu.memory_space<vmem_shared>> -> memref<10016x128xf32, #tpu.memory_space<vmem_shared>>
        tpu.enqueue_indirect_dma source(%arg8 : memref<64x128xf32, #tpu.memory_space<vmem>>) target(%dma_start3A_184 : memref<10016x128xf32, #tpu.memory_space<vmem_shared>>) offsets(%dma_start3A_181 : memref<64xi32, #tpu.memory_space<vmem>>) semaphore(%run_scoped3A_180 : memref<!tpu.dma_semaphore, #tpu.memory_space<semaphore_mem>>) {add = true}
        %dma_wait3A_185 = tpu.memref_slice %arg6[%mul3A_179] : memref<10112xi32, #tpu.memory_space<vmem>> -> memref<64xi32, #tpu.memory_space<vmem>>
        %dma_wait3A_186 = arith.constant 0 : i32
        %dma_wait3A_187 = arith.constant 0 : i32
        %dma_wait3A_188 = tpu.memref_slice %arg9[%dma_wait3A_186, %dma_wait3A_187] : memref<10016x128xf32, #tpu.memory_space<vmem_shared>> -> memref<10016x128xf32, #tpu.memory_space<vmem_shared>>
        tpu.wait_indirect_dma semaphore(%run_scoped3A_180 : memref<!tpu.dma_semaphore, #tpu.memory_space<semaphore_mem>>) src(%arg8 : memref<64x128xf32, #tpu.memory_space<vmem>>) dst(%dma_wait3A_188 : memref<10016x128xf32, #tpu.memory_space<vmem_shared>>)
        tpu.yield
      }) : () -> ()
    }
    %scan3A_123 = arith.constant 78 : i32
    %dma_start3A_124 = arith.constant 10048 : i32
    %dma_start3A_125 = tpu.memref_slice %arg5[%dma_start3A_124] : memref<10112xi32, #tpu.memory_space<vmem>> -> memref<64xi32, #tpu.memory_space<vmem>>
    %dma_start3A_126 = arith.constant 0 : i32
    %dma_start3A_127 = arith.constant 0 : i32
    %dma_start3A_128 = tpu.memref_slice %arg2[%dma_start3A_126, %dma_start3A_127] : memref<10000x128xf32, #tpu.memory_space<hbm>> -> memref<10000x128xf32, #tpu.memory_space<hbm>>
    tpu.enqueue_indirect_dma source(%dma_start3A_128 : memref<10000x128xf32, #tpu.memory_space<hbm>>) target(%arg8 : memref<64x128xf32, #tpu.memory_space<vmem>>) offsets(%dma_start3A_125 : memref<64xi32, #tpu.memory_space<vmem>>) semaphore(%arg11 : memref<!tpu.dma_semaphore, #tpu.memory_space<semaphore_mem>>)
    %dma_wait3A = arith.constant 9984 : i32
    %dma_wait3A_129 = tpu.memref_slice %arg5[%dma_wait3A] : memref<10112xi32, #tpu.memory_space<vmem>> -> memref<64xi32, #tpu.memory_space<vmem>>
    %dma_wait3A_130 = arith.constant 0 : i32
    %dma_wait3A_131 = arith.constant 0 : i32
    %dma_wait3A_132 = tpu.memref_slice %arg2[%dma_wait3A_130, %dma_wait3A_131] : memref<10000x128xf32, #tpu.memory_space<hbm>> -> memref<10000x128xf32, #tpu.memory_space<hbm>>
    tpu.wait_indirect_dma semaphore(%arg10 : memref<!tpu.dma_semaphore, #tpu.memory_space<semaphore_mem>>) src(%dma_wait3A_132 : memref<10000x128xf32, #tpu.memory_space<hbm>>) dst(%arg7 : memref<64x128xf32, #tpu.memory_space<vmem>>)
    "tpu.region"() ({
      %run_scoped3A_141 = tpu.sem_alloc : memref<!tpu.dma_semaphore, #tpu.memory_space<semaphore_mem>>
      %dma_start3A_142 = arith.constant 9984 : i32
      %dma_start3A_143 = tpu.memref_slice %arg6[%dma_start3A_142] : memref<10112xi32, #tpu.memory_space<vmem>> -> memref<64xi32, #tpu.memory_space<vmem>>
      %dma_start3A_144 = arith.constant 0 : i32
      %dma_start3A_145 = arith.constant 0 : i32
      %dma_start3A_146 = tpu.memref_slice %arg9[%dma_start3A_144, %dma_start3A_145] : memref<10016x128xf32, #tpu.memory_space<vmem_shared>> -> memref<10016x128xf32, #tpu.memory_space<vmem_shared>>
      tpu.enqueue_indirect_dma source(%arg7 : memref<64x128xf32, #tpu.memory_space<vmem>>) target(%dma_start3A_146 : memref<10016x128xf32, #tpu.memory_space<vmem_shared>>) offsets(%dma_start3A_143 : memref<64xi32, #tpu.memory_space<vmem>>) semaphore(%run_scoped3A_141 : memref<!tpu.dma_semaphore, #tpu.memory_space<semaphore_mem>>) {add = true}
      %dma_wait3A_147 = arith.constant 9984 : i32
      %dma_wait3A_148 = tpu.memref_slice %arg6[%dma_wait3A_147] : memref<10112xi32, #tpu.memory_space<vmem>> -> memref<64xi32, #tpu.memory_space<vmem>>
      %dma_wait3A_149 = arith.constant 0 : i32
      %dma_wait3A_150 = arith.constant 0 : i32
      %dma_wait3A_151 = tpu.memref_slice %arg9[%dma_wait3A_149, %dma_wait3A_150] : memref<10016x128xf32, #tpu.memory_space<vmem_shared>> -> memref<10016x128xf32, #tpu.memory_space<vmem_shared>>
      tpu.wait_indirect_dma semaphore(%run_scoped3A_141 : memref<!tpu.dma_semaphore, #tpu.memory_space<semaphore_mem>>) src(%arg7 : memref<64x128xf32, #tpu.memory_space<vmem>>) dst(%dma_wait3A_151 : memref<10016x128xf32, #tpu.memory_space<vmem_shared>>)
      tpu.yield
    }) : () -> ()
    %dma_wait3A_133 = arith.constant 10048 : i32
    %dma_wait3A_134 = tpu.memref_slice %arg5[%dma_wait3A_133] : memref<10112xi32, #tpu.memory_space<vmem>> -> memref<64xi32, #tpu.memory_space<vmem>>
    %dma_wait3A_135 = arith.constant 0 : i32
    %dma_wait3A_136 = arith.constant 0 : i32
    %dma_wait3A_137 = tpu.memref_slice %arg2[%dma_wait3A_135, %dma_wait3A_136] : memref<10000x128xf32, #tpu.memory_space<hbm>> -> memref<10000x128xf32, #tpu.memory_space<hbm>>
    tpu.wait_indirect_dma semaphore(%arg11 : memref<!tpu.dma_semaphore, #tpu.memory_space<semaphore_mem>>) src(%dma_wait3A_137 : memref<10000x128xf32, #tpu.memory_space<hbm>>) dst(%arg8 : memref<64x128xf32, #tpu.memory_space<vmem>>)
    "tpu.region"() ({
      %run_scoped3A_141 = tpu.sem_alloc : memref<!tpu.dma_semaphore, #tpu.memory_space<semaphore_mem>>
      %dma_start3A_142 = arith.constant 10048 : i32
      %dma_start3A_143 = tpu.memref_slice %arg6[%dma_start3A_142] : memref<10112xi32, #tpu.memory_space<vmem>> -> memref<64xi32, #tpu.memory_space<vmem>>
      %dma_start3A_144 = arith.constant 0 : i32
      %dma_start3A_145 = arith.constant 0 : i32
      %dma_start3A_146 = tpu.memref_slice %arg9[%dma_start3A_144, %dma_start3A_145] : memref<10016x128xf32, #tpu.memory_space<vmem_shared>> -> memref<10016x128xf32, #tpu.memory_space<vmem_shared>>
      tpu.enqueue_indirect_dma source(%arg8 : memref<64x128xf32, #tpu.memory_space<vmem>>) target(%dma_start3A_146 : memref<10016x128xf32, #tpu.memory_space<vmem_shared>>) offsets(%dma_start3A_143 : memref<64xi32, #tpu.memory_space<vmem>>) semaphore(%run_scoped3A_141 : memref<!tpu.dma_semaphore, #tpu.memory_space<semaphore_mem>>) {add = true}
      %dma_wait3A_147 = arith.constant 10048 : i32
      %dma_wait3A_148 = tpu.memref_slice %arg6[%dma_wait3A_147] : memref<10112xi32, #tpu.memory_space<vmem>> -> memref<64xi32, #tpu.memory_space<vmem>>
      %dma_wait3A_149 = arith.constant 0 : i32
      %dma_wait3A_150 = arith.constant 0 : i32
      %dma_wait3A_151 = tpu.memref_slice %arg9[%dma_wait3A_149, %dma_wait3A_150] : memref<10016x128xf32, #tpu.memory_space<vmem_shared>> -> memref<10016x128xf32, #tpu.memory_space<vmem_shared>>
      tpu.wait_indirect_dma semaphore(%run_scoped3A_141 : memref<!tpu.dma_semaphore, #tpu.memory_space<semaphore_mem>>) src(%arg8 : memref<64x128xf32, #tpu.memory_space<vmem>>) dst(%dma_wait3A_151 : memref<10016x128xf32, #tpu.memory_space<vmem_shared>>)
      tpu.yield
    }) : () -> ()
    %barrier3A_138 = arith.constant 0 : index
    tpu.barrier barrier_id(%barrier3A_138)
    %mul3A_139 = arith.constant 626 : i32
    %mul3A_140 = arith.muli %arg1, %mul3A_139 : i32
    "tpu.region"() ({
      %run_scoped3A_141 = tpu.sem_alloc : memref<!tpu.dma_semaphore, #tpu.memory_space<semaphore_mem>>
      %dma_start3A_142 = arith.constant 0 : i32
      %dma_start3A_143 = tpu.memref_slice %arg4[%arg0, %mul3A_140, %dma_start3A_142] : memref<2x10016x128xf32, #tpu.memory_space<hbm>> -> memref<1x626x128xf32, #tpu.memory_space<hbm>>
      %dma_start3A_144 = tpu.memref_squeeze %dma_start3A_143 : memref<1x626x128xf32, #tpu.memory_space<hbm>> -> memref<626x128xf32, #tpu.memory_space<hbm>>
      %dma_start3A_145 = arith.constant 0 : i32
      %dma_start3A_146 = tpu.memref_slice %arg9[%mul3A_140, %dma_start3A_145] : memref<10016x128xf32, #tpu.memory_space<vmem_shared>> -> memref<626x128xf32, #tpu.memory_space<vmem_shared>>
      tpu.enqueue_dma source(%dma_start3A_146 : memref<626x128xf32, #tpu.memory_space<vmem_shared>>) target(%dma_start3A_144 : memref<626x128xf32, #tpu.memory_space<hbm>>) target_semaphore(%run_scoped3A_141 : memref<!tpu.dma_semaphore, #tpu.memory_space<semaphore_mem>>)
      %dma_wait3A_147 = arith.constant 0 : i32
      %dma_wait3A_148 = tpu.memref_slice %arg4[%arg0, %mul3A_140, %dma_wait3A_147] : memref<2x10016x128xf32, #tpu.memory_space<hbm>> -> memref<1x626x128xf32, #tpu.memory_space<hbm>>
      %dma_wait3A_149 = tpu.memref_squeeze %dma_wait3A_148 : memref<1x626x128xf32, #tpu.memory_space<hbm>> -> memref<626x128xf32, #tpu.memory_space<hbm>>
      %dma_wait3A_150 = arith.constant 0 : i32
      %dma_wait3A_151 = tpu.memref_slice %arg9[%mul3A_140, %dma_wait3A_150] : memref<10016x128xf32, #tpu.memory_space<vmem_shared>> -> memref<626x128xf32, #tpu.memory_space<vmem_shared>>
      tpu.wait_dma2 semaphore(%run_scoped3A_141 : memref<!tpu.dma_semaphore, #tpu.memory_space<semaphore_mem>>) src(%dma_wait3A_151 : memref<626x128xf32, #tpu.memory_space<vmem_shared>>) dst(%dma_wait3A_149 : memref<626x128xf32, #tpu.memory_space<hbm>>)
      tpu.yield
    }) : () -> ()
    return
  }
}

module attributes {stable_mosaic.version = 14 : i64} {
  func.func @_self_body(%arg0: i32, %arg1: memref<1000x128xf32, #tpu.memory_space<vmem>>, %arg2: memref<128x128xf32, #tpu.memory_space<vmem>>, %arg3: memref<1x128xf32, #tpu.memory_space<vmem>>, %arg4: memref<1000x128xf32, #tpu.memory_space<vmem>>) attributes {dimension_semantics = [#tpu.dimension_semantics<arbitrary>], iteration_bounds = array<i64: 10>, scalar_prefetch = 0 : i64, scratch_operands = 0 : i64, tpu.core_type = #tpu.core_type<tc>, window_params = [{transform_indices = @transform_0, window_bounds = array<i64: 1000, 128>}, {pipeline_mode = #tpu.pipeline_mode<synchronous>, transform_indices = @transform_1, window_bounds = array<i64: 128, 128>}, {pipeline_mode = #tpu.pipeline_mode<synchronous>, transform_indices = @transform_2, window_bounds = array<i64: 1, 128>}, {transform_indices = @transform_3, window_bounds = array<i64: 1000, 128>}]} {
    %get3A = arith.constant 0 : index
    %get3A_0 = arith.constant 0 : index
    %get3A_1 = vector.load %arg1[%get3A, %get3A_0] : memref<1000x128xf32, #tpu.memory_space<vmem>>, vector<1000x128xf32>
    %get3A_2 = arith.constant 0 : index
    %get3A_3 = arith.constant 0 : index
    %get3A_4 = vector.load %arg2[%get3A_2, %get3A_3] : memref<128x128xf32, #tpu.memory_space<vmem>>, vector<128x128xf32>
    %dot_general3A = arith.constant dense<0.000000e+00> : vector<1000x128xf32>
    %dot_general3A_5 = tpu.matmul %get3A_1, %get3A_4, %dot_general3A {dimension_numbers = #tpu.dot_dimension_numbers<[1], [0], [0], [1], [0, 0, 1, 1], [], []>, transpose_lhs_hint = false} : vector<1000x128xf32>, vector<128x128xf32>, vector<1000x128xf32> -> vector<1000x128xf32>
    %get3A_6 = arith.constant 0 : index
    %get3A_7 = arith.constant 0 : index
    %get3A_8 = vector.load %arg3[%get3A_6, %get3A_7] : memref<1x128xf32, #tpu.memory_space<vmem>>, vector<1x128xf32>
    %add3A = vector.broadcast %get3A_8 : vector<1x128xf32> to vector<1000x128xf32>
    %add3A_9 = arith.addf %dot_general3A_5, %add3A : vector<1000x128xf32>
    %swap3A = arith.constant 0 : index
    %swap3A_10 = arith.constant 0 : index
    %swap3A_11 = vector.load %arg4[%swap3A, %swap3A_10] : memref<1000x128xf32, #tpu.memory_space<vmem>>, vector<1000x128xf32>
    tpu.vector_store %arg4[%swap3A, %swap3A_10], %add3A_9 {strides = array<i32>} : memref<1000x128xf32, #tpu.memory_space<vmem>>, vector<1000x128xf32>,
    return
  }
  func.func @transform_0(%arg0: i32) -> (i32, i32) {
    %c0_i32 = arith.constant 0 : i32
    %c0_i32_0 = arith.constant 0 : i32
    return %arg0, %c0_i32 : i32, i32
  }
  func.func @transform_1(%arg0: i32) -> (i32, i32) {
    %c0_i32 = arith.constant 0 : i32
    %c0_i32_0 = arith.constant 0 : i32
    %c0_i32_1 = arith.constant 0 : i32
    return %c0_i32, %c0_i32_0 : i32, i32
  }
  func.func @transform_2(%arg0: i32) -> (i32, i32) {
    %c0_i32 = arith.constant 0 : i32
    %c0_i32_0 = arith.constant 0 : i32
    %c0_i32_1 = arith.constant 0 : i32
    return %c0_i32, %c0_i32_0 : i32, i32
  }
  func.func @transform_3(%arg0: i32) -> (i32, i32) {
    %c0_i32 = arith.constant 0 : i32
    %c0_i32_0 = arith.constant 0 : i32
    return %arg0, %c0_i32 : i32, i32
  }
}

module attributes {stable_mosaic.version = 14 : i64} {
  func.func @_comb_body(%arg0: i32, %arg1: memref<2x1000x128xf32, #tpu.memory_space<vmem>>, %arg2: memref<2x1000x16xf32, #tpu.memory_space<vmem>>, %arg3: memref<1000x128xf32, #tpu.memory_space<vmem>>, %arg4: memref<128x128xf32, #tpu.memory_space<vmem>>, %arg5: memref<1000x128xf32, #tpu.memory_space<vmem>>) attributes {dimension_semantics = [#tpu.dimension_semantics<arbitrary>], iteration_bounds = array<i64: 10>, scalar_prefetch = 0 : i64, scratch_operands = 0 : i64, tpu.core_type = #tpu.core_type<tc>, window_params = [{transform_indices = @transform_0, window_bounds = array<i64: 2, 1000, 128>}, {transform_indices = @transform_1, window_bounds = array<i64: 2, 1000, 16>}, {transform_indices = @transform_2, window_bounds = array<i64: 1000, 128>}, {pipeline_mode = #tpu.pipeline_mode<synchronous>, transform_indices = @transform_3, window_bounds = array<i64: 128, 128>}, {transform_indices = @transform_4, window_bounds = array<i64: 1000, 128>}]} {
    %get3A = arith.constant 0 : index
    %get3A_0 = arith.constant 0 : index
    %get3A_1 = arith.constant 0 : index
    %get3A_2 = vector.load %arg1[%get3A, %get3A_0, %get3A_1] : memref<2x1000x128xf32, #tpu.memory_space<vmem>>, vector<1x1000x128xf32>
    %get3A_3 = vector.shape_cast %get3A_2 : vector<1x1000x128xf32> to vector<1000x128xf32>
    %get3A_4 = arith.constant 1 : index
    %get3A_5 = arith.constant 0 : index
    %get3A_6 = arith.constant 0 : index
    %get3A_7 = vector.load %arg1[%get3A_4, %get3A_5, %get3A_6] : memref<2x1000x128xf32, #tpu.memory_space<vmem>>, vector<1x1000x128xf32>
    %get3A_8 = vector.shape_cast %get3A_7 : vector<1x1000x128xf32> to vector<1000x128xf32>
    %add3A = arith.addf %get3A_3, %get3A_8 : vector<1000x128xf32>
    %get3A_9 = arith.constant 0 : index
    %get3A_10 = arith.constant 0 : index
    %get3A_11 = arith.constant 0 : index
    %get3A_12 = vector.load %arg2[%get3A_9, %get3A_10, %get3A_11] : memref<2x1000x16xf32, #tpu.memory_space<vmem>>, vector<1x1000x1xf32>
    %get3A_13 = vector.shape_cast %get3A_12 : vector<1x1000x1xf32> to vector<1000x1xf32>
    %get3A_14 = arith.constant 1 : index
    %get3A_15 = arith.constant 0 : index
    %get3A_16 = arith.constant 0 : index
    %get3A_17 = vector.load %arg2[%get3A_14, %get3A_15, %get3A_16] : memref<2x1000x16xf32, #tpu.memory_space<vmem>>, vector<1x1000x1xf32>
    %get3A_18 = vector.shape_cast %get3A_17 : vector<1x1000x1xf32> to vector<1000x1xf32>
    %add3A_19 = arith.addf %get3A_13, %get3A_18 : vector<1000x1xf32>
    %max3A = arith.constant 1.000000e+00 : f32
    %max3A_20 = vector.broadcast %max3A : f32 to vector<1000x1xf32>
    %max3A_21 = arith.maximumf %add3A_19, %max3A_20 : vector<1000x1xf32>
    %div3A = vector.broadcast %max3A_21 : vector<1000x1xf32> to vector<1000x128xf32>
    %div3A_22 = arith.divf %add3A, %div3A : vector<1000x128xf32>
    %get3A_23 = arith.constant 0 : index
    %get3A_24 = arith.constant 0 : index
    %get3A_25 = vector.load %arg4[%get3A_23, %get3A_24] : memref<128x128xf32, #tpu.memory_space<vmem>>, vector<128x128xf32>
    %dot_general3A = arith.constant dense<0.000000e+00> : vector<1000x128xf32>
    %dot_general3A_26 = tpu.matmul %div3A_22, %get3A_25, %dot_general3A {dimension_numbers = #tpu.dot_dimension_numbers<[1], [0], [0], [1], [0, 0, 1, 1], [], []>, transpose_lhs_hint = false} : vector<1000x128xf32>, vector<128x128xf32>, vector<1000x128xf32> -> vector<1000x128xf32>
    %get3A_27 = arith.constant 0 : index
    %get3A_28 = arith.constant 0 : index
    %get3A_29 = vector.load %arg3[%get3A_27, %get3A_28] : memref<1000x128xf32, #tpu.memory_space<vmem>>, vector<1000x128xf32>
    %add3A_30 = arith.addf %dot_general3A_26, %get3A_29 : vector<1000x128xf32>
    %max3A_31 = arith.constant 0.000000e+00 : f32
    %max3A_32 = vector.broadcast %max3A_31 : f32 to vector<1000x128xf32>
    %max3A_33 = arith.maximumf %add3A_30, %max3A_32 : vector<1000x128xf32>
    %swap3A = arith.constant 0 : index
    %swap3A_34 = arith.constant 0 : index
    %swap3A_35 = vector.load %arg5[%swap3A, %swap3A_34] : memref<1000x128xf32, #tpu.memory_space<vmem>>, vector<1000x128xf32>
    tpu.vector_store %arg5[%swap3A, %swap3A_34], %max3A_33 {strides = array<i32>} : memref<1000x128xf32, #tpu.memory_space<vmem>>, vector<1000x128xf32>,
    return
  }
  func.func @transform_0(%arg0: i32) -> (i32, i32, i32) {
    %c0_i32 = arith.constant 0 : i32
    %c0_i32_0 = arith.constant 0 : i32
    %c0_i32_1 = arith.constant 0 : i32
    return %c0_i32, %arg0, %c0_i32_0 : i32, i32, i32
  }
  func.func @transform_1(%arg0: i32) -> (i32, i32, i32) {
    %c0_i32 = arith.constant 0 : i32
    %c0_i32_0 = arith.constant 0 : i32
    %c0_i32_1 = arith.constant 0 : i32
    return %c0_i32, %arg0, %c0_i32_0 : i32, i32, i32
  }
  func.func @transform_2(%arg0: i32) -> (i32, i32) {
    %c0_i32 = arith.constant 0 : i32
    %c0_i32_0 = arith.constant 0 : i32
    return %arg0, %c0_i32 : i32, i32
  }
  func.func @transform_3(%arg0: i32) -> (i32, i32) {
    %c0_i32 = arith.constant 0 : i32
    %c0_i32_0 = arith.constant 0 : i32
    %c0_i32_1 = arith.constant 0 : i32
    return %c0_i32, %c0_i32_0 : i32, i32
  }
  func.func @transform_4(%arg0: i32) -> (i32, i32) {
    %c0_i32 = arith.constant 0 : i32
    %c0_i32_0 = arith.constant 0 : i32
    return %arg0, %c0_i32 : i32, i32
  }
}

module attributes {stable_mosaic.version = 14 : i64} {
  func.func @_comb_body(%arg0: i32, %arg1: memref<2x1000x128xf32, #tpu.memory_space<vmem>>, %arg2: memref<2x1000x16xf32, #tpu.memory_space<vmem>>, %arg3: memref<1000x128xf32, #tpu.memory_space<vmem>>, %arg4: memref<128x128xf32, #tpu.memory_space<vmem>>, %arg5: memref<1000x128xf32, #tpu.memory_space<vmem>>) attributes {dimension_semantics = [#tpu.dimension_semantics<arbitrary>], iteration_bounds = array<i64: 10>, scalar_prefetch = 0 : i64, scratch_operands = 0 : i64, tpu.core_type = #tpu.core_type<tc>, window_params = [{transform_indices = @transform_0, window_bounds = array<i64: 2, 1000, 128>}, {transform_indices = @transform_1, window_bounds = array<i64: 2, 1000, 16>}, {transform_indices = @transform_2, window_bounds = array<i64: 1000, 128>}, {pipeline_mode = #tpu.pipeline_mode<synchronous>, transform_indices = @transform_3, window_bounds = array<i64: 128, 128>}, {transform_indices = @transform_4, window_bounds = array<i64: 1000, 128>}]} {
    %get3A = arith.constant 0 : index
    %get3A_0 = arith.constant 0 : index
    %get3A_1 = arith.constant 0 : index
    %get3A_2 = vector.load %arg1[%get3A, %get3A_0, %get3A_1] : memref<2x1000x128xf32, #tpu.memory_space<vmem>>, vector<1x1000x128xf32>
    %get3A_3 = vector.shape_cast %get3A_2 : vector<1x1000x128xf32> to vector<1000x128xf32>
    %get3A_4 = arith.constant 1 : index
    %get3A_5 = arith.constant 0 : index
    %get3A_6 = arith.constant 0 : index
    %get3A_7 = vector.load %arg1[%get3A_4, %get3A_5, %get3A_6] : memref<2x1000x128xf32, #tpu.memory_space<vmem>>, vector<1x1000x128xf32>
    %get3A_8 = vector.shape_cast %get3A_7 : vector<1x1000x128xf32> to vector<1000x128xf32>
    %add3A = arith.addf %get3A_3, %get3A_8 : vector<1000x128xf32>
    %get3A_9 = arith.constant 0 : index
    %get3A_10 = arith.constant 0 : index
    %get3A_11 = arith.constant 0 : index
    %get3A_12 = vector.load %arg2[%get3A_9, %get3A_10, %get3A_11] : memref<2x1000x16xf32, #tpu.memory_space<vmem>>, vector<1x1000x1xf32>
    %get3A_13 = vector.shape_cast %get3A_12 : vector<1x1000x1xf32> to vector<1000x1xf32>
    %get3A_14 = arith.constant 1 : index
    %get3A_15 = arith.constant 0 : index
    %get3A_16 = arith.constant 0 : index
    %get3A_17 = vector.load %arg2[%get3A_14, %get3A_15, %get3A_16] : memref<2x1000x16xf32, #tpu.memory_space<vmem>>, vector<1x1000x1xf32>
    %get3A_18 = vector.shape_cast %get3A_17 : vector<1x1000x1xf32> to vector<1000x1xf32>
    %add3A_19 = arith.addf %get3A_13, %get3A_18 : vector<1000x1xf32>
    %max3A = arith.constant 1.000000e+00 : f32
    %max3A_20 = vector.broadcast %max3A : f32 to vector<1000x1xf32>
    %max3A_21 = arith.maximumf %add3A_19, %max3A_20 : vector<1000x1xf32>
    %div3A = vector.broadcast %max3A_21 : vector<1000x1xf32> to vector<1000x128xf32>
    %div3A_22 = arith.divf %add3A, %div3A : vector<1000x128xf32>
    %get3A_23 = arith.constant 0 : index
    %get3A_24 = arith.constant 0 : index
    %get3A_25 = vector.load %arg4[%get3A_23, %get3A_24] : memref<128x128xf32, #tpu.memory_space<vmem>>, vector<128x128xf32>
    %dot_general3A = arith.constant dense<0.000000e+00> : vector<1000x128xf32>
    %dot_general3A_26 = tpu.matmul %div3A_22, %get3A_25, %dot_general3A {dimension_numbers = #tpu.dot_dimension_numbers<[1], [0], [0], [1], [0, 0, 1, 1], [], []>, transpose_lhs_hint = false} : vector<1000x128xf32>, vector<128x128xf32>, vector<1000x128xf32> -> vector<1000x128xf32>
    %get3A_27 = arith.constant 0 : index
    %get3A_28 = arith.constant 0 : index
    %get3A_29 = vector.load %arg3[%get3A_27, %get3A_28] : memref<1000x128xf32, #tpu.memory_space<vmem>>, vector<1000x128xf32>
    %add3A_30 = arith.addf %dot_general3A_26, %get3A_29 : vector<1000x128xf32>
    %swap3A = arith.constant 0 : index
    %swap3A_31 = arith.constant 0 : index
    %swap3A_32 = vector.load %arg5[%swap3A, %swap3A_31] : memref<1000x128xf32, #tpu.memory_space<vmem>>, vector<1000x128xf32>
    tpu.vector_store %arg5[%swap3A, %swap3A_31], %add3A_30 {strides = array<i32>} : memref<1000x128xf32, #tpu.memory_space<vmem>>, vector<1000x128xf32>,
    return
  }
  func.func @transform_0(%arg0: i32) -> (i32, i32, i32) {
    %c0_i32 = arith.constant 0 : i32
    %c0_i32_0 = arith.constant 0 : i32
    %c0_i32_1 = arith.constant 0 : i32
    return %c0_i32, %arg0, %c0_i32_0 : i32, i32, i32
  }
  func.func @transform_1(%arg0: i32) -> (i32, i32, i32) {
    %c0_i32 = arith.constant 0 : i32
    %c0_i32_0 = arith.constant 0 : i32
    %c0_i32_1 = arith.constant 0 : i32
    return %c0_i32, %arg0, %c0_i32_0 : i32, i32, i32
  }
  func.func @transform_2(%arg0: i32) -> (i32, i32) {
    %c0_i32 = arith.constant 0 : i32
    %c0_i32_0 = arith.constant 0 : i32
    return %arg0, %c0_i32 : i32, i32
  }
  func.func @transform_3(%arg0: i32) -> (i32, i32) {
    %c0_i32 = arith.constant 0 : i32
    %c0_i32_0 = arith.constant 0 : i32
    %c0_i32_1 = arith.constant 0 : i32
    return %c0_i32, %c0_i32_0 : i32, i32
  }
  func.func @transform_4(%arg0: i32) -> (i32, i32) {
    %c0_i32 = arith.constant 0 : i32
    %c0_i32_0 = arith.constant 0 : i32
    return %arg0, %c0_i32 : i32, i32
  }
}

</mosaic_0001>

<sc_bundles>
// kernel: kernel.11.cloned.1.call-start
scs
__scs_entry_jumppad:
0x0: {  	(pc) =	sbr.rel $0x88, $3  }
0x1: {  	(tag) =	ssettag $0x0;
	lr =	simm.s32 $0x1  }
0x2: {  	[smem:$0x3F99] =	sst lr;
	_ =	strace $0xD0000000  }
0x3: {  	_ = 	snop  }
0x4: {  	_ = 	snop  }
0x5: {  	_ = 	snop  }
0x6: {  	_ = 	snop  }
0x7: {  	_ = 	snop  }
__scs_overlays_trampoline_lowered:
0x8: {  	[smem:$0x3FA8] =	sst s0  }
0x9: {  	[smem:$0x3FA9] =	sst s1  }
0xa: {  	[smem:$0x3FAA] =	sst s2  }
0xb: {  	[smem:$0x3FAB] =	sst s3  }
0xc: {  	[smem:$0x3FAC] =	sst s4  }
0xd: {  	[smem:$0x3FAD] =	sst s5  }
0xe: {  	[smem:$0x3FAE] =	sst s6  }
0xf: {  	[smem:$0x3FAF] =	sst s7  }
0x10: {  	[smem:$0x3FB0] =	sst s8  }
0x11: {  	[smem:$0x3FB1] =	sst s9;
	s0 =	simm.s32 @!p0 $0x0  }
0x12: {  	s1 =	sld [smem:$0x3F97];
	s0 =	simm.s32 @p0 $0x1  }
0x13: {  	[smem:$0x3FB2] =	sst s0;
	s0 =	simm.s32 @!p1 $0x0  }
0x14: {  	s2 =	sld [smem:$0x3F96];
	s0 =	simm.s32 @p1 $0x1  }
0x15: {  	[smem:$0x3FB3] =	sst s0;
	s0 =	simm.s32 @!p2 $0x0  }
0x16: {  	s3 =	sld [smem:$0x3FDB];
	s0 =	simm.s32 @p2 $0x1  }
0x17: {  	s4 =	simm.s32 $0x1BF5;
	[smem:$0x3FB5] =	sst s0  }
0x18: {  	s0 =	sld [smem:$0x3F98];
	_ =	swait.ge [sflag:s4], $0x0  }
0x19: {  	s7 =	sld [smem:$0x3F99]  }
0x1a: {  	s8 =	sadd.s32 $0xFFFFE003, lr  }
0x1b: {  	s9 =	sadd.s32 $0xFFFFFEF7, lr;
	s5 =	simm.s32 $0xFFFFFFFF;
	p2 =	slt.u32 s8, $0xFFFFF086  }
0x1c: {  	p1 =	slt.u32 s9, $0xF7A;
	s5 =	simm.s32 @!p2 $0x0  }
0x1d: {  	s5 =	simm.s32 @p1 $0x1;
	p0 =	seq.s32 s7, s2  }
0x1e: {  	s7 =	smul.u32 @!p0 $0xF7A, s2;
	p2 =	seq.s32 @!p0 s5, $0x0  }
0x1f: {  	s9 =	smul.u32 $0xF7A, s1;
	s8 =	simm.s32 @!p0 $0x1BF5;
	p2 =	por !p2, p0  }
0x20: {  	[sflag:s8] =	ssyncset.s32 @!p0 $0xFFFFF086;
	s6 =	sadd.s32 @!p0 s3, s7;
	s7 =	simm.s32 @!p0 $0x108  }
0x21: {  	s3 =	sadd.s32 s3, s9;
	s6 =	sadd.s32 @!p0 $0x88, s6;
	s7 =	simm.s32 @p2 $0x1082  }
0x22: {  	[simem:s7], [sflag:s8] =	dma.local @!p0 [hbm:s6], $0xF7A  }
0x23: {  	s9 =	sor.u32 $0xD0000000, s2;
	s6 =	simm.s32 $0x108;
	_ =	swait.ge @!p0 [sflag:s8], $0x0  }
0x24: {  	s3 =	sadd.s32 $0x88, s3;
	s6 =	simm.s32 @!p1 $0x1082;
	[sflag:s4] =	ssyncset.s32 $0xFFFFF086  }
0x25: {  	[simem:s6], [sflag:s4] =	dma.local [hbm:s3], $0xF7A  }
0x26: {  	[smem:$0x3F99] =	sst s1;
	(tag) =	ssettag s2;
	_ =	strace s9  }
0x27: {  	s1 =	sld [smem:$0x3FA9]  }
0x28: {  	s2 =	sld [smem:$0x3FAA]  }
0x29: {  	s4 =	sld [smem:$0x3FAC]  }
0x2a: {  	p0 =	seq.s32 s5, $0x0;
	s5 =	sld [smem:$0x3FAD]  }
0x2b: {  	s6 =	sld [smem:$0x3FAE]  }
0x2c: {  	s7 =	sld [smem:$0x3FAF]  }
0x2d: {  	s3 =	simm.s32 $0x108;
	s8 =	sld [smem:$0x3FB0]  }
0x2e: {  	s3 =	simm.s32 @!p0 $0x1082;
	s9 =	sld [smem:$0x3FB1]  }
0x2f: {  	lr =	sadd.s32 s0, s3;
	s0 =	sld [smem:$0x3FA8]  }
0x30: {  	s3 =	sld [smem:$0x3FAB]  }
0x31: {  	[smem:$0x3FB4] =	sst s10  }
0x32: {  	s10 =	sld [smem:$0x3FB2];
	_ =	sdelay $0x3  }
0x33: {  	p0 =	seq.s32 s10, $0x1;
	s10 =	sld [smem:$0x3FB4];
	_ =	sdelay $0x3  }
0x34: {  	[smem:$0x3FB4] =	sst s10  }
0x35: {  	s10 =	sld [smem:$0x3FB3];
	_ =	sdelay $0x3  }
0x36: {  	p1 =	seq.s32 s10, $0x1;
	s10 =	sld [smem:$0x3FB4];
	_ =	sdelay $0x3  }
0x37: {  	[smem:$0x3FB4] =	sst s10  }
0x38: {  	s10 =	sld [smem:$0x3FB5]  }
0x39: {  	_ = 	snop;
	(pc) =	sbr.ind lr, $3  }
0x3a: {  	_ = 	snop  }
0x3b: {  	_ = 	snop  }
0x3c: {  	p2 =	seq.s32 s10, $0x1;
	s10 =	sld [smem:$0x3FB4]  }
0x3d: {  	_ =	shalt  }
0x3e: {  	_ =	shalt  }
0x3f: {  	_ =	shalt  }
0x40: {  	_ =	shalt  }
0x41: {  	_ =	shalt  }
0x42: {  	_ =	shalt  }
0x43: {  	_ =	shalt  }
0x44: {  	_ =	shalt  }
0x45: {  	_ =	shalt  }
0x46: {  	_ =	shalt  }
0x47: {  	_ =	shalt  }
0x48: {  	_ =	shalt  }
0x49: {  	_ =	shalt  }
0x4a: {  	_ =	shalt  }
0x4b: {  	_ =	shalt  }
0x4c: {  	_ =	shalt  }
0x4d: {  	_ =	shalt  }
0x4e: {  	_ =	shalt  }
0x4f: {  	_ =	shalt  }
0x50: {  	_ =	shalt  }
0x51: {  	_ =	shalt  }
0x52: {  	_ =	shalt  }
0x53: {  	_ =	shalt  }
0x54: {  	_ =	shalt  }
0x55: {  	_ =	shalt  }
0x56: {  	_ =	shalt  }
0x57: {  	_ =	shalt  }
0x58: {  	_ =	shalt  }
0x59: {  	_ =	shalt  }
0x5a: {  	_ =	shalt  }
0x5b: {  	_ =	shalt  }
0x5c: {  	_ =	shalt  }
0x5d: {  	_ =	shalt  }
0x5e: {  	_ =	shalt  }
0x5f: {  	_ =	shalt  }
0x60: {  	_ =	shalt  }
0x61: {  	_ =	shalt  }
0x62: {  	_ =	shalt  }
0x63: {  	_ =	shalt  }
0x64: {  	_ =	shalt  }
0x65: {  	_ =	shalt  }
0x66: {  	_ =	shalt  }
0x67: {  	_ =	shalt  }
0x68: {  	_ =	shalt  }
0x69: {  	_ =	shalt  }
0x6a: {  	_ =	shalt  }
0x6b: {  	_ =	shalt  }
0x6c: {  	_ =	shalt  }
0x6d: {  	_ =	shalt  }
0x6e: {  	_ =	shalt  }
0x6f: {  	_ =	shalt  }
0x70: {  	_ =	shalt  }
0x71: {  	_ =	shalt  }
0x72: {  	_ =	shalt  }
0x73: {  	_ =	shalt  }
0x74: {  	_ =	shalt  }
0x75: {  	_ =	shalt  }
0x76: {  	_ =	shalt  }
0x77: {  	_ =	shalt  }
0x78: {  	_ =	shalt  }
0x79: {  	_ =	shalt  }
0x7a: {  	_ =	shalt  }
0x7b: {  	_ =	shalt  }
0x7c: {  	_ =	shalt  }
0x7d: {  	_ =	shalt  }
0x7e: {  	_ =	shalt  }
0x7f: {  	_ =	shalt  }
0x80: {  	_ =	shalt  }
0x81: {  	_ =	shalt  }
0x82: {  	_ =	shalt  }
0x83: {  	_ =	shalt  }
0x84: {  	_ =	shalt  }
0x85: {  	_ =	shalt  }
0x86: {  	_ =	shalt  }
0x87: {  	_ =	shalt  }
.Lfunc_end0:
.L_simem_size_0:
called_computation.1_lowered:
.L_overlay_start_0:
0x88: {  	s2 =	sld [smem:$0x3FD9]  }
0x89: {  	s3 =	sld [smem:$0x3FFE];
	_ =	sdelay $0x1  }
0x8a: {  	s1 =	srdreg.scid  }
0x8b: {  	s0 =	sand.u32 $0x1, s1  }
0x8c: {  	s17 =	sshll.u32 s0, $0xA;
	s2 =	sadd.s32 s3, s2  }
0x8d: {  	s2 =	sadd.s32 s2, s17  }
0x8e: {  	[smem:$0x3FC0] =	sst s2  }
0x8f: {  	_ = 	snop  }
0x90: {  	s2 =	sld [smem:$0x3FD0];
	(tm) =	ssettm $0x1  }
0x91: {  	s18 =	sld [smem:$0x3FFB];
	_ =	sdelay $0x3  }
0x92: {  	_ =	strace s18  }
0x93: {  	s3 =	sld [smem:$0x3FFC];
	_ =	sdelay $0x3  }
0x94: {  	_ =	strace s3  }
0x95: {  	s3 =	sld [smem:$0x3FFD];
	_ =	sdelay $0x3  }
0x96: {  	_ =	strace s3  }
0x97: {  	_ =	strace $0x8FFFFFFF  }
0x98: {  	s19 =	sld [smem:$0x3FDB];
	_ =	sdelay $0x1  }
0x99: {  	s4 =	simm.s32 $_scs_section_size  }
0x9a: {  	s5 =	simm.s32 $_size__tile_overlayer_lowered;
	s6 =	simm.s32 $_tile_overlayer_lowered  }
0x9b: {  	s22 =	simm.s32 $0x1BFF;
	s21 =	sshll.u32 s6, $0x1;
	s3 =	sadd.s32 s4, s19  }
0x9c: {  	s7 =	simm.s32 $0x0;
	s20 =	sshll.u32 s5, $0x1;
	s5 =	sadd.s32 s21, s3  }
0x9d: {  	[timem:s7], [sflag:s22] =	dma.local [hbm:s5], s20  }
0x9e: {  	_ =	swait.ge [sflag:s22], s20  }
0x9f: {  	s4 =	ssub.s32 $0x0, s20;
	[sflag:s22] =	ssyncset.done $0x0  }
0xa0: {  	[sflag:s22] =	ssyncadd.s32 s4;
	_ =	sdelay $0x1  }
0xa1: {  	s23 =	simm.s32 $0x1B8B  }
0xa2: {  	_ =	swait.ge [sflag:s23], $0x1  }
0xa3: {  	[sflag:s23] =	ssyncset.done $0x0  }
0xa4: {  	s25 =	simm.s32 $0x1B8E;
	s24 =	sld [smem:$0x3FFE];
	[sflag:s23] =	ssyncadd.s32 $0xFFFFFFFF  }
0xa5: {  	s26 =	simm.s32 $execute0_lowered;
	[smem:$0x3FD2] =	sst s25  }
0xa6: {  	s5 =	sshll.u32 s26, $0x1;
	_ =	strace $0x80000049;
	[dreg:$0x1] =	wrdreg $0xFFFFFFFF  }
0xa7: {  	s28 =	simm.s32 $_size_execute0_lowered;
	s3 =	sadd.s32 s3, s5;
	[dreg:$0x0] =	wrdreg $0x0  }
0xa8: {  	s5 =	sshll.u32 s28, $0x1;
	[dreg:$0x2] =	wrdreg s3  }
0xa9: {  	[dreg:$0x3] =	wrdreg s5  }
0xaa: {  	[dreg:$0x4] =	wrdreg $0xC0  }
0xab: {  	_ =	task [dreg:s7], $0x5FFFF  }
0xac: {  	[dreg:$0x1] =	wrdreg $0xFFFFFFFF  }
0xad: {  	[dreg:$0x0] =	wrdreg $0x60  }
0xae: {  	[dreg:$0x2] =	wrdreg s2  }
0xaf: {  	[dreg:$0x3] =	wrdreg s24  }
0xb0: {  	[dreg:$0x4] =	wrdreg $0x8F000  }
0xb1: {  	[dreg:$0x5] =	wrdreg $0x9  }
0xb2: {  	_ =	task.clear_ibuf [dreg:s7], $0x6FFFF;
	_ =	strace $0x90000049  }
0xb3: {  	s29 =	simm.s32 $0x9;
	_ =	strace $0x8000004B  }
0xb4: {  	_ =	swait.ge [sflag:s29], $0x1  }
0xb5: {  	[sflag:s29] =	ssyncadd.s32 $0xFFFFFFFF  }
0xb6: {  	_ =	strace $0x9000004B  }
0xb7: {  	_ =	sfence  }
0xb8: {  	s30 =	sld [smem:$0x0];
	_ =	sdelay $0x2  }
0xb9: {  	s31 =	sshll.u32 s1, $0xD;
	s1 =	sshrl.u32 s1, $0x2  }
0xba: {  	s3 =	sand.u32 $0x4000, s31;
	s1 =	sadd.s32 s1, s30  }
0xbb: {  	s0 =	sor.u32 s3, s0;
	s1 =	sshll.u32 s1, $0x11  }
0xbc: {  	s0 =	sor.u32 s1, s0  }
0xbd: {  	s0 =	sadd.s32 $0x8F2B, s0  }
0xbe: {  	[sflag:s0] =	ssyncadd.remote.s32 $0x1  }
0xbf: {  	_ =	sfence.sel $0xFFFF  }
0xc0: {  	[dreg:$0x0] =	wrdreg $0xFFFFFFFF;
	(pc) =	sbr.abs _section_cstart, $3  }
0xc1: {  	[dreg:$0x1] =	wrdreg $0xFFFFFFFF  }
0xc2: {  	_ =	task.clear_ibuf [dreg:s7], $0x2FFFF;
	_ =	strace $0x9FFFFFFF  }
0xc3: {  	(tm) =	ssettm $0x7FFFFFFF  }
tec
execute0_lowered:
.L_overlay_start_1:
0x0: {  	(tag) =	ssettag $0x1  }
0x1: {  	s1 =	rddreg [dreg:$0x0]  }
0x2: {  	s0 =	srdreg.scid;
	s6 =	rddreg [dreg:$0x1]  }
0x3: {  	s26 =	stileid.u32;
	s3 =	rddreg [dreg:$0x2];
	s4 =	simm.s32 $0x0  }
0x4: {  	s19 =	simm.s32 $0x4F00;
	s20 =	simm.s32 $0x3;
	s22 =	simm.s32 $0x40  }
0x5: {  	s23 =	simm.s32 $0x6F00;
	s24 =	simm.s32 $0x1;
	s25 =	simm.s32 $0x2  }
0x6: {  	s28 =	simm.s32 $0x4E80;
	s29 =	simm.s32 $0x4EC0;
	s8 =	smul.u32 $0x13900, s26  }
0x7: {  	s5 =	sand.u32 $0x1, s0;
	[smem:$0x7FF] =	sst s4;
	s10 =	smul.u32 $0x4E400, s26  }
0x8: {  	s2 =	sshll.u32 s5, $0x4;
	s9 =	smul.u32 $0x139000, s5;
	s5 =	ssub.s32 $0x2, s5  }
0x9: {  	_ =	strace $0x8000004A;
	s2 =	sor.u32 s26, s2;
	s31 =	sshrl.u32 s5, $0x1  }
0xa: {  	s10 =	sshrl.u32 s10, $0x2;
	s26 =	simm.s32 $0x2740;
	s7 =	smul.u32 $0x2710, s2  }
0xb: {  	s30 =	sadd.s32 s8, s9;
	s18 =	ssub.s32 s5, s31;
	s14 =	sadd.s32 s10, s3  }
0xc: {  	s5 =	sadd.s32 s8, s3;
	s8 =	sadd.s32 $0x6000, s14;
	s9 =	sadd.s32 $0x8000, s14  }
0xd: {  	s10 =	sadd.s32 $0xA000, s14;
	s11 =	sadd.s32 $0xC000, s14;
	s7 =	sshrl.u32 s7, $0x3  }
0xe: {  	s12 =	sadd.s32 $0xE000, s14;
	s16 =	sadd.s32 s7, s6;
	s7 =	sshrl.u32 s30, $0x3  }
0xf: {  	s13 =	sadd.s32 $0x10000, s14;
	s18 =	smax.u32 s18, $0x1;
	s17 =	sadd.s32 s7, s6  }
0x10: {  	v2 =	vlaneseq.u32;
	s6 =	sadd.s32 $0x2000, s14;
	s7 =	sadd.s32 $0x4000, s14;
	s14 =	sadd.s32 $0x12000, s14  }
0x11: {  	v0 =	vimm.f32 $0.0e+00;
	v1 =	vimm.s32 $0x0;
	v2 =	vor.u32 $0x2710, v2;
	s15 =	sadd.s32 $0x2800, s16;
	s16 =	sadd.s32 $0xC440, s16;
	s17 =	sadd.s32 $0x16200, s17  }
.LBB2_1:
0x12: {  	s30 =	simm.s32 $0x0;
	s31 =	simm.s32 $0x200  }
.LBB2_2:
0x13: {  	p0 =	sne.s32 s31, $0x7E00;
	[tilespmem:s30+$0x4F70] =	vst v0  }
0x14: {  	[tilespmem:s30+$0x4F00] =	vst v0  }
0x15: {  	[tilespmem:s30+$0x4F10] =	vst v0  }
.Ltmp0:
0x16: {  	[tilespmem:s30+$0x4F20] =	vst v0;
	(pc) =	sbr.rel @p0 .LBB2_2-.Ltmp0, $4  }
0x17: {  	[tilespmem:s30+$0x4F30] =	vst v0  }
0x18: {  	[tilespmem:s30+$0x4F40] =	vst v0  }
0x19: {  	[tilespmem:s30+$0x4F50] =	vst v0  }
0x1a: {  	[tilespmem:s30+$0x4F60] =	vst v0;
	s30 =	sshra.s32 s31, $0x2;
	s31 =	sadd.s32 $0x200, s31  }
0x1b: {  	[tilespmem:s30+$0x4F70] =	vst v0  }
0x1c: {  	[tilespmem:s30+$0x4F00] =	vst v0  }
0x1d: {  	[tilespmem:s30+$0x4F10] =	vst v0  }
0x1e: {  	[tilespmem:s30+$0x4F20] =	vst v0  }
0x1f: {  	[tilespmem:s30+$0x4F30] =	vst v0  }
0x20: {  	[tilespmem:s30+$0x4F40] =	vst v0  }
0x21: {  	[tilespmem:s30+$0x4F50] =	vst v0  }
0x22: {  	[tilespmem:s30+$0x4F60] =	vst v0  }
0x23: {  	[tilespmem:$0x2710] =	vst v1  }
0x24: {  	[tilespmem:$0x4E90] =	vst v2  }
0x25: {  	[tilespmem:$0x2720] =	vst v1  }
0x26: {  	[tilespmem:$0x4EA0] =	vst v2  }
0x27: {  	[tilespmem:$0x2730] =	vst v1  }
0x28: {  	[tilespmem:$0x4EB0] =	vst v2  }
0x29: {  	[tilespmem:$0x2740] =	vst v1  }
0x2a: {  	[tilespmem:$0x4EC0] =	vst v2  }
0x2b: {  	[tilespmem:$0x2750] =	vst v1  }
0x2c: {  	[tilespmem:$0x4ED0] =	vst v2  }
0x2d: {  	[tilespmem:$0x2760] =	vst v1  }
0x2e: {  	[tilespmem:$0x4EE0] =	vst v2  }
0x2f: {  	[tilespmem:$0x2770] =	vst v1  }
0x30: {  	[tilespmem:$0x4EF0] =	vst v2  }
0x31: {  	[spmem:s5] =	stream.linear.scatter [tilespmem:s19], [sflag:$0x3], $0x2000, $0x38;
	[tilespmem:$0x1C800] =	vst v63  }
0x32: {  	_ =	swait.ge [sflag:s20], $0x2000  }
0x33: {  	[sflag:s20] =	ssyncset.done $0x0  }
0x34: {  	[sflag:s20] =	ssyncadd.s32 $0xFFFFE000  }
0x35: {  	[spmem:s6] =	stream.linear.scatter [tilespmem:s19], [sflag:$0x3], $0x2000, $0x38;
	[tilespmem:$0x1C800] =	vst v63  }
0x36: {  	_ =	swait.ge [sflag:s20], $0x2000  }
0x37: {  	[sflag:s20] =	ssyncset.done $0x0  }
0x38: {  	[sflag:s20] =	ssyncadd.s32 $0xFFFFE000  }
0x39: {  	[spmem:s7] =	stream.linear.scatter [tilespmem:s19], [sflag:$0x3], $0x2000, $0x38;
	[tilespmem:$0x1C800] =	vst v63  }
0x3a: {  	_ =	swait.ge [sflag:s20], $0x2000  }
0x3b: {  	[sflag:s20] =	ssyncset.done $0x0  }
0x3c: {  	[sflag:s20] =	ssyncadd.s32 $0xFFFFE000  }
0x3d: {  	[spmem:s8] =	stream.linear.scatter [tilespmem:s19], [sflag:$0x3], $0x2000, $0x38;
	[tilespmem:$0x1C800] =	vst v63  }
0x3e: {  	_ =	swait.ge [sflag:s20], $0x2000  }
0x3f: {  	[sflag:s20] =	ssyncset.done $0x0  }
0x40: {  	[sflag:s20] =	ssyncadd.s32 $0xFFFFE000  }
0x41: {  	[spmem:s9] =	stream.linear.scatter [tilespmem:s19], [sflag:$0x3], $0x2000, $0x38;
	[tilespmem:$0x1C800] =	vst v63  }
0x42: {  	_ =	swait.ge [sflag:s20], $0x2000  }
0x43: {  	[sflag:s20] =	ssyncset.done $0x0  }
0x44: {  	[sflag:s20] =	ssyncadd.s32 $0xFFFFE000  }
0x45: {  	[spmem:s10] =	stream.linear.scatter [tilespmem:s19], [sflag:$0x3], $0x2000, $0x38;
	[tilespmem:$0x1C800] =	vst v63  }
0x46: {  	_ =	swait.ge [sflag:s20], $0x2000  }
0x47: {  	[sflag:s20] =	ssyncset.done $0x0  }
0x48: {  	[sflag:s20] =	ssyncadd.s32 $0xFFFFE000  }
0x49: {  	[spmem:s11] =	stream.linear.scatter [tilespmem:s19], [sflag:$0x3], $0x2000, $0x38;
	[tilespmem:$0x1C800] =	vst v63  }
0x4a: {  	_ =	swait.ge [sflag:s20], $0x2000  }
0x4b: {  	[sflag:s20] =	ssyncset.done $0x0  }
0x4c: {  	[sflag:s20] =	ssyncadd.s32 $0xFFFFE000  }
0x4d: {  	[spmem:s12] =	stream.linear.scatter [tilespmem:s19], [sflag:$0x3], $0x2000, $0x38;
	[tilespmem:$0x1C800] =	vst v63  }
0x4e: {  	_ =	swait.ge [sflag:s20], $0x2000  }
0x4f: {  	[sflag:s20] =	ssyncset.done $0x0  }
0x50: {  	[sflag:s20] =	ssyncadd.s32 $0xFFFFE000  }
0x51: {  	[spmem:s13] =	stream.linear.scatter [tilespmem:s19], [sflag:$0x3], $0x2000, $0x38;
	[tilespmem:$0x1C800] =	vst v63  }
0x52: {  	_ =	swait.ge [sflag:s20], $0x2000  }
0x53: {  	[sflag:s20] =	ssyncset.done $0x0  }
0x54: {  	[sflag:s20] =	ssyncadd.s32 $0xFFFFE000  }
0x55: {  	[spmem:s14] =	stream.linear.scatter [tilespmem:s19], [sflag:$0x3], $0x1900, $0x38;
	[tilespmem:$0x1C800] =	vst v63  }
0x56: {  	_ =	swait.ge [sflag:s20], $0x1900  }
0x57: {  	[sflag:s20] =	ssyncset.done $0x0  }
0x58: {  	s30 =	simm.s32 $0x0;
	[sflag:s20] =	ssyncadd.s32 $0xFFFFE700  }
0x59: {  	[tilespmem:s30], [sflag:$0x3] =	stream.linear.gather [hbm4b:s15+s30], $0x2710, $0x38;
	[tilespmem:$0x1C800] =	vst v63  }
0x5a: {  	_ =	swait.ge [sflag:s20], $0x2710  }
0x5b: {  	[sflag:s20] =	ssyncset.done $0x0  }
0x5c: {  	s0 =	simm.s32 $0x2780;
	[sflag:s20] =	ssyncadd.s32 $0xFFFFD8F0  }
0x5d: {  	[tilespmem:s0], [sflag:$0x3] =	stream.linear.gather [hbm4b:s16+s30], $0x2710, $0x38;
	[tilespmem:$0x1C800] =	vst v63  }
0x5e: {  	_ =	swait.ge [sflag:s20], $0x2710  }
0x5f: {  	[sflag:s20] =	ssyncset.done $0x0  }
0x60: {  	[sflag:s20] =	ssyncadd.s32 $0xFFFFD8F0  }
0x61: {  	[bflag:$0x0] =	sbarrier.arrive $0xFFFF  }
0x62: {  	[tilespmem:s19], [sflag:$0x1] =	stream.indirect.gather [hbm4b:s1+s22], $0x80, s30, s22, $0xb8;
	[tilespmem:$0x1C800] =	vst v63  }
0x63: {  	s30 =	simm.s32 $0x40  }
0x64: {  	[tilespmem:s23], [sflag:$0x2] =	stream.indirect.gather [hbm4b:s1+s22], $0x80, s30, s22, $0xb8;
	[tilespmem:$0x1C800] =	vst v63  }
0x65: {  	_ =	swait.ge [sflag:s24], $0x2000  }
0x66: {  	[sflag:s24] =	ssyncset.done $0x0  }
0x67: {  	s30 =	simm.s32 $0x2780;
	[sflag:s24] =	ssyncadd.s32 $0xFFFFE000  }
0x68: {  	[spmem:s3] =	stream.indirect.scatter.add.f32 [tilespmem:s19], [sflag:$0x3], $0x80, s30, s22, $0xb8;
	[tilespmem:$0x1C800] =	vst v63  }
0x69: {  	_ =	swait.ge [sflag:s20], $0x2000  }
0x6a: {  	[sflag:s20] =	ssyncset.done $0x0  }
0x6b: {  	s30 =	simm.s32 $0x80;
	[sflag:s20] =	ssyncadd.s32 $0xFFFFE000  }
0x6c: {  	[tilespmem:s19], [sflag:$0x1] =	stream.indirect.gather [hbm4b:s1+s22], $0x80, s30, s22, $0xb8;
	[tilespmem:$0x1C800] =	vst v63  }
0x6d: {  	_ =	swait.ge [sflag:s25], $0x2000  }
0x6e: {  	[sflag:s25] =	ssyncset.done $0x0  }
0x6f: {  	s30 =	simm.s32 $0x27C0;
	[sflag:s25] =	ssyncadd.s32 $0xFFFFE000  }
0x70: {  	[spmem:s3] =	stream.indirect.scatter.add.f32 [tilespmem:s23], [sflag:$0x3], $0x80, s30, s22, $0xb8;
	[tilespmem:$0x1C800] =	vst v63  }
0x71: {  	_ =	swait.ge [sflag:s20], $0x2000  }
0x72: {  	s31 =	simm.s32 $0x400;
	s30 =	simm.s32 $0x80;
	[sflag:s20] =	ssyncset.done $0x0  }
.LBB2_4:
0x73: {  	s2 =	sadd.s32 $0x40, s30  }
0x74: {  	[sflag:s20] =	ssyncadd.s32 $0xFFFFE000;
	s0 =	smov.u32 s31;
	s21 =	sadd.s32 $0x200, s31  }
0x75: {  	[tilespmem:s23], [sflag:$0x2] =	stream.indirect.gather [hbm4b:s1+s22], $0x80, s2, s22, $0xb8;
	[tilespmem:$0x1C800] =	vst v63  }
0x76: {  	p0 =	sne.s32 s31, $0x9A00;
	_ =	swait.ge [sflag:s24], $0x2000  }
0x77: {  	[sflag:s24] =	ssyncset.done $0x0  }
0x78: {  	s2 =	sadd.s32 $0x2780, s30;
	[sflag:s24] =	ssyncadd.s32 $0xFFFFE000  }
0x79: {  	[spmem:s3] =	stream.indirect.scatter.add.f32 [tilespmem:s19], [sflag:$0x3], $0x80, s2, s22, $0xb8;
	[tilespmem:$0x1C800] =	vst v63  }
0x7a: {  	_ =	swait.ge [sflag:s20], $0x2000  }
0x7b: {  	[sflag:s20] =	ssyncset.done $0x0  }
0x7c: {  	s2 =	sadd.s32 $0x80, s30;
	[sflag:s20] =	ssyncadd.s32 $0xFFFFE000  }
0x7d: {  	[tilespmem:s19], [sflag:$0x1] =	stream.indirect.gather [hbm4b:s1+s22], $0x80, s2, s22, $0xb8;
	[tilespmem:$0x1C800] =	vst v63  }
0x7e: {  	_ =	swait.ge [sflag:s25], $0x2000  }
.Ltmp1:
0x7f: {  	[sflag:s25] =	ssyncset.done $0x0;
	(pc) =	sbr.rel @p0 .LBB2_4-.Ltmp1, $4  }
0x80: {  	s2 =	sadd.s32 $0x27C0, s30;
	[sflag:s25] =	ssyncadd.s32 $0xFFFFE000  }
0x81: {  	[spmem:s3] =	stream.indirect.scatter.add.f32 [tilespmem:s23], [sflag:$0x3], $0x80, s2, s22, $0xb8;
	[tilespmem:$0x1C800] =	vst v63  }
0x82: {  	_ =	swait.ge [sflag:s20], $0x2000  }
0x83: {  	s31 =	smov.u32 s21;
	s30 =	sshra.s32 s0, $0x2;
	[sflag:s20] =	ssyncset.done $0x0  }
0x84: {  	s0 =	sadd.s32 $0x40, s30;
	[sflag:s20] =	ssyncadd.s32 $0xFFFFE000  }
0x85: {  	[tilespmem:s23], [sflag:$0x2] =	stream.indirect.gather [hbm4b:s1+s22], $0x80, s0, s22, $0xb8;
	[tilespmem:$0x1C800] =	vst v63  }
0x86: {  	_ =	swait.ge [sflag:s24], $0x2000  }
0x87: {  	[sflag:s24] =	ssyncset.done $0x0  }
0x88: {  	s2 =	sadd.s32 $0x2780, s30;
	[sflag:s24] =	ssyncadd.s32 $0xFFFFE000  }
0x89: {  	[spmem:s3] =	stream.indirect.scatter.add.f32 [tilespmem:s19], [sflag:$0x3], $0x80, s2, s22, $0xb8;
	[tilespmem:$0x1C800] =	vst v63  }
0x8a: {  	_ =	swait.ge [sflag:s20], $0x2000  }
0x8b: {  	[sflag:s20] =	ssyncset.done $0x0  }
0x8c: {  	s21 =	sadd.s32 $0x80, s30;
	[sflag:s20] =	ssyncadd.s32 $0xFFFFE000  }
0x8d: {  	[tilespmem:s19], [sflag:$0x1] =	stream.indirect.gather [hbm4b:s1+s22], $0x80, s21, s22, $0xb8;
	[tilespmem:$0x1C800] =	vst v63  }
0x8e: {  	_ =	swait.ge [sflag:s25], $0x2000  }
0x8f: {  	[sflag:s25] =	ssyncset.done $0x0  }
0x90: {  	s30 =	sadd.s32 $0x27C0, s30;
	[sflag:s25] =	ssyncadd.s32 $0xFFFFE000  }
0x91: {  	[spmem:s3] =	stream.indirect.scatter.add.f32 [tilespmem:s23], [sflag:$0x3], $0x80, s30, s22, $0xb8;
	[tilespmem:$0x1C800] =	vst v63  }
0x92: {  	_ =	swait.ge [sflag:s20], $0x2000  }
0x93: {  	[sflag:s20] =	ssyncset.done $0x0  }
0x94: {  	[sflag:s20] =	ssyncadd.s32 $0xFFFFE000  }
0x95: {  	[tilespmem:s23], [sflag:$0x2] =	stream.indirect.gather [hbm4b:s1+s22], $0x80, s26, s22, $0xb8;
	[tilespmem:$0x1C800] =	vst v63  }
0x96: {  	_ =	swait.ge [sflag:s24], $0x2000  }
0x97: {  	[sflag:s24] =	ssyncset.done $0x0  }
0x98: {  	[sflag:s24] =	ssyncadd.s32 $0xFFFFE000  }
0x99: {  	[spmem:s3] =	stream.indirect.scatter.add.f32 [tilespmem:s19], [sflag:$0x3], $0x80, s28, s22, $0xb8;
	[tilespmem:$0x1C800] =	vst v63  }
0x9a: {  	_ =	swait.ge [sflag:s20], $0x2000  }
0x9b: {  	[sflag:s20] =	ssyncset.done $0x0  }
0x9c: {  	[sflag:s20] =	ssyncadd.s32 $0xFFFFE000  }
0x9d: {  	_ =	swait.ge [sflag:s25], $0x2000  }
0x9e: {  	[sflag:s25] =	ssyncset.done $0x0  }
0x9f: {  	[sflag:s25] =	ssyncadd.s32 $0xFFFFE000  }
0xa0: {  	[spmem:s3] =	stream.indirect.scatter.add.f32 [tilespmem:s23], [sflag:$0x3], $0x80, s29, s22, $0xb8;
	[tilespmem:$0x1C800] =	vst v63  }
0xa1: {  	s31 =	stileid.u32;
	_ =	swait.ge [sflag:s20], $0x2000  }
0xa2: {  	s4 =	sadd.s32 $0x1, s4;
	s0 =	sshll.u32 s31, $0x6;
	[sflag:s20] =	ssyncset.done $0x0  }
0xa3: {  	p0 =	sne.s32 s4, s18;
	s0 =	sor.u32 $0x1C03, s0;
	[sflag:s20] =	ssyncadd.s32 $0xFFFFE000  }
.Ltmp2:
0xa4: {  	s2 =	sshrl.u32 s5, $0x3;
	[bflag:$0x0] =	sbarrier.arrive $0xFFFF;
	(pc) =	sbr.rel @p0 .LBB2_1-.Ltmp2, $4  }
0xa5: {  	[hbm:s17], [sflag:s0] =	dma.local [spmem:s2], $0x2720  }
0xa6: {  	_ =	swait.ge [sflag:s20], $0x2720  }
0xa7: {  	[sflag:s20] =	ssyncset.done $0x0  }
0xa8: {  	[sflag:s20] =	ssyncadd.s32 $0xFFFFD8E0  }
0xa9: {  	_ =	sfence.sel $0x180000  }
0xaa: {  	[bflag:$0x0] =	sbarrier.arrive $0xFFFF  }
0xab: {  	_ =	strace $0x9000004A  }
0xac: {  	s0 =	stileid.u32;
	[bflag:$0x2] =	sbarrier.arrive $0xFFFF  }
0xad: {  	p0 =	sne.s32 s0, $0x0;
	s0 =	rddreg [dreg:$0x3]  }
0xae: {  	s0 =	sadd.s32 @!p0 $0x100000, s0  }
0xaf: {  	[sflag:s0] =	ssyncadd.tile.s32 @!p0 $0x1;
	_ =	shalt  }
.Lfunc_end2:
_tile_overlayer_lowered:
.L_overlay_start_2:
0xb0: {  	(tag) =	ssettag $0x2  }
0xb1: {  	s0 =	rddreg [dreg:$0x0];
	s2 =	stileid.u32  }
0xb2: {  	s1 =	rddreg [dreg:$0x1];
	p0 =	sne.s32 s2, $0x0  }
0xb3: {  	s3 =	rddreg [dreg:$0x2];
	[bflag:$0x3] =	sbarrier.arrive $0xFFFF;
	s2 =	simm.s32 @!p0 $0x1C03  }
0xb4: {  	[timem:s3], [sflag:s2] =	dma.local @!p0 [hbm:s0], s1  }
0xb5: {  	s0 =	simm.s32 @!p0 $0x3  }
0xb6: {  	_ =	swait.ge @!p0 [sflag:s0], s1  }
0xb7: {  	s1 =	ssub.s32 @!p0 $0x0, s1;
	[sflag:s0] =	ssyncset.done @!p0 $0x0  }
0xb8: {  	[sflag:s0] =	ssyncadd.s32 @!p0 s1  }
0xb9: {  	[bflag:$0x3] =	sbarrier.arrive $0xFFFF  }
0xba: {  	_ =	shalt  }

// kernel: kernel.8.cloned.1.call-start
scs
__scs_entry_jumppad:
0x0: {  	(pc) =	sbr.rel $0x88, $3  }
0x1: {  	(tag) =	ssettag $0x0;
	lr =	simm.s32 $0x1  }
0x2: {  	[smem:$0x3F99] =	sst lr;
	_ =	strace $0xD0000000  }
0x3: {  	_ = 	snop  }
0x4: {  	_ = 	snop  }
0x5: {  	_ = 	snop  }
0x6: {  	_ = 	snop  }
0x7: {  	_ = 	snop  }
__scs_overlays_trampoline_lowered:
0x8: {  	[smem:$0x3FA8] =	sst s0  }
0x9: {  	[smem:$0x3FA9] =	sst s1  }
0xa: {  	[smem:$0x3FAA] =	sst s2  }
0xb: {  	[smem:$0x3FAB] =	sst s3  }
0xc: {  	[smem:$0x3FAC] =	sst s4  }
0xd: {  	[smem:$0x3FAD] =	sst s5  }
0xe: {  	[smem:$0x3FAE] =	sst s6  }
0xf: {  	[smem:$0x3FAF] =	sst s7  }
0x10: {  	[smem:$0x3FB0] =	sst s8  }
0x11: {  	[smem:$0x3FB1] =	sst s9;
	s0 =	simm.s32 @!p0 $0x0  }
0x12: {  	s1 =	sld [smem:$0x3F97];
	s0 =	simm.s32 @p0 $0x1  }
0x13: {  	[smem:$0x3FB2] =	sst s0;
	s0 =	simm.s32 @!p1 $0x0  }
0x14: {  	s2 =	sld [smem:$0x3F96];
	s0 =	simm.s32 @p1 $0x1  }
0x15: {  	[smem:$0x3FB3] =	sst s0;
	s0 =	simm.s32 @!p2 $0x0  }
0x16: {  	s3 =	sld [smem:$0x3FDB];
	s0 =	simm.s32 @p2 $0x1  }
0x17: {  	s4 =	simm.s32 $0x1BF5;
	[smem:$0x3FB5] =	sst s0  }
0x18: {  	s0 =	sld [smem:$0x3F98];
	_ =	swait.ge [sflag:s4], $0x0  }
0x19: {  	s7 =	sld [smem:$0x3F99]  }
0x1a: {  	s8 =	sadd.s32 $0xFFFFE003, lr  }
0x1b: {  	s9 =	sadd.s32 $0xFFFFFEF7, lr;
	s5 =	simm.s32 $0xFFFFFFFF;
	p2 =	slt.u32 s8, $0xFFFFF086  }
0x1c: {  	p1 =	slt.u32 s9, $0xF7A;
	s5 =	simm.s32 @!p2 $0x0  }
0x1d: {  	s5 =	simm.s32 @p1 $0x1;
	p0 =	seq.s32 s7, s2  }
0x1e: {  	s7 =	smul.u32 @!p0 $0xF7A, s2;
	p2 =	seq.s32 @!p0 s5, $0x0  }
0x1f: {  	s9 =	smul.u32 $0xF7A, s1;
	s8 =	simm.s32 @!p0 $0x1BF5;
	p2 =	por !p2, p0  }
0x20: {  	[sflag:s8] =	ssyncset.s32 @!p0 $0xFFFFF086;
	s6 =	sadd.s32 @!p0 s3, s7;
	s7 =	simm.s32 @!p0 $0x108  }
0x21: {  	s3 =	sadd.s32 s3, s9;
	s6 =	sadd.s32 @!p0 $0x88, s6;
	s7 =	simm.s32 @p2 $0x1082  }
0x22: {  	[simem:s7], [sflag:s8] =	dma.local @!p0 [hbm:s6], $0xF7A  }
0x23: {  	s9 =	sor.u32 $0xD0000000, s2;
	s6 =	simm.s32 $0x108;
	_ =	swait.ge @!p0 [sflag:s8], $0x0  }
0x24: {  	s3 =	sadd.s32 $0x88, s3;
	s6 =	simm.s32 @!p1 $0x1082;
	[sflag:s4] =	ssyncset.s32 $0xFFFFF086  }
0x25: {  	[simem:s6], [sflag:s4] =	dma.local [hbm:s3], $0xF7A  }
0x26: {  	[smem:$0x3F99] =	sst s1;
	(tag) =	ssettag s2;
	_ =	strace s9  }
0x27: {  	s1 =	sld [smem:$0x3FA9]  }
0x28: {  	s2 =	sld [smem:$0x3FAA]  }
0x29: {  	s4 =	sld [smem:$0x3FAC]  }
0x2a: {  	p0 =	seq.s32 s5, $0x0;
	s5 =	sld [smem:$0x3FAD]  }
0x2b: {  	s6 =	sld [smem:$0x3FAE]  }
0x2c: {  	s7 =	sld [smem:$0x3FAF]  }
0x2d: {  	s3 =	simm.s32 $0x108;
	s8 =	sld [smem:$0x3FB0]  }
0x2e: {  	s3 =	simm.s32 @!p0 $0x1082;
	s9 =	sld [smem:$0x3FB1]  }
0x2f: {  	lr =	sadd.s32 s0, s3;
	s0 =	sld [smem:$0x3FA8]  }
0x30: {  	s3 =	sld [smem:$0x3FAB]  }
0x31: {  	[smem:$0x3FB4] =	sst s10  }
0x32: {  	s10 =	sld [smem:$0x3FB2];
	_ =	sdelay $0x3  }
0x33: {  	p0 =	seq.s32 s10, $0x1;
	s10 =	sld [smem:$0x3FB4];
	_ =	sdelay $0x3  }
0x34: {  	[smem:$0x3FB4] =	sst s10  }
0x35: {  	s10 =	sld [smem:$0x3FB3];
	_ =	sdelay $0x3  }
0x36: {  	p1 =	seq.s32 s10, $0x1;
	s10 =	sld [smem:$0x3FB4];
	_ =	sdelay $0x3  }
0x37: {  	[smem:$0x3FB4] =	sst s10  }
0x38: {  	s10 =	sld [smem:$0x3FB5]  }
0x39: {  	_ = 	snop;
	(pc) =	sbr.ind lr, $3  }
0x3a: {  	_ = 	snop  }
0x3b: {  	_ = 	snop  }
0x3c: {  	p2 =	seq.s32 s10, $0x1;
	s10 =	sld [smem:$0x3FB4]  }
0x3d: {  	_ =	shalt  }
0x3e: {  	_ =	shalt  }
0x3f: {  	_ =	shalt  }
0x40: {  	_ =	shalt  }
0x41: {  	_ =	shalt  }
0x42: {  	_ =	shalt  }
0x43: {  	_ =	shalt  }
0x44: {  	_ =	shalt  }
0x45: {  	_ =	shalt  }
0x46: {  	_ =	shalt  }
0x47: {  	_ =	shalt  }
0x48: {  	_ =	shalt  }
0x49: {  	_ =	shalt  }
0x4a: {  	_ =	shalt  }
0x4b: {  	_ =	shalt  }
0x4c: {  	_ =	shalt  }
0x4d: {  	_ =	shalt  }
0x4e: {  	_ =	shalt  }
0x4f: {  	_ =	shalt  }
0x50: {  	_ =	shalt  }
0x51: {  	_ =	shalt  }
0x52: {  	_ =	shalt  }
0x53: {  	_ =	shalt  }
0x54: {  	_ =	shalt  }
0x55: {  	_ =	shalt  }
0x56: {  	_ =	shalt  }
0x57: {  	_ =	shalt  }
0x58: {  	_ =	shalt  }
0x59: {  	_ =	shalt  }
0x5a: {  	_ =	shalt  }
0x5b: {  	_ =	shalt  }
0x5c: {  	_ =	shalt  }
0x5d: {  	_ =	shalt  }
0x5e: {  	_ =	shalt  }
0x5f: {  	_ =	shalt  }
0x60: {  	_ =	shalt  }
0x61: {  	_ =	shalt  }
0x62: {  	_ =	shalt  }
0x63: {  	_ =	shalt  }
0x64: {  	_ =	shalt  }
0x65: {  	_ =	shalt  }
0x66: {  	_ =	shalt  }
0x67: {  	_ =	shalt  }
0x68: {  	_ =	shalt  }
0x69: {  	_ =	shalt  }
0x6a: {  	_ =	shalt  }
0x6b: {  	_ =	shalt  }
0x6c: {  	_ =	shalt  }
0x6d: {  	_ =	shalt  }
0x6e: {  	_ =	shalt  }
0x6f: {  	_ =	shalt  }
0x70: {  	_ =	shalt  }
0x71: {  	_ =	shalt  }
0x72: {  	_ =	shalt  }
0x73: {  	_ =	shalt  }
0x74: {  	_ =	shalt  }
0x75: {  	_ =	shalt  }
0x76: {  	_ =	shalt  }
0x77: {  	_ =	shalt  }
0x78: {  	_ =	shalt  }
0x79: {  	_ =	shalt  }
0x7a: {  	_ =	shalt  }
0x7b: {  	_ =	shalt  }
0x7c: {  	_ =	shalt  }
0x7d: {  	_ =	shalt  }
0x7e: {  	_ =	shalt  }
0x7f: {  	_ =	shalt  }
0x80: {  	_ =	shalt  }
0x81: {  	_ =	shalt  }
0x82: {  	_ =	shalt  }
0x83: {  	_ =	shalt  }
0x84: {  	_ =	shalt  }
0x85: {  	_ =	shalt  }
0x86: {  	_ =	shalt  }
0x87: {  	_ =	shalt  }
.Lfunc_end0:
.L_simem_size_0:
called_computation_lowered:
.L_overlay_start_0:
0x88: {  	s2 =	sld [smem:$0x3FD9]  }
0x89: {  	s3 =	sld [smem:$0x3FFE];
	_ =	sdelay $0x1  }
0x8a: {  	s1 =	srdreg.scid  }
0x8b: {  	s0 =	sand.u32 $0x1, s1  }
0x8c: {  	s17 =	sshll.u32 s0, $0xA;
	s2 =	sadd.s32 s3, s2  }
0x8d: {  	s2 =	sadd.s32 s2, s17  }
0x8e: {  	[smem:$0x3FC0] =	sst s2  }
0x8f: {  	_ = 	snop  }
0x90: {  	s2 =	sld [smem:$0x3FC9]  }
0x91: {  	s18 =	sld [smem:$0x3FD0];
	(tm) =	ssettm $0x1  }
0x92: {  	s4 =	sld [smem:$0x3FFB];
	_ =	sdelay $0x3  }
0x93: {  	_ =	strace s4  }
0x94: {  	s4 =	sld [smem:$0x3FFC];
	_ =	sdelay $0x3  }
0x95: {  	_ =	strace s4  }
0x96: {  	s4 =	sld [smem:$0x3FFD];
	_ =	sdelay $0x3  }
0x97: {  	_ =	strace s4  }
0x98: {  	_ =	strace $0x8FFFFFFF  }
0x99: {  	s19 =	sld [smem:$0x3FDB];
	_ =	sdelay $0x1  }
0x9a: {  	s5 =	simm.s32 $_scs_section_size  }
0x9b: {  	s6 =	simm.s32 $_size__tile_overlayer_lowered;
	s7 =	simm.s32 $_tile_overlayer_lowered  }
0x9c: {  	s22 =	simm.s32 $0x1BFF;
	s21 =	sshll.u32 s7, $0x1;
	s4 =	sadd.s32 s5, s19  }
0x9d: {  	s8 =	simm.s32 $0x0;
	s20 =	sshll.u32 s6, $0x1;
	s6 =	sadd.s32 s21, s4  }
0x9e: {  	[timem:s8], [sflag:s22] =	dma.local [hbm:s6], s20  }
0x9f: {  	_ =	swait.ge [sflag:s22], s20  }
0xa0: {  	s5 =	ssub.s32 $0x0, s20;
	[sflag:s22] =	ssyncset.done $0x0  }
0xa1: {  	[sflag:s22] =	ssyncadd.s32 s5;
	_ =	sdelay $0x1  }
0xa2: {  	s23 =	simm.s32 $0x1B8B  }
0xa3: {  	_ =	swait.ge [sflag:s23], $0x1  }
0xa4: {  	[sflag:s23] =	ssyncset.done $0x0  }
0xa5: {  	s25 =	simm.s32 $0x1B8E;
	s24 =	sld [smem:$0x3FFE];
	[sflag:s23] =	ssyncadd.s32 $0xFFFFFFFF  }
0xa6: {  	s26 =	simm.s32 $execute0_lowered;
	[smem:$0x3FD2] =	sst s25  }
0xa7: {  	s6 =	sshll.u32 s26, $0x1;
	_ =	strace $0x80000046;
	[dreg:$0x1] =	wrdreg $0xFFFFFFFF  }
0xa8: {  	s28 =	simm.s32 $_size_execute0_lowered;
	s4 =	sadd.s32 s4, s6;
	[dreg:$0x0] =	wrdreg $0x0  }
0xa9: {  	s6 =	sshll.u32 s28, $0x1;
	[dreg:$0x2] =	wrdreg s4  }
0xaa: {  	[dreg:$0x3] =	wrdreg s6  }
0xab: {  	[dreg:$0x4] =	wrdreg $0xC0  }
0xac: {  	_ =	task [dreg:s8], $0x5FFFF  }
0xad: {  	[dreg:$0x1] =	wrdreg $0xFFFFFFFF  }
0xae: {  	[dreg:$0x0] =	wrdreg $0x60  }
0xaf: {  	[dreg:$0x2] =	wrdreg s2  }
0xb0: {  	[dreg:$0x3] =	wrdreg s24  }
0xb1: {  	[dreg:$0x4] =	wrdreg s18  }
0xb2: {  	[dreg:$0x5] =	wrdreg $0x8F000  }
0xb3: {  	[dreg:$0x6] =	wrdreg $0x1D0000  }
0xb4: {  	[dreg:$0x7] =	wrdreg $0x9  }
0xb5: {  	_ =	task.clear_ibuf [dreg:s8], $0x8FFFF;
	_ =	strace $0x90000046  }
0xb6: {  	s29 =	simm.s32 $0x9;
	_ =	strace $0x80000048  }
0xb7: {  	_ =	swait.ge [sflag:s29], $0x1  }
0xb8: {  	[sflag:s29] =	ssyncadd.s32 $0xFFFFFFFF  }
0xb9: {  	_ =	strace $0x90000048  }
0xba: {  	_ =	sfence  }
0xbb: {  	s30 =	sld [smem:$0x0];
	_ =	sdelay $0x2  }
0xbc: {  	s31 =	sshll.u32 s1, $0xD;
	s1 =	sshrl.u32 s1, $0x2  }
0xbd: {  	s3 =	sand.u32 $0x4000, s31;
	s1 =	sadd.s32 s1, s30  }
0xbe: {  	s0 =	sor.u32 s3, s0;
	s1 =	sshll.u32 s1, $0x11  }
0xbf: {  	s0 =	sor.u32 s1, s0  }
0xc0: {  	s0 =	sadd.s32 $0x8F2B, s0  }
0xc1: {  	[sflag:s0] =	ssyncadd.remote.s32 $0x1  }
0xc2: {  	_ =	sfence.sel $0xFFFF  }
0xc3: {  	[dreg:$0x0] =	wrdreg $0xFFFFFFFF;
	(pc) =	sbr.abs _section_cstart, $3  }
0xc4: {  	[dreg:$0x1] =	wrdreg $0xFFFFFFFF  }
0xc5: {  	_ =	task.clear_ibuf [dreg:s8], $0x2FFFF;
	_ =	strace $0x9FFFFFFF  }
0xc6: {  	(tm) =	ssettm $0x7FFFFFFF  }
0xc7: {  	_ =	shalt  }
tec
execute0_lowered:
.L_overlay_start_1:
0x0: {  	(tag) =	ssettag $0x1  }
0x1: {  	s0 =	srdreg.scid;
	s1 =	rddreg [dreg:$0x0]  }
0x2: {  	s2 =	rddreg [dreg:$0x1];
	s16 =	stileid.u32  }
0x3: {  	s7 =	rddreg [dreg:$0x2];
	s8 =	smul.u32 $0x13900, s16  }
0x4: {  	s5 =	simm.s32 $0x0;
	s0 =	sand.u32 $0x1, s0;
	s11 =	smul.u32 $0x272, s16  }
0x5: {  	[smem:$0x7FF] =	sst s5;
	s9 =	smul.u32 $0x139000, s0  }
0x6: {  	s3 =	sshll.u32 s0, $0x4;
	s10 =	ssub.s32 $0x2, s0;
	s0 =	smul.u32 $0x27200, s0  }
0x7: {  	s4 =	sor.u32 s16, s3;
	s3 =	rddreg [dreg:$0x3];
	s18 =	sshrl.u32 s10, $0x1  }
0x8: {  	s13 =	sadd.s32 $0x80, s11;
	s15 =	sadd.s32 $0x100, s11;
	s16 =	smul.u32 $0x2720, s16  }
0x9: {  	s23 =	sadd.s32 $0x140, s11;
	s6 =	smul.u32 $0x2710, s4;
	s4 =	rddreg [dreg:$0x4]  }
0xa: {  	_ =	strace $0x80000047;
	s9 =	sadd.s32 s8, s9;
	s14 =	sshll.u32 s13, $0x7  }
0xb: {  	s22 =	sshll.u32 s15, $0x7;
	s17 =	sshll.u32 s23, $0x7;
	s23 =	sshll.u32 s23, $0x4  }
0xc: {  	s9 =	sshrl.u32 s9, $0x3;
	s20 =	sadd.s32 s14, s3;
	s0 =	sadd.s32 s16, s0  }
0xd: {  	s17 =	sadd.s32 s17, s3;
	s6 =	sshrl.u32 s6, $0x3;
	[dreg:$0x7] =	wrdreg s20  }
0xe: {  	[dreg:$0xa] =	wrdreg s17;
	s0 =	sshrl.u32 s0, $0x3;
	s12 =	sadd.s32 s6, s2  }
0xf: {  	s2 =	sadd.s32 s9, s2;
	s9 =	ssub.s32 s10, s18;
	s10 =	sadd.s32 $0x40, s11  }
0x10: {  	s6 =	sadd.s32 s8, s3;
	s18 =	sadd.s32 $0x180, s11;
	s0 =	sadd.s32 s7, s0  }
0x11: {  	s7 =	sadd.s32 $0x200, s11;
	s19 =	sshll.u32 s10, $0x7;
	[dreg:$0xc] =	wrdreg s0  }
0x12: {  	s0 =	sadd.s32 $0x1C0, s11;
	s26 =	sshll.u32 s7, $0x7;
	s10 =	sshll.u32 s10, $0x4  }
0x13: {  	s28 =	sadd.s32 $0x2800, s12;
	s29 =	sadd.s32 $0xC440, s12;
	s30 =	sadd.s32 $0x16200, s2  }
0x14: {  	s31 =	smax.u32 s9, $0x1;
	s2 =	simm.s32 $0x4F00;
	s9 =	simm.s32 $0x6F00  }
0x15: {  	s12 =	simm.s32 $0x2;
	s8 =	sadd.s32 s19, s3;
	s19 =	sshll.u32 s18, $0x7  }
0x16: {  	s25 =	sshll.u32 s0, $0x7;
	s10 =	sadd.s32 s10, s4;
	s0 =	sshll.u32 s0, $0x4  }
0x17: {  	[dreg:$0x6] =	wrdreg s8;
	s8 =	sadd.s32 $0xC0, s11;
	s24 =	sadd.s32 s19, s3  }
0x18: {  	s11 =	sadd.s32 $0x240, s11;
	s17 =	sadd.s32 s25, s3;
	[dreg:$0x10] =	wrdreg s10  }
0x19: {  	s19 =	sadd.s32 s26, s3;
	s25 =	sshll.u32 s7, $0x4;
	[dreg:$0xb] =	wrdreg s24  }
0x1a: {  	s7 =	simm.s32 $0x1CC00;
	s21 =	sshll.u32 s8, $0x7;
	[dreg:$0xd] =	wrdreg s17  }
0x1b: {  	[dreg:$0xe] =	wrdreg s19;
	s20 =	sshll.u32 s11, $0x7;
	s8 =	sshll.u32 s8, $0x4  }
0x1c: {  	s24 =	sshll.u32 s18, $0x4;
	s26 =	sshll.u32 s11, $0x4;
	s25 =	sadd.s32 s25, s4  }
0x1d: {  	s11 =	simm.s32 $0x1C800;
	s14 =	sadd.s32 s21, s3;
	s17 =	sadd.s32 s20, s3  }
0x1e: {  	s21 =	sshll.u32 s13, $0x4;
	s8 =	sadd.s32 s8, s4;
	[dreg:$0x8] =	wrdreg s14  }
0x1f: {  	s26 =	sadd.s32 s26, s4;
	s13 =	simm.s32 $0x4E80;
	[dreg:$0xf] =	wrdreg s17  }
0x20: {  	s14 =	sadd.s32 s22, s3;
	s17 =	sadd.s32 s16, s4;
	[dreg:$0x12] =	wrdreg s8  }
0x21: {  	s10 =	sadd.s32 s21, s4;
	s22 =	sshll.u32 s15, $0x4;
	[dreg:$0x9] =	wrdreg s14  }
0x22: {  	s8 =	simm.s32 $0x40;
	[dreg:$0x11] =	wrdreg s10;
	s21 =	sadd.s32 s22, s4  }
0x23: {  	v0 =	vimm.f32 $0.0e+00;
	v3 =	vlaneseq.u32;
	s22 =	sadd.s32 s23, s4;
	s23 =	sadd.s32 s24, s4;
	s24 =	sadd.s32 s0, s4  }
0x24: {  	v1 =	vimm.f32 $1.000000000e+00;
	v2 =	vimm.s32 $0x0;
	v3 =	vor.u32 $0x2710, v3;
	s0 =	simm.s32 $0x3;
	s10 =	simm.s32 $0x1;
	s14 =	simm.s32 $0x4EC0  }
.LBB2_1:
0x25: {  	s15 =	simm.s32 $0x4F40  }
0x26: {  	[tilespmem:s15+$0x20] =	vst v0  }
0x27: {  	[tilespmem:s15+$0x10] =	vst v0  }
0x28: {  	[tilespmem:s15+$0x0] =	vst v0  }
0x29: {  	[tilespmem:s15+$0xFFFFFFF0] =	vst v0  }
0x2a: {  	[tilespmem:s15+$0xFFFFFFE0] =	vst v0  }
0x2b: {  	[tilespmem:s15+$0xFFFFFFD0] =	vst v0  }
0x2c: {  	[tilespmem:s15+$0xFFFFFFC0] =	vst v0  }
0x2d: {  	s18 =	simm.s32 $0x0;
	s16 =	simm.s32 $0x40;
	[tilespmem:s15+$0x30] =	vst v0  }
.LBB2_2:
0x2e: {  	p0 =	sne.s32 s16, $0xFC0;
	[tilespmem:s18+$0x1CC00] =	vst v0  }
0x2f: {  	s15 =	sadd.s32 $0x80, s15;
	[tilespmem:s18+$0x1C800] =	vst v1  }
0x30: {  	[tilespmem:s15+$0x20] =	vst v0  }
0x31: {  	[tilespmem:s15+$0x10] =	vst v0  }
0x32: {  	[tilespmem:s15+$0x0] =	vst v0  }
.Ltmp0:
0x33: {  	[tilespmem:s15+$0xFFFFFFF0] =	vst v0;
	(pc) =	sbr.rel @p0 .LBB2_2-.Ltmp0, $4  }
0x34: {  	[tilespmem:s15+$0xFFFFFFE0] =	vst v0  }
0x35: {  	[tilespmem:s15+$0xFFFFFFD0] =	vst v0  }
0x36: {  	[tilespmem:s15+$0xFFFFFFC0] =	vst v0  }
0x37: {  	s18 =	sshra.s32 s16, $0x2;
	s16 =	sadd.s32 $0x40, s16;
	[tilespmem:s15+$0x30] =	vst v0  }
0x38: {  	[tilespmem:s18+$0x1CC00] =	vst v0  }
0x39: {  	[tilespmem:s18+$0x1C800] =	vst v1  }
0x3a: {  	[tilespmem:$0x2710] =	vst v2  }
0x3b: {  	[tilespmem:$0x4E90] =	vst v3  }
0x3c: {  	[tilespmem:$0x2720] =	vst v2  }
0x3d: {  	[tilespmem:$0x4EA0] =	vst v3  }
0x3e: {  	[tilespmem:$0x2730] =	vst v2  }
0x3f: {  	[tilespmem:$0x4EB0] =	vst v3  }
0x40: {  	[tilespmem:$0x2740] =	vst v2  }
0x41: {  	[tilespmem:$0x4EC0] =	vst v3  }
0x42: {  	[tilespmem:$0x2750] =	vst v2  }
0x43: {  	[tilespmem:$0x4ED0] =	vst v3  }
0x44: {  	[tilespmem:$0x2760] =	vst v2  }
0x45: {  	[tilespmem:$0x4EE0] =	vst v3  }
0x46: {  	[tilespmem:$0x2770] =	vst v2  }
0x47: {  	[tilespmem:$0x4EF0] =	vst v3  }
0x48: {  	[spmem:s6] =	stream.linear.scatter [tilespmem:s2], [sflag:$0x3], $0x2000, $0x38;
	[tilespmem:$0x1F720] =	vst v63  }
0x49: {  	_ =	swait.ge [sflag:s0], $0x2000  }
0x4a: {  	[sflag:s0] =	ssyncset.done $0x0  }
0x4b: {  	s15 =	rddreg [dreg:$0x6];
	[sflag:s0] =	ssyncadd.s32 $0xFFFFE000  }
0x4c: {  	[spmem:s15] =	stream.linear.scatter [tilespmem:s2], [sflag:$0x3], $0x2000, $0x38;
	[tilespmem:$0x1F720] =	vst v63  }
0x4d: {  	_ =	swait.ge [sflag:s0], $0x2000  }
0x4e: {  	[sflag:s0] =	ssyncset.done $0x0  }
0x4f: {  	s16 =	rddreg [dreg:$0x7];
	[sflag:s0] =	ssyncadd.s32 $0xFFFFE000  }
0x50: {  	[spmem:s16] =	stream.linear.scatter [tilespmem:s2], [sflag:$0x3], $0x2000, $0x38;
	[tilespmem:$0x1F720] =	vst v63  }
0x51: {  	_ =	swait.ge [sflag:s0], $0x2000  }
0x52: {  	[sflag:s0] =	ssyncset.done $0x0  }
0x53: {  	s18 =	rddreg [dreg:$0x8];
	[sflag:s0] =	ssyncadd.s32 $0xFFFFE000  }
0x54: {  	[spmem:s18] =	stream.linear.scatter [tilespmem:s2], [sflag:$0x3], $0x2000, $0x38;
	[tilespmem:$0x1F720] =	vst v63  }
0x55: {  	_ =	swait.ge [sflag:s0], $0x2000  }
0x56: {  	[sflag:s0] =	ssyncset.done $0x0  }
0x57: {  	s19 =	rddreg [dreg:$0x9];
	[sflag:s0] =	ssyncadd.s32 $0xFFFFE000  }
0x58: {  	[spmem:s19] =	stream.linear.scatter [tilespmem:s2], [sflag:$0x3], $0x2000, $0x38;
	[tilespmem:$0x1F720] =	vst v63  }
0x59: {  	_ =	swait.ge [sflag:s0], $0x2000  }
0x5a: {  	[sflag:s0] =	ssyncset.done $0x0  }
0x5b: {  	s20 =	rddreg [dreg:$0xa];
	[sflag:s0] =	ssyncadd.s32 $0xFFFFE000  }
0x5c: {  	[spmem:s20] =	stream.linear.scatter [tilespmem:s2], [sflag:$0x3], $0x2000, $0x38;
	[tilespmem:$0x1F720] =	vst v63  }
0x5d: {  	_ =	swait.ge [sflag:s0], $0x2000  }
0x5e: {  	[sflag:s0] =	ssyncset.done $0x0  }
0x5f: {  	s16 =	rddreg [dreg:$0xb];
	[sflag:s0] =	ssyncadd.s32 $0xFFFFE000  }
0x60: {  	[spmem:s16] =	stream.linear.scatter [tilespmem:s2], [sflag:$0x3], $0x2000, $0x38;
	[tilespmem:$0x1F720] =	vst v63  }
0x61: {  	_ =	swait.ge [sflag:s0], $0x2000  }
0x62: {  	[sflag:s0] =	ssyncset.done $0x0  }
0x63: {  	s18 =	rddreg [dreg:$0xd];
	[sflag:s0] =	ssyncadd.s32 $0xFFFFE000  }
0x64: {  	[spmem:s18] =	stream.linear.scatter [tilespmem:s2], [sflag:$0x3], $0x2000, $0x38;
	[tilespmem:$0x1F720] =	vst v63  }
0x65: {  	_ =	swait.ge [sflag:s0], $0x2000  }
0x66: {  	[sflag:s0] =	ssyncset.done $0x0  }
0x67: {  	s19 =	rddreg [dreg:$0xe];
	[sflag:s0] =	ssyncadd.s32 $0xFFFFE000  }
0x68: {  	[spmem:s19] =	stream.linear.scatter [tilespmem:s2], [sflag:$0x3], $0x2000, $0x38;
	[tilespmem:$0x1F720] =	vst v63  }
0x69: {  	_ =	swait.ge [sflag:s0], $0x2000  }
0x6a: {  	[sflag:s0] =	ssyncset.done $0x0  }
0x6b: {  	s20 =	rddreg [dreg:$0xf];
	[sflag:s0] =	ssyncadd.s32 $0xFFFFE000  }
0x6c: {  	[spmem:s20] =	stream.linear.scatter [tilespmem:s2], [sflag:$0x3], $0x1900, $0x38;
	[tilespmem:$0x1F720] =	vst v63  }
0x6d: {  	_ =	swait.ge [sflag:s0], $0x1900  }
0x6e: {  	[sflag:s0] =	ssyncset.done $0x0  }
0x6f: {  	[sflag:s0] =	ssyncadd.s32 $0xFFFFE700  }
0x70: {  	[spmem:s17] =	stream.linear.scatter [tilespmem:s7], [sflag:$0x3], $0x400, $0x38;
	[tilespmem:$0x1F720] =	vst v63  }
0x71: {  	_ =	swait.ge [sflag:s0], $0x400  }
0x72: {  	[sflag:s0] =	ssyncset.done $0x0  }
0x73: {  	s16 =	rddreg [dreg:$0x10];
	[sflag:s0] =	ssyncadd.s32 $0xFFFFFC00  }
0x74: {  	[spmem:s16] =	stream.linear.scatter [tilespmem:s7], [sflag:$0x3], $0x400, $0x38;
	[tilespmem:$0x1F720] =	vst v63  }
0x75: {  	_ =	swait.ge [sflag:s0], $0x400  }
0x76: {  	[sflag:s0] =	ssyncset.done $0x0  }
0x77: {  	s18 =	rddreg [dreg:$0x11];
	[sflag:s0] =	ssyncadd.s32 $0xFFFFFC00  }
0x78: {  	[spmem:s18] =	stream.linear.scatter [tilespmem:s7], [sflag:$0x3], $0x400, $0x38;
	[tilespmem:$0x1F720] =	vst v63  }
0x79: {  	_ =	swait.ge [sflag:s0], $0x400  }
0x7a: {  	[sflag:s0] =	ssyncset.done $0x0  }
0x7b: {  	s19 =	rddreg [dreg:$0x12];
	[sflag:s0] =	ssyncadd.s32 $0xFFFFFC00  }
0x7c: {  	[spmem:s19] =	stream.linear.scatter [tilespmem:s7], [sflag:$0x3], $0x400, $0x38;
	[tilespmem:$0x1F720] =	vst v63  }
0x7d: {  	_ =	swait.ge [sflag:s0], $0x400  }
0x7e: {  	[sflag:s0] =	ssyncset.done $0x0  }
0x7f: {  	[sflag:s0] =	ssyncadd.s32 $0xFFFFFC00  }
0x80: {  	[spmem:s21] =	stream.linear.scatter [tilespmem:s7], [sflag:$0x3], $0x400, $0x38;
	[tilespmem:$0x1F720] =	vst v63  }
0x81: {  	_ =	swait.ge [sflag:s0], $0x400  }
0x82: {  	[sflag:s0] =	ssyncset.done $0x0  }
0x83: {  	[sflag:s0] =	ssyncadd.s32 $0xFFFFFC00  }
0x84: {  	[spmem:s22] =	stream.linear.scatter [tilespmem:s7], [sflag:$0x3], $0x400, $0x38;
	[tilespmem:$0x1F720] =	vst v63  }
0x85: {  	_ =	swait.ge [sflag:s0], $0x400  }
0x86: {  	[sflag:s0] =	ssyncset.done $0x0  }
0x87: {  	[sflag:s0] =	ssyncadd.s32 $0xFFFFFC00  }
0x88: {  	[spmem:s23] =	stream.linear.scatter [tilespmem:s7], [sflag:$0x3], $0x400, $0x38;
	[tilespmem:$0x1F720] =	vst v63  }
0x89: {  	_ =	swait.ge [sflag:s0], $0x400  }
0x8a: {  	[sflag:s0] =	ssyncset.done $0x0  }
0x8b: {  	[sflag:s0] =	ssyncadd.s32 $0xFFFFFC00  }
0x8c: {  	[spmem:s24] =	stream.linear.scatter [tilespmem:s7], [sflag:$0x3], $0x400, $0x38;
	[tilespmem:$0x1F720] =	vst v63  }
0x8d: {  	_ =	swait.ge [sflag:s0], $0x400  }
0x8e: {  	[sflag:s0] =	ssyncset.done $0x0  }
0x8f: {  	[sflag:s0] =	ssyncadd.s32 $0xFFFFFC00  }
0x90: {  	[spmem:s25] =	stream.linear.scatter [tilespmem:s7], [sflag:$0x3], $0x400, $0x38;
	[tilespmem:$0x1F720] =	vst v63  }
0x91: {  	_ =	swait.ge [sflag:s0], $0x400  }
0x92: {  	[sflag:s0] =	ssyncset.done $0x0  }
0x93: {  	[sflag:s0] =	ssyncadd.s32 $0xFFFFFC00  }
0x94: {  	[spmem:s26] =	stream.linear.scatter [tilespmem:s7], [sflag:$0x3], $0x320, $0x38;
	[tilespmem:$0x1F720] =	vst v63  }
0x95: {  	_ =	swait.ge [sflag:s0], $0x320  }
0x96: {  	[sflag:s0] =	ssyncset.done $0x0  }
0x97: {  	s20 =	simm.s32 $0x0;
	[sflag:s0] =	ssyncadd.s32 $0xFFFFFCE0  }
0x98: {  	[tilespmem:s20], [sflag:$0x3] =	stream.linear.gather [hbm4b:s28+s20], $0x2710, $0x38;
	[tilespmem:$0x1F720] =	vst v63  }
0x99: {  	_ =	swait.ge [sflag:s0], $0x2710  }
0x9a: {  	[sflag:s0] =	ssyncset.done $0x0  }
0x9b: {  	s16 =	simm.s32 $0x2780;
	[sflag:s0] =	ssyncadd.s32 $0xFFFFD8F0  }
0x9c: {  	[tilespmem:s16], [sflag:$0x3] =	stream.linear.gather [hbm4b:s29+s20], $0x2710, $0x38;
	[tilespmem:$0x1F720] =	vst v63  }
0x9d: {  	_ =	swait.ge [sflag:s0], $0x2710  }
0x9e: {  	[sflag:s0] =	ssyncset.done $0x0  }
0x9f: {  	[sflag:s0] =	ssyncadd.s32 $0xFFFFD8F0  }
0xa0: {  	[bflag:$0x0] =	sbarrier.arrive $0xFFFF  }
0xa1: {  	[tilespmem:s2], [sflag:$0x1] =	stream.indirect.gather [hbm4b:s1+s8], $0x80, s20, s8, $0xb8;
	[tilespmem:$0x1F720] =	vst v63  }
0xa2: {  	s16 =	simm.s32 $0x40  }
0xa3: {  	[tilespmem:s9], [sflag:$0x2] =	stream.indirect.gather [hbm4b:s1+s8], $0x80, s16, s8, $0xb8;
	[tilespmem:$0x1F720] =	vst v63  }
0xa4: {  	_ =	swait.ge [sflag:s10], $0x2000  }
0xa5: {  	[sflag:s10] =	ssyncset.done $0x0  }
0xa6: {  	s18 =	simm.s32 $0x2780;
	[sflag:s10] =	ssyncadd.s32 $0xFFFFE000  }
0xa7: {  	[spmem:s3] =	stream.indirect.scatter.add.f32 [tilespmem:s2], [sflag:$0x3], $0x80, s18, s8, $0xb8;
	[tilespmem:$0x1F720] =	vst v63  }
0xa8: {  	_ =	swait.ge [sflag:s0], $0x2000  }
0xa9: {  	[sflag:s0] =	ssyncset.done $0x0  }
0xaa: {  	[sflag:s0] =	ssyncadd.s32 $0xFFFFE000  }
0xab: {  	[spmem:s4] =	stream.indirect.scatter.add.f32 [tilespmem:s11], [sflag:$0x3], $0x10, s18, s8, $0xb8;
	[tilespmem:$0x1F720] =	vst v63  }
0xac: {  	_ =	swait.ge [sflag:s0], $0x400  }
0xad: {  	[sflag:s0] =	ssyncset.done $0x0  }
0xae: {  	s19 =	simm.s32 $0x80;
	[sflag:s0] =	ssyncadd.s32 $0xFFFFFC00  }
0xaf: {  	[tilespmem:s2], [sflag:$0x1] =	stream.indirect.gather [hbm4b:s1+s8], $0x80, s19, s8, $0xb8;
	[tilespmem:$0x1F720] =	vst v63  }
0xb0: {  	_ =	swait.ge [sflag:s12], $0x2000  }
0xb1: {  	[sflag:s12] =	ssyncset.done $0x0  }
0xb2: {  	s20 =	simm.s32 $0x27C0;
	[sflag:s12] =	ssyncadd.s32 $0xFFFFE000  }
0xb3: {  	[spmem:s3] =	stream.indirect.scatter.add.f32 [tilespmem:s9], [sflag:$0x3], $0x80, s20, s8, $0xb8;
	[tilespmem:$0x1F720] =	vst v63  }
0xb4: {  	_ =	swait.ge [sflag:s0], $0x2000  }
0xb5: {  	[sflag:s0] =	ssyncset.done $0x0  }
0xb6: {  	[sflag:s0] =	ssyncadd.s32 $0xFFFFE000  }
0xb7: {  	[spmem:s4] =	stream.indirect.scatter.add.f32 [tilespmem:s11], [sflag:$0x3], $0x10, s20, s8, $0xb8;
	[tilespmem:$0x1F720] =	vst v63  }
0xb8: {  	_ =	swait.ge [sflag:s0], $0x400  }
0xb9: {  	s15 =	simm.s32 $0x80;
	s16 =	simm.s32 $0x400;
	[sflag:s0] =	ssyncset.done $0x0  }
.LBB2_4:
0xba: {  	s18 =	sadd.s32 $0x40, s15  }
0xbb: {  	[sflag:s0] =	ssyncadd.s32 $0xFFFFFC00;
	s19 =	smov.u32 s16;
	s20 =	sadd.s32 $0x200, s16  }
0xbc: {  	[tilespmem:s9], [sflag:$0x2] =	stream.indirect.gather [hbm4b:s1+s8], $0x80, s18, s8, $0xb8;
	[tilespmem:$0x1F720] =	vst v63  }
0xbd: {  	p0 =	sne.s32 s16, $0x9A00;
	_ =	swait.ge [sflag:s10], $0x2000  }
0xbe: {  	[sflag:s10] =	ssyncset.done $0x0  }
0xbf: {  	s16 =	sadd.s32 $0x2780, s15;
	[sflag:s10] =	ssyncadd.s32 $0xFFFFE000  }
0xc0: {  	[spmem:s3] =	stream.indirect.scatter.add.f32 [tilespmem:s2], [sflag:$0x3], $0x80, s16, s8, $0xb8;
	[tilespmem:$0x1F720] =	vst v63  }
0xc1: {  	_ =	swait.ge [sflag:s0], $0x2000  }
0xc2: {  	[sflag:s0] =	ssyncset.done $0x0  }
0xc3: {  	[sflag:s0] =	ssyncadd.s32 $0xFFFFE000  }
0xc4: {  	[spmem:s4] =	stream.indirect.scatter.add.f32 [tilespmem:s11], [sflag:$0x3], $0x10, s16, s8, $0xb8;
	[tilespmem:$0x1F720] =	vst v63  }
0xc5: {  	_ =	swait.ge [sflag:s0], $0x400  }
0xc6: {  	[sflag:s0] =	ssyncset.done $0x0  }
0xc7: {  	s16 =	sadd.s32 $0x80, s15;
	[sflag:s0] =	ssyncadd.s32 $0xFFFFFC00  }
0xc8: {  	[tilespmem:s2], [sflag:$0x1] =	stream.indirect.gather [hbm4b:s1+s8], $0x80, s16, s8, $0xb8;
	[tilespmem:$0x1F720] =	vst v63  }
0xc9: {  	_ =	swait.ge [sflag:s12], $0x2000  }
0xca: {  	[sflag:s12] =	ssyncset.done $0x0  }
0xcb: {  	s15 =	sadd.s32 $0x27C0, s15;
	[sflag:s12] =	ssyncadd.s32 $0xFFFFE000  }
0xcc: {  	[spmem:s3] =	stream.indirect.scatter.add.f32 [tilespmem:s9], [sflag:$0x3], $0x80, s15, s8, $0xb8;
	[tilespmem:$0x1F720] =	vst v63  }
0xcd: {  	_ =	swait.ge [sflag:s0], $0x2000  }
.Ltmp1:
0xce: {  	[sflag:s0] =	ssyncset.done $0x0;
	(pc) =	sbr.rel @p0 .LBB2_4-.Ltmp1, $4  }
0xcf: {  	[sflag:s0] =	ssyncadd.s32 $0xFFFFE000  }
0xd0: {  	[spmem:s4] =	stream.indirect.scatter.add.f32 [tilespmem:s11], [sflag:$0x3], $0x10, s15, s8, $0xb8;
	[tilespmem:$0x1F720] =	vst v63  }
0xd1: {  	_ =	swait.ge [sflag:s0], $0x400  }
0xd2: {  	s16 =	smov.u32 s20;
	s15 =	sshra.s32 s19, $0x2;
	[sflag:s0] =	ssyncset.done $0x0  }
0xd3: {  	s16 =	sadd.s32 $0x40, s15;
	[sflag:s0] =	ssyncadd.s32 $0xFFFFFC00  }
0xd4: {  	[tilespmem:s9], [sflag:$0x2] =	stream.indirect.gather [hbm4b:s1+s8], $0x80, s16, s8, $0xb8;
	[tilespmem:$0x1F720] =	vst v63  }
0xd5: {  	_ =	swait.ge [sflag:s10], $0x2000  }
0xd6: {  	[sflag:s10] =	ssyncset.done $0x0  }
0xd7: {  	s18 =	sadd.s32 $0x2780, s15;
	[sflag:s10] =	ssyncadd.s32 $0xFFFFE000  }
0xd8: {  	[spmem:s3] =	stream.indirect.scatter.add.f32 [tilespmem:s2], [sflag:$0x3], $0x80, s18, s8, $0xb8;
	[tilespmem:$0x1F720] =	vst v63  }
0xd9: {  	_ =	swait.ge [sflag:s0], $0x2000  }
0xda: {  	[sflag:s0] =	ssyncset.done $0x0  }
0xdb: {  	[sflag:s0] =	ssyncadd.s32 $0xFFFFE000  }
0xdc: {  	[spmem:s4] =	stream.indirect.scatter.add.f32 [tilespmem:s11], [sflag:$0x3], $0x10, s18, s8, $0xb8;
	[tilespmem:$0x1F720] =	vst v63  }
0xdd: {  	_ =	swait.ge [sflag:s0], $0x400  }
0xde: {  	[sflag:s0] =	ssyncset.done $0x0  }
0xdf: {  	s19 =	sadd.s32 $0x80, s15;
	[sflag:s0] =	ssyncadd.s32 $0xFFFFFC00  }
0xe0: {  	[tilespmem:s2], [sflag:$0x1] =	stream.indirect.gather [hbm4b:s1+s8], $0x80, s19, s8, $0xb8;
	[tilespmem:$0x1F720] =	vst v63  }
0xe1: {  	_ =	swait.ge [sflag:s12], $0x2000  }
0xe2: {  	[sflag:s12] =	ssyncset.done $0x0  }
0xe3: {  	s20 =	sadd.s32 $0x27C0, s15;
	[sflag:s12] =	ssyncadd.s32 $0xFFFFE000  }
0xe4: {  	[spmem:s3] =	stream.indirect.scatter.add.f32 [tilespmem:s9], [sflag:$0x3], $0x80, s20, s8, $0xb8;
	[tilespmem:$0x1F720] =	vst v63  }
0xe5: {  	_ =	swait.ge [sflag:s0], $0x2000  }
0xe6: {  	[sflag:s0] =	ssyncset.done $0x0  }
0xe7: {  	[sflag:s0] =	ssyncadd.s32 $0xFFFFE000  }
0xe8: {  	[spmem:s4] =	stream.indirect.scatter.add.f32 [tilespmem:s11], [sflag:$0x3], $0x10, s20, s8, $0xb8;
	[tilespmem:$0x1F720] =	vst v63  }
0xe9: {  	_ =	swait.ge [sflag:s0], $0x400  }
0xea: {  	[sflag:s0] =	ssyncset.done $0x0  }
0xeb: {  	s16 =	simm.s32 $0x2740;
	[sflag:s0] =	ssyncadd.s32 $0xFFFFFC00  }
0xec: {  	[tilespmem:s9], [sflag:$0x2] =	stream.indirect.gather [hbm4b:s1+s8], $0x80, s16, s8, $0xb8;
	[tilespmem:$0x1F720] =	vst v63  }
0xed: {  	_ =	swait.ge [sflag:s10], $0x2000  }
0xee: {  	[sflag:s10] =	ssyncset.done $0x0  }
0xef: {  	[sflag:s10] =	ssyncadd.s32 $0xFFFFE000  }
0xf0: {  	[spmem:s3] =	stream.indirect.scatter.add.f32 [tilespmem:s2], [sflag:$0x3], $0x80, s13, s8, $0xb8;
	[tilespmem:$0x1F720] =	vst v63  }
0xf1: {  	_ =	swait.ge [sflag:s0], $0x2000  }
0xf2: {  	[sflag:s0] =	ssyncset.done $0x0  }
0xf3: {  	[sflag:s0] =	ssyncadd.s32 $0xFFFFE000  }
0xf4: {  	[spmem:s4] =	stream.indirect.scatter.add.f32 [tilespmem:s11], [sflag:$0x3], $0x10, s13, s8, $0xb8;
	[tilespmem:$0x1F720] =	vst v63  }
0xf5: {  	_ =	swait.ge [sflag:s0], $0x400  }
0xf6: {  	[sflag:s0] =	ssyncset.done $0x0  }
0xf7: {  	[sflag:s0] =	ssyncadd.s32 $0xFFFFFC00  }
0xf8: {  	_ =	swait.ge [sflag:s12], $0x2000  }
0xf9: {  	[sflag:s12] =	ssyncset.done $0x0  }
0xfa: {  	[sflag:s12] =	ssyncadd.s32 $0xFFFFE000  }
0xfb: {  	[spmem:s3] =	stream.indirect.scatter.add.f32 [tilespmem:s9], [sflag:$0x3], $0x80, s14, s8, $0xb8;
	[tilespmem:$0x1F720] =	vst v63  }
0xfc: {  	_ =	swait.ge [sflag:s0], $0x2000  }
0xfd: {  	[sflag:s0] =	ssyncset.done $0x0  }
0xfe: {  	[sflag:s0] =	ssyncadd.s32 $0xFFFFE000  }
0xff: {  	[spmem:s4] =	stream.indirect.scatter.add.f32 [tilespmem:s11], [sflag:$0x3], $0x10, s14, s8, $0xb8;
	[tilespmem:$0x1F720] =	vst v63  }
0x100: {  	_ =	swait.ge [sflag:s0], $0x400  }
0x101: {  	s18 =	stileid.u32;
	[sflag:s0] =	ssyncset.done $0x0  }
0x102: {  	s15 =	sshll.u32 s18, $0x6;
	[sflag:s0] =	ssyncadd.s32 $0xFFFFFC00  }
0x103: {  	s15 =	sor.u32 $0x1C03, s15;
	s19 =	sshrl.u32 s6, $0x3;
	[bflag:$0x0] =	sbarrier.arrive $0xFFFF  }
0x104: {  	[hbm:s30], [sflag:s15] =	dma.local [spmem:s19], $0x2720  }
0x105: {  	s5 =	sadd.s32 $0x1, s5;
	_ =	swait.ge [sflag:s0], $0x2720  }
0x106: {  	p0 =	sne.s32 s5, s31;
	s20 =	sshrl.u32 s17, $0x3;
	[sflag:s0] =	ssyncset.done $0x0  }
.Ltmp2:
0x107: {  	s18 =	rddreg [dreg:$0xc];
	[sflag:s0] =	ssyncadd.s32 $0xFFFFD8E0;
	(pc) =	sbr.rel @p0 .LBB2_1-.Ltmp2, $4  }
0x108: {  	[hbm:s18], [sflag:s15] =	dma.local [spmem:s20], $0x4E4  }
0x109: {  	_ =	swait.ge [sflag:s0], $0x4E4  }
0x10a: {  	[sflag:s0] =	ssyncset.done $0x0  }
0x10b: {  	[sflag:s0] =	ssyncadd.s32 $0xFFFFFB1C  }
0x10c: {  	_ =	sfence.sel $0x180000  }
0x10d: {  	[bflag:$0x0] =	sbarrier.arrive $0xFFFF  }
0x10e: {  	_ =	strace $0x90000047  }
0x10f: {  	s0 =	stileid.u32;
	[bflag:$0x2] =	sbarrier.arrive $0xFFFF  }
0x110: {  	p0 =	sne.s32 s0, $0x0;
	s0 =	rddreg [dreg:$0x5]  }
0x111: {  	s0 =	sadd.s32 @!p0 $0x100000, s0  }
0x112: {  	[sflag:s0] =	ssyncadd.tile.s32 @!p0 $0x1;
	_ =	shalt  }
.Lfunc_end2:
_tile_overlayer_lowered:
.L_overlay_start_2:
0x113: {  	(tag) =	ssettag $0x2  }
0x114: {  	s0 =	rddreg [dreg:$0x0];
	s2 =	stileid.u32  }
0x115: {  	s1 =	rddreg [dreg:$0x1];
	p0 =	sne.s32 s2, $0x0  }
0x116: {  	s3 =	rddreg [dreg:$0x2];
	[bflag:$0x3] =	sbarrier.arrive $0xFFFF;
	s2 =	simm.s32 @!p0 $0x1C03  }
0x117: {  	[timem:s3], [sflag:s2] =	dma.local @!p0 [hbm:s0], s1  }
0x118: {  	s0 =	simm.s32 @!p0 $0x3  }
0x119: {  	_ =	swait.ge @!p0 [sflag:s0], s1  }
0x11a: {  	s1 =	ssub.s32 @!p0 $0x0, s1;
	[sflag:s0] =	ssyncset.done @!p0 $0x0  }
0x11b: {  	[sflag:s0] =	ssyncadd.s32 @!p0 s1  }
0x11c: {  	[bflag:$0x3] =	sbarrier.arrive $0xFFFF  }
0x11d: {  	_ =	shalt  }

</sc_bundles>
